<compile_context>
chip_gen: v7x
topology: tpu7x:2x2x1
jax: 0.10.2.dev20260603
libtpu: 0.0.44.dev20260713+nightly
codegen_flags: <defaults>
</compile_context>

<pallas_src>
import jax
import jax.numpy as jnp
from jax import lax
from jax.experimental import pallas as pl
from jax.experimental.pallas import tpu as pltpu
from jax.experimental.pallas import tpu_sc as plsc

N = 10000
E = 320000
D = 128
H = 512
C = 40

NC = 2
NS = 16
NW = NC * NS
L = 16

NP = 10240
NODES_PER_TILE = NP // NS
NODES_PER_WORKER = NP // NW
NVEC = NODES_PER_TILE // L

CHUNK = 128
AGG_CHUNKS = 80
EDGES_PER_WORKER = AGG_CHUNKS * CHUNK
EP = EDGES_PER_WORKER * NW
ECH = EP // CHUNK
DEG_CHUNKS = ECH // NS

BLK = 16
NBLOCKS = AGG_CHUNKS // BLK
XROWS = 64
CPAD = 128


def _rsqrt16(d):
  i = plsc.bitcast(d, jnp.int32)
  y = plsc.bitcast(jnp.int32(0x5F3759DF) - (i >> 1), jnp.float32)
  for _ in range(3):
    y = y * (jnp.float32(1.5) - jnp.float32(0.5) * d * y * y)
  return y


def _deg_body(x_hbm, col_hbm, ew_hbm, deg_hbm, xs_hbm,
              degp_sh, deg_sh,
              dega_v, colD_v, ewD_v, tmp_v, degslice_v, diss_v, xbuf_v):
  cid = lax.axis_index("c")
  sid = lax.axis_index("s")
  wid = cid * NS + sid
  zero16 = jnp.zeros((L,), jnp.float32)

  @pl.loop(0, NP // L)
  def _(i):
    dega_v[pl.ds(i * L, L)] = zero16

  pltpu.sync_copy(col_hbm.at[pl.ds(sid * DEG_CHUNKS, DEG_CHUNKS)], colD_v)
  pltpu.sync_copy(ew_hbm.at[pl.ds(sid * DEG_CHUNKS, DEG_CHUNKS)], ewD_v)

  @pl.loop(0, DEG_CHUNKS)
  def _(c):
    for g in range(CHUNK // L):
      idx = colD_v[c, pl.ds(g * L, L)]
      w = ewD_v[c, pl.ds(g * L, L)]
      plsc.addupdate_scatter(dega_v, [idx], w)

  pltpu.sync_copy(dega_v, degp_sh.at[sid])
  plsc.subcore_barrier()

  nbase = sid * NODES_PER_TILE
  for j in range(NS):
    pltpu.sync_copy(degp_sh.at[j, pl.ds(nbase, NODES_PER_TILE)], tmp_v.at[j])

  @pl.loop(0, NVEC)
  def _(g):
    acc = jnp.full((L,), 1.0, jnp.float32)
    for j in range(NS):
      acc = acc + tmp_v[j, pl.ds(g * L, L)]
    degslice_v[pl.ds(g * L, L)] = acc

  pltpu.sync_copy(degslice_v, deg_sh.at[pl.ds(nbase, NODES_PER_TILE)])

  @pl.when(cid == 0)
  def _():
    pltpu.sync_copy(degslice_v, deg_hbm.at[pl.ds(nbase, NODES_PER_TILE)])

  plsc.subcore_barrier()

  rbase = wid * NODES_PER_WORKER
  pltpu.sync_copy(deg_sh.at[pl.ds(rbase, NODES_PER_WORKER)], diss_v)

  @pl.loop(0, NODES_PER_WORKER // L)
  def _(i):
    diss_v[pl.ds(i * L, L)] = _rsqrt16(diss_v[pl.ds(i * L, L)])

  @pl.loop(0, NODES_PER_WORKER // XROWS)
  def _(b):
    pltpu.sync_copy(x_hbm.at[pl.ds(rbase + b * XROWS, XROWS)], xbuf_v)

    @pl.loop(0, XROWS // L)
    def _(q):
      dv = diss_v[pl.ds(b * XROWS + q * L, L)]
      for lane in range(L):
        r = q * L + lane
        s = dv[lane]
        for g in range(D // L):
          xbuf_v[r, pl.ds(g * L, L)] = xbuf_v[r, pl.ds(g * L, L)] * s

    pltpu.sync_copy(xbuf_v, xs_hbm.at[pl.ds(rbase + b * XROWS, XROWS)])


@jax.jit
def _sc_degree(x_pad, col2d, ew2d):
  mesh = plsc.VectorSubcoreMesh(core_axis_name="c", subcore_axis_name="s")
  k = pl.kernel(
      _deg_body,
      out_type=(
          jax.ShapeDtypeStruct((NP,), jnp.float32),
          jax.ShapeDtypeStruct((NP, D), jnp.float32),
      ),
      mesh=mesh,
      compiler_params=pltpu.CompilerParams(needs_layout_passes=False),
      scratch_types=[
          pltpu.VMEM_SHARED((NS, NP), jnp.float32),
          pltpu.VMEM_SHARED((NP,), jnp.float32),
          pltpu.VMEM((NP,), jnp.float32),
          pltpu.VMEM((DEG_CHUNKS, CHUNK), jnp.int32),
          pltpu.VMEM((DEG_CHUNKS, CHUNK), jnp.float32),
          pltpu.VMEM((NS, NODES_PER_TILE), jnp.float32),
          pltpu.VMEM((NODES_PER_TILE,), jnp.float32),
          pltpu.VMEM((NODES_PER_WORKER,), jnp.float32),
          pltpu.VMEM((XROWS, D), jnp.float32),
      ],
  )
  return k(x_pad, col2d, ew2d)


def _agg_body(xs_hbm, row_hbm, col_hbm, ew_hbm, part_hbm,
              agg_sh, rowB_v, colB_v, ewB_v, rows2_v,
              gsem0, gsem1, ssem0, ssem1):
  cid = lax.axis_index("c")
  sid = lax.axis_index("s")
  wid = cid * NS + sid
  zero16 = jnp.zeros((L,), jnp.float32)

  @pl.loop(0, CHUNK)
  def _(r):
    for g in range(D // L):
      rows2_v[0, r, pl.ds(g * L, L)] = zero16

  for k in range(NODES_PER_TILE // CHUNK):
    pltpu.sync_copy(rows2_v.at[0],
                    agg_sh.at[pl.ds(sid * NODES_PER_TILE + k * CHUNK, CHUNK)])

  plsc.subcore_barrier()

  def scale(b, c):
    @pl.loop(0, CHUNK // L)
    def _(q):
      nv = ewB_v[c, pl.ds(q * L, L)]
      for lane in range(L):
        j = q * L + lane
        s = nv[lane]
        for g in range(D // L):
          rows2_v[b, j, pl.ds(g * L, L)] = rows2_v[b, j, pl.ds(g * L, L)] * s

  @pl.loop(0, NBLOCKS)
  def _(blk):
    cb = wid * AGG_CHUNKS + blk * BLK
    pltpu.sync_copy(row_hbm.at[pl.ds(cb, BLK)], rowB_v)
    pltpu.sync_copy(col_hbm.at[pl.ds(cb, BLK)], colB_v)
    pltpu.sync_copy(ew_hbm.at[pl.ds(cb, BLK)], ewB_v)

    pltpu.async_copy(xs_hbm.at[rowB_v.at[0]], rows2_v.at[0], gsem0)
    pltpu.async_copy(xs_hbm.at[rowB_v.at[1]], rows2_v.at[1], gsem1)

    @pl.loop(0, BLK // 2)
    def _(p):
      c0 = 2 * p
      c1 = 2 * p + 1
      pltpu.make_async_copy(xs_hbm.at[rowB_v.at[c0]], rows2_v.at[0],
                            gsem0).wait()
      scale(0, c0)
      s0 = pltpu.async_copy(rows2_v.at[0], agg_sh.at[colB_v.at[c0]], ssem0,
                            add=True)
      pltpu.make_async_copy(xs_hbm.at[rowB_v.at[c1]], rows2_v.at[1],
                            gsem1).wait()
      scale(1, c1)
      s1 = pltpu.async_copy(rows2_v.at[1], agg_sh.at[colB_v.at[c1]], ssem1,
                            add=True)
      c2 = jnp.minimum(c0 + 2, BLK - 1)
      c3 = jnp.minimum(c1 + 2, BLK - 1)
      s0.wait()

      @pl.when(p < BLK // 2 - 1)
      def _():
        pltpu.async_copy(xs_hbm.at[rowB_v.at[c2]], rows2_v.at[0], gsem0)

      s1.wait()

      @pl.when(p < BLK // 2 - 1)
      def _():
        pltpu.async_copy(xs_hbm.at[rowB_v.at[c3]], rows2_v.at[1], gsem1)

  plsc.subcore_barrier()

  nbase = sid * NODES_PER_TILE
  pltpu.sync_copy(agg_sh.at[pl.ds(nbase, NODES_PER_TILE)],
                  part_hbm.at[cid, pl.ds(nbase, NODES_PER_TILE)])


@jax.jit
def _sc_scatter(xs, row2d, col2d, ew2d):
  mesh = plsc.VectorSubcoreMesh(core_axis_name="c", subcore_axis_name="s")
  k = pl.kernel(
      _agg_body,
      out_type=jax.ShapeDtypeStruct((NC, NP, D), jnp.float32),
      mesh=mesh,
      compiler_params=pltpu.CompilerParams(needs_layout_passes=False),
      scratch_types=[
          pltpu.VMEM_SHARED((NP, D), jnp.float32),
          pltpu.VMEM((BLK, CHUNK), jnp.int32),
          pltpu.VMEM((BLK, CHUNK), jnp.int32),
          pltpu.VMEM((BLK, CHUNK), jnp.float32),
          pltpu.VMEM((2, CHUNK, D), jnp.float32),
          pltpu.SemaphoreType.DMA,
          pltpu.SemaphoreType.DMA,
          pltpu.SemaphoreType.DMA,
          pltpu.SemaphoreType.DMA,
      ],
  )
  return k(xs, row2d, col2d, ew2d)


def _tc_body(part_ref, x_ref, deg_ref, wc_ref, bc_ref, w1_ref, b1_ref,
             w2_ref, b2_ref, out_ref):
  deg = deg_ref[...]
  dis = lax.rsqrt(deg)
  agg = (part_ref[0] + part_ref[1]) * dis + x_ref[...] * (1.0 / deg)
  h = jnp.dot(agg.astype(jnp.bfloat16), wc_ref[...],
              preferred_element_type=jnp.float32)
  h = jnp.maximum(h + bc_ref[...], 0.0)
  h = jnp.dot(h.astype(jnp.bfloat16), w1_ref[...],
              preferred_element_type=jnp.float32)
  h = jnp.maximum(h + b1_ref[...], 0.0)
  logits = jnp.dot(h.astype(jnp.bfloat16), w2_ref[...],
                   preferred_element_type=jnp.float32)
  logits = logits + b2_ref[...]
  valid = lax.broadcasted_iota(jnp.int32, logits.shape, 1) < C
  masked = jnp.where(valid, logits, -jnp.inf)
  m = jnp.max(masked, axis=1, keepdims=True)
  s = jnp.sum(jnp.where(valid, jnp.exp(logits - m), 0.0), axis=1,
              keepdims=True)
  out_ref[...] = logits - m - jnp.log(s)


@jax.jit
def _tc_head(part, x_pad, deg2, W_conv, b_conv2, W_fc1, b_fc12, W_fc2p,
             b_fc2p2):
  BN = 256
  grid = (NP // BN,)
  return pl.pallas_call(
      _tc_body,
      grid=grid,
      in_specs=[
          pl.BlockSpec((NC, BN, D), lambda i: (0, i, 0)),
          pl.BlockSpec((BN, D), lambda i: (i, 0)),
          pl.BlockSpec((BN, 1), lambda i: (i, 0)),
          pl.BlockSpec((D, H), lambda i: (0, 0)),
          pl.BlockSpec((1, H), lambda i: (0, 0)),
          pl.BlockSpec((H, H), lambda i: (0, 0)),
          pl.BlockSpec((1, H), lambda i: (0, 0)),
          pl.BlockSpec((H, CPAD), lambda i: (0, 0)),
          pl.BlockSpec((1, CPAD), lambda i: (0, 0)),
      ],
      out_specs=pl.BlockSpec((BN, CPAD), lambda i: (i, 0)),
      out_shape=jax.ShapeDtypeStruct((NP, CPAD), jnp.float32),
  )(part, x_pad, deg2, W_conv, b_conv2, W_fc1, b_fc12, W_fc2p, b_fc2p2)


def kernel(x, edge_index, edge_attr, W_conv, b_conv, W_fc1, b_fc1, W_fc2,
           b_fc2):
  pad_spread = (jnp.arange(EP - E, dtype=jnp.int32) % (NP - N)) + N
  row = jnp.concatenate([edge_index[0], pad_spread]).reshape(ECH, CHUNK)
  col = jnp.concatenate([edge_index[1], pad_spread]).reshape(ECH, CHUNK)
  ew = jnp.pad(jnp.squeeze(edge_attr, -1), (0, EP - E)).reshape(ECH, CHUNK)
  x_pad = jnp.pad(x, ((0, NP - N), (0, 0)))

  deg, xs = _sc_degree(x_pad, col, ew)
  part = _sc_scatter(xs, row, col, ew)

  W_fc2p = jnp.pad(W_fc2, ((0, 0), (0, CPAD - C)))
  b_fc2p = jnp.pad(b_fc2, (0, CPAD - C))
  out = _tc_head(part, x_pad, deg.reshape(NP, 1),
                 W_conv.astype(jnp.bfloat16), b_conv.reshape(1, H),
                 W_fc1.astype(jnp.bfloat16), b_fc1.reshape(1, H),
                 W_fc2p.astype(jnp.bfloat16), b_fc2p.reshape(1, CPAD))
  return out[:N, :C]

# --- scband reference (transcript-rebuilt; emitter-appended) ---
"""Pipeline reference for scband-gcnnet-1conv-88553635709223 (READ-ONLY COPY).

The authoritative reference and input builder live on the scoring server;
editing this copy changes nothing except your own understanding.
"""

import jax, jax.numpy as jnp
import numpy as np

N = 10000
E = 320000
D = 128
H = 512  # out_channels*4 = max(128, 128)*4
C = 40


def setup_inputs(seed: int = 0) -> dict:
    key = jax.random.key(seed)
    ks = jax.random.split(key, 10)
    x = jax.random.normal(ks[0], (N, D), dtype=jnp.float32)
    edge_index = jax.random.randint(ks[1], (2, E), 0, N, dtype=jnp.int32)
    edge_attr = jax.random.uniform(ks[2], (E, 1), dtype=jnp.float32)
    W_conv = jax.random.normal(ks[3], (D, H), dtype=jnp.float32) * 0.05
    b_conv = jnp.zeros((H,), dtype=jnp.float32)
    W_fc1 = jax.random.normal(ks[4], (H, H), dtype=jnp.float32) * 0.05
    b_fc1 = jnp.zeros((H,), dtype=jnp.float32)
    W_fc2 = jax.random.normal(ks[5], (H, C), dtype=jnp.float32) * 0.05
    b_fc2 = jnp.zeros((C,), dtype=jnp.float32)
    return {"x": x, "edge_index": edge_index, "edge_attr": edge_attr,
            "W_conv": W_conv, "b_conv": b_conv,
            "W_fc1": W_fc1, "b_fc1": b_fc1,
            "W_fc2": W_fc2, "b_fc2": b_fc2}


def _gcn_conv(x, edge_index, edge_weight, W, b):
    n = x.shape[0]
    # add self-loops with weight 1.0 (PyG GCNConv default, add_self_loops=True)
    loop = jnp.arange(n, dtype=edge_index.dtype)
    row = jnp.concatenate([edge_index[0], loop])
    col = jnp.concatenate([edge_index[1], loop])
    ew = jnp.concatenate([edge_weight, jnp.ones((n,), dtype=edge_weight.dtype)])
    # symmetric gcn normalization: deg computed on dst (col)
    deg = jax.ops.segment_sum(ew, col, num_segments=n)
    deg_inv_sqrt = jnp.where(deg > 0, deg ** -0.5, 0.0)
    norm = deg_inv_sqrt[row] * ew * deg_inv_sqrt[col]
    # linear transform (bias added after aggregation)
    h = x @ W
    # message = norm * x_j ; aggregate (scatter-add) at dst
    msg = h[row] * norm[:, None]
    out = jax.ops.segment_sum(msg, col, num_segments=n)
    return out + b


def reference(x, edge_index, edge_attr, W_conv, b_conv, W_fc1, b_fc1, W_fc2, b_fc2):
    ew = jnp.squeeze(edge_attr)
    h = jax.nn.relu(_gcn_conv(x, edge_index, ew, W_conv, b_conv))
    h = jax.nn.relu(h @ W_fc1 + b_fc1)
    out = h @ W_fc2 + b_fc2
    return jax.nn.log_softmax(out, axis=1)

if __name__ == "__main__":
    import jax
    _d = setup_inputs()
    print(jax.jit(kernel)(*tuple(_d.values())))

</pallas_src>

<mosaic_0001>
#map = affine_map<(d0, d1) -> (0, 0)>
#map1 = affine_map<(d0, d1) -> (0)>
module attributes {stable_mosaic.version = 14 : i64} {
  func.func @_deg_body(%arg0: i32, %arg1: i32, %arg2: memref<10240x128xf32, #tpu.memory_space<hbm>>, %arg3: memref<2560x128xi32, #tpu.memory_space<hbm>>, %arg4: memref<2560x128xf32, #tpu.memory_space<hbm>>, %arg5: memref<10240xf32, #tpu.memory_space<hbm>>, %arg6: memref<10240x128xf32, #tpu.memory_space<hbm>>, %arg7: memref<16x10240xf32, #tpu.memory_space<vmem_shared>>, %arg8: memref<10240xf32, #tpu.memory_space<vmem_shared>>, %arg9: memref<10240xf32, #tpu.memory_space<vmem>>, %arg10: memref<160x128xi32, #tpu.memory_space<vmem>>, %arg11: memref<160x128xf32, #tpu.memory_space<vmem>>, %arg12: memref<16x640xf32, #tpu.memory_space<vmem>>, %arg13: memref<640xf32, #tpu.memory_space<vmem>>, %arg14: memref<320xf32, #tpu.memory_space<vmem>>, %arg15: memref<64x128xf32, #tpu.memory_space<vmem>>) attributes {dimension_semantics = [#tpu.dimension_semantics<core_parallel>, #tpu.dimension_semantics<subcore_parallel>], iteration_bounds = array<i64: 2, 16>, scalar_prefetch = 0 : i64, scratch_operands = 9 : i64, tpu.core_type = #tpu.core_type<sc_vector_subcore>, window_params = [{transform_indices = #map}, {transform_indices = #map}, {transform_indices = #map}, {transform_indices = #map1}, {transform_indices = #map}]} {
    %mul3A = arith.constant 16 : i32
    %mul3A_0 = arith.muli %arg0, %mul3A : i32
    %add3A = arith.addi %mul3A_0, %arg1 : i32
    %broadcast_in_dim3A = arith.constant 0.000000e+00 : f32
    %broadcast_in_dim3A_1 = vector.broadcast %broadcast_in_dim3A : f32 to vector<16xf32>
    %scan3A = arith.constant 0 : i32
    %scan3A_2 = arith.constant 640 : i32
    %scan3A_3 = arith.addi %scan3A, %scan3A_2 : i32
    %scan3A_4 = arith.constant 1 : i32
    scf.for %scan3A_68 = %scan3A to %scan3A_3 step %scan3A_4  : i32 {
      %mul3A_69 = arith.constant 1 : i32
      %mul3A_70 = arith.muli %scan3A_68, %mul3A_69 : i32
      %add3A_71 = arith.constant 0 : i32
      %add3A_72 = arith.addi %add3A_71, %mul3A_70 : i32
      %mul3A_73 = arith.constant 16 : i32
      %mul3A_74 = arith.muli %add3A_72, %mul3A_73 : i32
      %swap3A = arith.index_cast %mul3A_74 : i32 to index
      %swap3A_75 = tpu.vector_load %arg9[%swap3A] {strides = array<i32>} : memref<10240xf32, #tpu.memory_space<vmem>>, vector<16xf32>,
      tpu.vector_store %arg9[%swap3A], %broadcast_in_dim3A_1 {strides = array<i32>} : memref<10240xf32, #tpu.memory_space<vmem>>, vector<16xf32>,
    }
    %scan3A_5 = arith.constant 640 : i32
    %mul3A_6 = arith.constant 160 : i32
    %mul3A_7 = arith.muli %arg1, %mul3A_6 : i32
    "tpu.region"() ({
      %run_scoped3A_68 = tpu.sem_alloc : memref<!tpu.dma_semaphore, #tpu.memory_space<semaphore_mem>>
      %dma_start3A = arith.constant 0 : i32
      %dma_start3A_69 = tpu.memref_slice %arg3[%mul3A_7, %dma_start3A] : memref<2560x128xi32, #tpu.memory_space<hbm>> -> memref<160x128xi32, #tpu.memory_space<hbm>>
      %dma_start3A_70 = arith.constant 0 : i32
      %dma_start3A_71 = tpu.memref_slice %arg3[%mul3A_7, %dma_start3A_70] : memref<2560x128xi32, #tpu.memory_space<hbm>> -> memref<160x128xi32, #tpu.memory_space<hbm>>
      tpu.enqueue_dma source(%dma_start3A_71 : memref<160x128xi32, #tpu.memory_space<hbm>>) target(%arg10 : memref<160x128xi32, #tpu.memory_space<vmem>>) target_semaphore(%run_scoped3A_68 : memref<!tpu.dma_semaphore, #tpu.memory_space<semaphore_mem>>)
      %dma_wait3A = arith.constant 0 : i32
      %dma_wait3A_72 = tpu.memref_slice %arg3[%mul3A_7, %dma_wait3A] : memref<2560x128xi32, #tpu.memory_space<hbm>> -> memref<160x128xi32, #tpu.memory_space<hbm>>
      %dma_wait3A_73 = arith.constant 0 : i32
      %dma_wait3A_74 = tpu.memref_slice %arg3[%mul3A_7, %dma_wait3A_73] : memref<2560x128xi32, #tpu.memory_space<hbm>> -> memref<160x128xi32, #tpu.memory_space<hbm>>
      tpu.wait_dma2 semaphore(%run_scoped3A_68 : memref<!tpu.dma_semaphore, #tpu.memory_space<semaphore_mem>>) src(%dma_wait3A_74 : memref<160x128xi32, #tpu.memory_space<hbm>>) dst(%arg10 : memref<160x128xi32, #tpu.memory_space<vmem>>)
      tpu.yield
    }) : () -> ()
    %mul3A_8 = arith.constant 160 : i32
    %mul3A_9 = arith.muli %arg1, %mul3A_8 : i32
    "tpu.region"() ({
      %run_scoped3A_68 = tpu.sem_alloc : memref<!tpu.dma_semaphore, #tpu.memory_space<semaphore_mem>>
      %dma_start3A = arith.constant 0 : i32
      %dma_start3A_69 = tpu.memref_slice %arg4[%mul3A_9, %dma_start3A] : memref<2560x128xf32, #tpu.memory_space<hbm>> -> memref<160x128xf32, #tpu.memory_space<hbm>>
      %dma_start3A_70 = arith.constant 0 : i32
      %dma_start3A_71 = tpu.memref_slice %arg4[%mul3A_9, %dma_start3A_70] : memref<2560x128xf32, #tpu.memory_space<hbm>> -> memref<160x128xf32, #tpu.memory_space<hbm>>
      tpu.enqueue_dma source(%dma_start3A_71 : memref<160x128xf32, #tpu.memory_space<hbm>>) target(%arg11 : memref<160x128xf32, #tpu.memory_space<vmem>>) target_semaphore(%run_scoped3A_68 : memref<!tpu.dma_semaphore, #tpu.memory_space<semaphore_mem>>)
      %dma_wait3A = arith.constant 0 : i32
      %dma_wait3A_72 = tpu.memref_slice %arg4[%mul3A_9, %dma_wait3A] : memref<2560x128xf32, #tpu.memory_space<hbm>> -> memref<160x128xf32, #tpu.memory_space<hbm>>
      %dma_wait3A_73 = arith.constant 0 : i32
      %dma_wait3A_74 = tpu.memref_slice %arg4[%mul3A_9, %dma_wait3A_73] : memref<2560x128xf32, #tpu.memory_space<hbm>> -> memref<160x128xf32, #tpu.memory_space<hbm>>
      tpu.wait_dma2 semaphore(%run_scoped3A_68 : memref<!tpu.dma_semaphore, #tpu.memory_space<semaphore_mem>>) src(%dma_wait3A_74 : memref<160x128xf32, #tpu.memory_space<hbm>>) dst(%arg11 : memref<160x128xf32, #tpu.memory_space<vmem>>)
      tpu.yield
    }) : () -> ()
    %scan3A_10 = arith.constant 0 : i32
    %scan3A_11 = arith.constant 160 : i32
    %scan3A_12 = arith.addi %scan3A_10, %scan3A_11 : i32
    %scan3A_13 = arith.constant 1 : i32
    scf.for %scan3A_68 = %scan3A_10 to %scan3A_12 step %scan3A_13  : i32 {
      %mul3A_69 = arith.constant 1 : i32
      %mul3A_70 = arith.muli %scan3A_68, %mul3A_69 : i32
      %add3A_71 = arith.constant 0 : i32
      %add3A_72 = arith.addi %add3A_71, %mul3A_70 : i32
      %get3A = arith.index_cast %add3A_72 : i32 to index
      %get3A_73 = arith.constant 0 : index
      %get3A_74 = tpu.vector_load %arg10[%get3A, %get3A_73] {strides = array<i32>} : memref<160x128xi32, #tpu.memory_space<vmem>>, vector<16xi32>,
      %get3A_75 = arith.index_cast %add3A_72 : i32 to index
      %get3A_76 = arith.constant 0 : index
      %get3A_77 = tpu.vector_load %arg11[%get3A_75, %get3A_76] {strides = array<i32>} : memref<160x128xf32, #tpu.memory_space<vmem>>, vector<16xf32>,
      tpu.vector_store_idx %arg9[%get3A_74], %get3A_77 {add = true} : memref<10240xf32, #tpu.memory_space<vmem>>[vector<16xi32>], vector<16xf32>,
      %get3A_78 = arith.index_cast %add3A_72 : i32 to index
      %get3A_79 = arith.constant 16 : index
      %get3A_80 = tpu.vector_load %arg10[%get3A_78, %get3A_79] {strides = array<i32>} : memref<160x128xi32, #tpu.memory_space<vmem>>, vector<16xi32>,
      %get3A_81 = arith.index_cast %add3A_72 : i32 to index
      %get3A_82 = arith.constant 16 : index
      %get3A_83 = tpu.vector_load %arg11[%get3A_81, %get3A_82] {strides = array<i32>} : memref<160x128xf32, #tpu.memory_space<vmem>>, vector<16xf32>,
      tpu.vector_store_idx %arg9[%get3A_80], %get3A_83 {add = true} : memref<10240xf32, #tpu.memory_space<vmem>>[vector<16xi32>], vector<16xf32>,
      %get3A_84 = arith.index_cast %add3A_72 : i32 to index
      %get3A_85 = arith.constant 32 : index
      %get3A_86 = tpu.vector_load %arg10[%get3A_84, %get3A_85] {strides = array<i32>} : memref<160x128xi32, #tpu.memory_space<vmem>>, vector<16xi32>,
      %get3A_87 = arith.index_cast %add3A_72 : i32 to index
      %get3A_88 = arith.constant 32 : index
      %get3A_89 = tpu.vector_load %arg11[%get3A_87, %get3A_88] {strides = array<i32>} : memref<160x128xf32, #tpu.memory_space<vmem>>, vector<16xf32>,
      tpu.vector_store_idx %arg9[%get3A_86], %get3A_89 {add = true} : memref<10240xf32, #tpu.memory_space<vmem>>[vector<16xi32>], vector<16xf32>,
      %get3A_90 = arith.index_cast %add3A_72 : i32 to index
      %get3A_91 = arith.constant 48 : index
      %get3A_92 = tpu.vector_load %arg10[%get3A_90, %get3A_91] {strides = array<i32>} : memref<160x128xi32, #tpu.memory_space<vmem>>, vector<16xi32>,
      %get3A_93 = arith.index_cast %add3A_72 : i32 to index
      %get3A_94 = arith.constant 48 : index
      %get3A_95 = tpu.vector_load %arg11[%get3A_93, %get3A_94] {strides = array<i32>} : memref<160x128xf32, #tpu.memory_space<vmem>>, vector<16xf32>,
      tpu.vector_store_idx %arg9[%get3A_92], %get3A_95 {add = true} : memref<10240xf32, #tpu.memory_space<vmem>>[vector<16xi32>], vector<16xf32>,
      %get3A_96 = arith.index_cast %add3A_72 : i32 to index
      %get3A_97 = arith.constant 64 : index
      %get3A_98 = tpu.vector_load %arg10[%get3A_96, %get3A_97] {strides = array<i32>} : memref<160x128xi32, #tpu.memory_space<vmem>>, vector<16xi32>,
      %get3A_99 = arith.index_cast %add3A_72 : i32 to index
      %get3A_100 = arith.constant 64 : index
      %get3A_101 = tpu.vector_load %arg11[%get3A_99, %get3A_100] {strides = array<i32>} : memref<160x128xf32, #tpu.memory_space<vmem>>, vector<16xf32>,
      tpu.vector_store_idx %arg9[%get3A_98], %get3A_101 {add = true} : memref<10240xf32, #tpu.memory_space<vmem>>[vector<16xi32>], vector<16xf32>,
      %get3A_102 = arith.index_cast %add3A_72 : i32 to index
      %get3A_103 = arith.constant 80 : index
      %get3A_104 = tpu.vector_load %arg10[%get3A_102, %get3A_103] {strides = array<i32>} : memref<160x128xi32, #tpu.memory_space<vmem>>, vector<16xi32>,
      %get3A_105 = arith.index_cast %add3A_72 : i32 to index
      %get3A_106 = arith.constant 80 : index
      %get3A_107 = tpu.vector_load %arg11[%get3A_105, %get3A_106] {strides = array<i32>} : memref<160x128xf32, #tpu.memory_space<vmem>>, vector<16xf32>,
      tpu.vector_store_idx %arg9[%get3A_104], %get3A_107 {add = true} : memref<10240xf32, #tpu.memory_space<vmem>>[vector<16xi32>], vector<16xf32>,
      %get3A_108 = arith.index_cast %add3A_72 : i32 to index
      %get3A_109 = arith.constant 96 : index
      %get3A_110 = tpu.vector_load %arg10[%get3A_108, %get3A_109] {strides = array<i32>} : memref<160x128xi32, #tpu.memory_space<vmem>>, vector<16xi32>,
      %get3A_111 = arith.index_cast %add3A_72 : i32 to index
      %get3A_112 = arith.constant 96 : index
      %get3A_113 = tpu.vector_load %arg11[%get3A_111, %get3A_112] {strides = array<i32>} : memref<160x128xf32, #tpu.memory_space<vmem>>, vector<16xf32>,
      tpu.vector_store_idx %arg9[%get3A_110], %get3A_113 {add = true} : memref<10240xf32, #tpu.memory_space<vmem>>[vector<16xi32>], vector<16xf32>,
      %get3A_114 = arith.index_cast %add3A_72 : i32 to index
      %get3A_115 = arith.constant 112 : index
      %get3A_116 = tpu.vector_load %arg10[%get3A_114, %get3A_115] {strides = array<i32>} : memref<160x128xi32, #tpu.memory_space<vmem>>, vector<16xi32>,
      %get3A_117 = arith.index_cast %add3A_72 : i32 to index
      %get3A_118 = arith.constant 112 : index
      %get3A_119 = tpu.vector_load %arg11[%get3A_117, %get3A_118] {strides = array<i32>} : memref<160x128xf32, #tpu.memory_space<vmem>>, vector<16xf32>,
      tpu.vector_store_idx %arg9[%get3A_116], %get3A_119 {add = true} : memref<10240xf32, #tpu.memory_space<vmem>>[vector<16xi32>], vector<16xf32>,
    }
    %scan3A_14 = arith.constant 160 : i32
    "tpu.region"() ({
      %run_scoped3A_68 = tpu.sem_alloc : memref<!tpu.dma_semaphore, #tpu.memory_space<semaphore_mem>>
      %dma_start3A = arith.constant 0 : i32
      %dma_start3A_69 = tpu.memref_slice %arg7[%arg1, %dma_start3A] : memref<16x10240xf32, #tpu.memory_space<vmem_shared>> -> memref<1x10240xf32, #tpu.memory_space<vmem_shared>>
      %dma_start3A_70 = tpu.memref_squeeze %dma_start3A_69 : memref<1x10240xf32, #tpu.memory_space<vmem_shared>> -> memref<10240xf32, #tpu.memory_space<vmem_shared>>
      %dma_start3A_71 = arith.constant 0 : i32
      %dma_start3A_72 = tpu.memref_slice %arg7[%arg1, %dma_start3A_71] : memref<16x10240xf32, #tpu.memory_space<vmem_shared>> -> memref<1x10240xf32, #tpu.memory_space<vmem_shared>>
      %dma_start3A_73 = tpu.memref_squeeze %dma_start3A_72 : memref<1x10240xf32, #tpu.memory_space<vmem_shared>> -> memref<10240xf32, #tpu.memory_space<vmem_shared>>
      tpu.enqueue_dma source(%arg9 : memref<10240xf32, #tpu.memory_space<vmem>>) target(%dma_start3A_73 : memref<10240xf32, #tpu.memory_space<vmem_shared>>) target_semaphore(%run_scoped3A_68 : memref<!tpu.dma_semaphore, #tpu.memory_space<semaphore_mem>>)
      %dma_wait3A = arith.constant 0 : i32
      %dma_wait3A_74 = tpu.memref_slice %arg7[%arg1, %dma_wait3A] : memref<16x10240xf32, #tpu.memory_space<vmem_shared>> -> memref<1x10240xf32, #tpu.memory_space<vmem_shared>>
      %dma_wait3A_75 = tpu.memref_squeeze %dma_wait3A_74 : memref<1x10240xf32, #tpu.memory_space<vmem_shared>> -> memref<10240xf32, #tpu.memory_space<vmem_shared>>
      %dma_wait3A_76 = arith.constant 0 : i32
      %dma_wait3A_77 = tpu.memref_slice %arg7[%arg1, %dma_wait3A_76] : memref<16x10240xf32, #tpu.memory_space<vmem_shared>> -> memref<1x10240xf32, #tpu.memory_space<vmem_shared>>
      %dma_wait3A_78 = tpu.memref_squeeze %dma_wait3A_77 : memref<1x10240xf32, #tpu.memory_space<vmem_shared>> -> memref<10240xf32, #tpu.memory_space<vmem_shared>>
      tpu.wait_dma2 semaphore(%run_scoped3A_68 : memref<!tpu.dma_semaphore, #tpu.memory_space<semaphore_mem>>) src(%arg9 : memref<10240xf32, #tpu.memory_space<vmem>>) dst(%dma_wait3A_78 : memref<10240xf32, #tpu.memory_space<vmem_shared>>)
      tpu.yield
    }) : () -> ()
    %barrier3A = arith.constant 0 : index
    tpu.barrier barrier_id(%barrier3A)
    %mul3A_15 = arith.constant 640 : i32
    %mul3A_16 = arith.muli %arg1, %mul3A_15 : i32
    %run_scoped3A = arith.constant 0 : i32
    %run_scoped3A_17 = arith.constant 0 : i32
    "tpu.region"() ({
      %run_scoped3A_68 = tpu.sem_alloc : memref<!tpu.dma_semaphore, #tpu.memory_space<semaphore_mem>>
      %dma_start3A = arith.constant 0 : i32
      %dma_start3A_69 = tpu.memref_slice %arg12[%run_scoped3A_17, %dma_start3A] : memref<16x640xf32, #tpu.memory_space<vmem>> -> memref<1x640xf32, #tpu.memory_space<vmem>>
      %dma_start3A_70 = tpu.memref_squeeze %dma_start3A_69 : memref<1x640xf32, #tpu.memory_space<vmem>> -> memref<640xf32, #tpu.memory_space<vmem>>
      %dma_start3A_71 = tpu.memref_slice %arg7[%run_scoped3A, %mul3A_16] : memref<16x10240xf32, #tpu.memory_space<vmem_shared>> -> memref<1x640xf32, #tpu.memory_space<vmem_shared>>
      %dma_start3A_72 = tpu.memref_squeeze %dma_start3A_71 : memref<1x640xf32, #tpu.memory_space<vmem_shared>> -> memref<640xf32, #tpu.memory_space<vmem_shared>>
      %dma_start3A_73 = arith.constant 0 : i32
      %dma_start3A_74 = tpu.memref_slice %arg12[%run_scoped3A_17, %dma_start3A_73] : memref<16x640xf32, #tpu.memory_space<vmem>> -> memref<1x640xf32, #tpu.memory_space<vmem>>
      %dma_start3A_75 = tpu.memref_squeeze %dma_start3A_74 : memref<1x640xf32, #tpu.memory_space<vmem>> -> memref<640xf32, #tpu.memory_space<vmem>>
      %dma_start3A_76 = tpu.memref_slice %arg7[%run_scoped3A, %mul3A_16] : memref<16x10240xf32, #tpu.memory_space<vmem_shared>> -> memref<1x640xf32, #tpu.memory_space<vmem_shared>>
      %dma_start3A_77 = tpu.memref_squeeze %dma_start3A_76 : memref<1x640xf32, #tpu.memory_space<vmem_shared>> -> memref<640xf32, #tpu.memory_space<vmem_shared>>
      tpu.enqueue_dma source(%dma_start3A_77 : memref<640xf32, #tpu.memory_space<vmem_shared>>) target(%dma_start3A_75 : memref<640xf32, #tpu.memory_space<vmem>>) target_semaphore(%run_scoped3A_68 : memref<!tpu.dma_semaphore, #tpu.memory_space<semaphore_mem>>)
      %dma_wait3A = arith.constant 0 : i32
      %dma_wait3A_78 = tpu.memref_slice %arg12[%run_scoped3A_17, %dma_wait3A] : memref<16x640xf32, #tpu.memory_space<vmem>> -> memref<1x640xf32, #tpu.memory_space<vmem>>
      %dma_wait3A_79 = tpu.memref_squeeze %dma_wait3A_78 : memref<1x640xf32, #tpu.memory_space<vmem>> -> memref<640xf32, #tpu.memory_space<vmem>>
      %dma_wait3A_80 = tpu.memref_slice %arg7[%run_scoped3A, %mul3A_16] : memref<16x10240xf32, #tpu.memory_space<vmem_shared>> -> memref<1x640xf32, #tpu.memory_space<vmem_shared>>
      %dma_wait3A_81 = tpu.memref_squeeze %dma_wait3A_80 : memref<1x640xf32, #tpu.memory_space<vmem_shared>> -> memref<640xf32, #tpu.memory_space<vmem_shared>>
      %dma_wait3A_82 = arith.constant 0 : i32
      %dma_wait3A_83 = tpu.memref_slice %arg12[%run_scoped3A_17, %dma_wait3A_82] : memref<16x640xf32, #tpu.memory_space<vmem>> -> memref<1x640xf32, #tpu.memory_space<vmem>>
      %dma_wait3A_84 = tpu.memref_squeeze %dma_wait3A_83 : memref<1x640xf32, #tpu.memory_space<vmem>> -> memref<640xf32, #tpu.memory_space<vmem>>
      %dma_wait3A_85 = tpu.memref_slice %arg7[%run_scoped3A, %mul3A_16] : memref<16x10240xf32, #tpu.memory_space<vmem_shared>> -> memref<1x640xf32, #tpu.memory_space<vmem_shared>>
      %dma_wait3A_86 = tpu.memref_squeeze %dma_wait3A_85 : memref<1x640xf32, #tpu.memory_space<vmem_shared>> -> memref<640xf32, #tpu.memory_space<vmem_shared>>
      tpu.wait_dma2 semaphore(%run_scoped3A_68 : memref<!tpu.dma_semaphore, #tpu.memory_space<semaphore_mem>>) src(%dma_wait3A_86 : memref<640xf32, #tpu.memory_space<vmem_shared>>) dst(%dma_wait3A_84 : memref<640xf32, #tpu.memory_space<vmem>>)
      tpu.yield
    }) : () -> ()
    %run_scoped3A_18 = arith.constant 1 : i32
    %run_scoped3A_19 = arith.constant 1 : i32
    "tpu.region"() ({
      %run_scoped3A_68 = tpu.sem_alloc : memref<!tpu.dma_semaphore, #tpu.memory_space<semaphore_mem>>
      %dma_start3A = arith.constant 0 : i32
      %dma_start3A_69 = tpu.memref_slice %arg12[%run_scoped3A_19, %dma_start3A] : memref<16x640xf32, #tpu.memory_space<vmem>> -> memref<1x640xf32, #tpu.memory_space<vmem>>
      %dma_start3A_70 = tpu.memref_squeeze %dma_start3A_69 : memref<1x640xf32, #tpu.memory_space<vmem>> -> memref<640xf32, #tpu.memory_space<vmem>>
      %dma_start3A_71 = tpu.memref_slice %arg7[%run_scoped3A_18, %mul3A_16] : memref<16x10240xf32, #tpu.memory_space<vmem_shared>> -> memref<1x640xf32, #tpu.memory_space<vmem_shared>>
      %dma_start3A_72 = tpu.memref_squeeze %dma_start3A_71 : memref<1x640xf32, #tpu.memory_space<vmem_shared>> -> memref<640xf32, #tpu.memory_space<vmem_shared>>
      %dma_start3A_73 = arith.constant 0 : i32
      %dma_start3A_74 = tpu.memref_slice %arg12[%run_scoped3A_19, %dma_start3A_73] : memref<16x640xf32, #tpu.memory_space<vmem>> -> memref<1x640xf32, #tpu.memory_space<vmem>>
      %dma_start3A_75 = tpu.memref_squeeze %dma_start3A_74 : memref<1x640xf32, #tpu.memory_space<vmem>> -> memref<640xf32, #tpu.memory_space<vmem>>
      %dma_start3A_76 = tpu.memref_slice %arg7[%run_scoped3A_18, %mul3A_16] : memref<16x10240xf32, #tpu.memory_space<vmem_shared>> -> memref<1x640xf32, #tpu.memory_space<vmem_shared>>
      %dma_start3A_77 = tpu.memref_squeeze %dma_start3A_76 : memref<1x640xf32, #tpu.memory_space<vmem_shared>> -> memref<640xf32, #tpu.memory_space<vmem_shared>>
      tpu.enqueue_dma source(%dma_start3A_77 : memref<640xf32, #tpu.memory_space<vmem_shared>>) target(%dma_start3A_75 : memref<640xf32, #tpu.memory_space<vmem>>) target_semaphore(%run_scoped3A_68 : memref<!tpu.dma_semaphore, #tpu.memory_space<semaphore_mem>>)
      %dma_wait3A = arith.constant 0 : i32
      %dma_wait3A_78 = tpu.memref_slice %arg12[%run_scoped3A_19, %dma_wait3A] : memref<16x640xf32, #tpu.memory_space<vmem>> -> memref<1x640xf32, #tpu.memory_space<vmem>>
      %dma_wait3A_79 = tpu.memref_squeeze %dma_wait3A_78 : memref<1x640xf32, #tpu.memory_space<vmem>> -> memref<640xf32, #tpu.memory_space<vmem>>
      %dma_wait3A_80 = tpu.memref_slice %arg7[%run_scoped3A_18, %mul3A_16] : memref<16x10240xf32, #tpu.memory_space<vmem_shared>> -> memref<1x640xf32, #tpu.memory_space<vmem_shared>>
      %dma_wait3A_81 = tpu.memref_squeeze %dma_wait3A_80 : memref<1x640xf32, #tpu.memory_space<vmem_shared>> -> memref<640xf32, #tpu.memory_space<vmem_shared>>
      %dma_wait3A_82 = arith.constant 0 : i32
      %dma_wait3A_83 = tpu.memref_slice %arg12[%run_scoped3A_19, %dma_wait3A_82] : memref<16x640xf32, #tpu.memory_space<vmem>> -> memref<1x640xf32, #tpu.memory_space<vmem>>
      %dma_wait3A_84 = tpu.memref_squeeze %dma_wait3A_83 : memref<1x640xf32, #tpu.memory_space<vmem>> -> memref<640xf32, #tpu.memory_space<vmem>>
      %dma_wait3A_85 = tpu.memref_slice %arg7[%run_scoped3A_18, %mul3A_16] : memref<16x10240xf32, #tpu.memory_space<vmem_shared>> -> memref<1x640xf32, #tpu.memory_space<vmem_shared>>
      %dma_wait3A_86 = tpu.memref_squeeze %dma_wait3A_85 : memref<1x640xf32, #tpu.memory_space<vmem_shared>> -> memref<640xf32, #tpu.memory_space<vmem_shared>>
      tpu.wait_dma2 semaphore(%run_scoped3A_68 : memref<!tpu.dma_semaphore, #tpu.memory_space<semaphore_mem>>) src(%dma_wait3A_86 : memref<640xf32, #tpu.memory_space<vmem_shared>>) dst(%dma_wait3A_84 : memref<640xf32, #tpu.memory_space<vmem>>)
      tpu.yield
    }) : () -> ()
    %run_scoped3A_20 = arith.constant 2 : i32
    %run_scoped3A_21 = arith.constant 2 : i32
    "tpu.region"() ({
      %run_scoped3A_68 = tpu.sem_alloc : memref<!tpu.dma_semaphore, #tpu.memory_space<semaphore_mem>>
      %dma_start3A = arith.constant 0 : i32
      %dma_start3A_69 = tpu.memref_slice %arg12[%run_scoped3A_21, %dma_start3A] : memref<16x640xf32, #tpu.memory_space<vmem>> -> memref<1x640xf32, #tpu.memory_space<vmem>>
      %dma_start3A_70 = tpu.memref_squeeze %dma_start3A_69 : memref<1x640xf32, #tpu.memory_space<vmem>> -> memref<640xf32, #tpu.memory_space<vmem>>
      %dma_start3A_71 = tpu.memref_slice %arg7[%run_scoped3A_20, %mul3A_16] : memref<16x10240xf32, #tpu.memory_space<vmem_shared>> -> memref<1x640xf32, #tpu.memory_space<vmem_shared>>
      %dma_start3A_72 = tpu.memref_squeeze %dma_start3A_71 : memref<1x640xf32, #tpu.memory_space<vmem_shared>> -> memref<640xf32, #tpu.memory_space<vmem_shared>>
      %dma_start3A_73 = arith.constant 0 : i32
      %dma_start3A_74 = tpu.memref_slice %arg12[%run_scoped3A_21, %dma_start3A_73] : memref<16x640xf32, #tpu.memory_space<vmem>> -> memref<1x640xf32, #tpu.memory_space<vmem>>
      %dma_start3A_75 = tpu.memref_squeeze %dma_start3A_74 : memref<1x640xf32, #tpu.memory_space<vmem>> -> memref<640xf32, #tpu.memory_space<vmem>>
      %dma_start3A_76 = tpu.memref_slice %arg7[%run_scoped3A_20, %mul3A_16] : memref<16x10240xf32, #tpu.memory_space<vmem_shared>> -> memref<1x640xf32, #tpu.memory_space<vmem_shared>>
      %dma_start3A_77 = tpu.memref_squeeze %dma_start3A_76 : memref<1x640xf32, #tpu.memory_space<vmem_shared>> -> memref<640xf32, #tpu.memory_space<vmem_shared>>
      tpu.enqueue_dma source(%dma_start3A_77 : memref<640xf32, #tpu.memory_space<vmem_shared>>) target(%dma_start3A_75 : memref<640xf32, #tpu.memory_space<vmem>>) target_semaphore(%run_scoped3A_68 : memref<!tpu.dma_semaphore, #tpu.memory_space<semaphore_mem>>)
      %dma_wait3A = arith.constant 0 : i32
      %dma_wait3A_78 = tpu.memref_slice %arg12[%run_scoped3A_21, %dma_wait3A] : memref<16x640xf32, #tpu.memory_space<vmem>> -> memref<1x640xf32, #tpu.memory_space<vmem>>
      %dma_wait3A_79 = tpu.memref_squeeze %dma_wait3A_78 : memref<1x640xf32, #tpu.memory_space<vmem>> -> memref<640xf32, #tpu.memory_space<vmem>>
      %dma_wait3A_80 = tpu.memref_slice %arg7[%run_scoped3A_20, %mul3A_16] : memref<16x10240xf32, #tpu.memory_space<vmem_shared>> -> memref<1x640xf32, #tpu.memory_space<vmem_shared>>
      %dma_wait3A_81 = tpu.memref_squeeze %dma_wait3A_80 : memref<1x640xf32, #tpu.memory_space<vmem_shared>> -> memref<640xf32, #tpu.memory_space<vmem_shared>>
      %dma_wait3A_82 = arith.constant 0 : i32
      %dma_wait3A_83 = tpu.memref_slice %arg12[%run_scoped3A_21, %dma_wait3A_82] : memref<16x640xf32, #tpu.memory_space<vmem>> -> memref<1x640xf32, #tpu.memory_space<vmem>>
      %dma_wait3A_84 = tpu.memref_squeeze %dma_wait3A_83 : memref<1x640xf32, #tpu.memory_space<vmem>> -> memref<640xf32, #tpu.memory_space<vmem>>
      %dma_wait3A_85 = tpu.memref_slice %arg7[%run_scoped3A_20, %mul3A_16] : memref<16x10240xf32, #tpu.memory_space<vmem_shared>> -> memref<1x640xf32, #tpu.memory_space<vmem_shared>>
      %dma_wait3A_86 = tpu.memref_squeeze %dma_wait3A_85 : memref<1x640xf32, #tpu.memory_space<vmem_shared>> -> memref<640xf32, #tpu.memory_space<vmem_shared>>
      tpu.wait_dma2 semaphore(%run_scoped3A_68 : memref<!tpu.dma_semaphore, #tpu.memory_space<semaphore_mem>>) src(%dma_wait3A_86 : memref<640xf32, #tpu.memory_space<vmem_shared>>) dst(%dma_wait3A_84 : memref<640xf32, #tpu.memory_space<vmem>>)
      tpu.yield
    }) : () -> ()
    %run_scoped3A_22 = arith.constant 3 : i32
    %run_scoped3A_23 = arith.constant 3 : i32
    "tpu.region"() ({
      %run_scoped3A_68 = tpu.sem_alloc : memref<!tpu.dma_semaphore, #tpu.memory_space<semaphore_mem>>
      %dma_start3A = arith.constant 0 : i32
      %dma_start3A_69 = tpu.memref_slice %arg12[%run_scoped3A_23, %dma_start3A] : memref<16x640xf32, #tpu.memory_space<vmem>> -> memref<1x640xf32, #tpu.memory_space<vmem>>
      %dma_start3A_70 = tpu.memref_squeeze %dma_start3A_69 : memref<1x640xf32, #tpu.memory_space<vmem>> -> memref<640xf32, #tpu.memory_space<vmem>>
      %dma_start3A_71 = tpu.memref_slice %arg7[%run_scoped3A_22, %mul3A_16] : memref<16x10240xf32, #tpu.memory_space<vmem_shared>> -> memref<1x640xf32, #tpu.memory_space<vmem_shared>>
      %dma_start3A_72 = tpu.memref_squeeze %dma_start3A_71 : memref<1x640xf32, #tpu.memory_space<vmem_shared>> -> memref<640xf32, #tpu.memory_space<vmem_shared>>
      %dma_start3A_73 = arith.constant 0 : i32
      %dma_start3A_74 = tpu.memref_slice %arg12[%run_scoped3A_23, %dma_start3A_73] : memref<16x640xf32, #tpu.memory_space<vmem>> -> memref<1x640xf32, #tpu.memory_space<vmem>>
      %dma_start3A_75 = tpu.memref_squeeze %dma_start3A_74 : memref<1x640xf32, #tpu.memory_space<vmem>> -> memref<640xf32, #tpu.memory_space<vmem>>
      %dma_start3A_76 = tpu.memref_slice %arg7[%run_scoped3A_22, %mul3A_16] : memref<16x10240xf32, #tpu.memory_space<vmem_shared>> -> memref<1x640xf32, #tpu.memory_space<vmem_shared>>
      %dma_start3A_77 = tpu.memref_squeeze %dma_start3A_76 : memref<1x640xf32, #tpu.memory_space<vmem_shared>> -> memref<640xf32, #tpu.memory_space<vmem_shared>>
      tpu.enqueue_dma source(%dma_start3A_77 : memref<640xf32, #tpu.memory_space<vmem_shared>>) target(%dma_start3A_75 : memref<640xf32, #tpu.memory_space<vmem>>) target_semaphore(%run_scoped3A_68 : memref<!tpu.dma_semaphore, #tpu.memory_space<semaphore_mem>>)
      %dma_wait3A = arith.constant 0 : i32
      %dma_wait3A_78 = tpu.memref_slice %arg12[%run_scoped3A_23, %dma_wait3A] : memref<16x640xf32, #tpu.memory_space<vmem>> -> memref<1x640xf32, #tpu.memory_space<vmem>>
      %dma_wait3A_79 = tpu.memref_squeeze %dma_wait3A_78 : memref<1x640xf32, #tpu.memory_space<vmem>> -> memref<640xf32, #tpu.memory_space<vmem>>
      %dma_wait3A_80 = tpu.memref_slice %arg7[%run_scoped3A_22, %mul3A_16] : memref<16x10240xf32, #tpu.memory_space<vmem_shared>> -> memref<1x640xf32, #tpu.memory_space<vmem_shared>>
      %dma_wait3A_81 = tpu.memref_squeeze %dma_wait3A_80 : memref<1x640xf32, #tpu.memory_space<vmem_shared>> -> memref<640xf32, #tpu.memory_space<vmem_shared>>
      %dma_wait3A_82 = arith.constant 0 : i32
      %dma_wait3A_83 = tpu.memref_slice %arg12[%run_scoped3A_23, %dma_wait3A_82] : memref<16x640xf32, #tpu.memory_space<vmem>> -> memref<1x640xf32, #tpu.memory_space<vmem>>
      %dma_wait3A_84 = tpu.memref_squeeze %dma_wait3A_83 : memref<1x640xf32, #tpu.memory_space<vmem>> -> memref<640xf32, #tpu.memory_space<vmem>>
      %dma_wait3A_85 = tpu.memref_slice %arg7[%run_scoped3A_22, %mul3A_16] : memref<16x10240xf32, #tpu.memory_space<vmem_shared>> -> memref<1x640xf32, #tpu.memory_space<vmem_shared>>
      %dma_wait3A_86 = tpu.memref_squeeze %dma_wait3A_85 : memref<1x640xf32, #tpu.memory_space<vmem_shared>> -> memref<640xf32, #tpu.memory_space<vmem_shared>>
      tpu.wait_dma2 semaphore(%run_scoped3A_68 : memref<!tpu.dma_semaphore, #tpu.memory_space<semaphore_mem>>) src(%dma_wait3A_86 : memref<640xf32, #tpu.memory_space<vmem_shared>>) dst(%dma_wait3A_84 : memref<640xf32, #tpu.memory_space<vmem>>)
      tpu.yield
    }) : () -> ()
    %run_scoped3A_24 = arith.constant 4 : i32
    %run_scoped3A_25 = arith.constant 4 : i32
    "tpu.region"() ({
      %run_scoped3A_68 = tpu.sem_alloc : memref<!tpu.dma_semaphore, #tpu.memory_space<semaphore_mem>>
      %dma_start3A = arith.constant 0 : i32
      %dma_start3A_69 = tpu.memref_slice %arg12[%run_scoped3A_25, %dma_start3A] : memref<16x640xf32, #tpu.memory_space<vmem>> -> memref<1x640xf32, #tpu.memory_space<vmem>>
      %dma_start3A_70 = tpu.memref_squeeze %dma_start3A_69 : memref<1x640xf32, #tpu.memory_space<vmem>> -> memref<640xf32, #tpu.memory_space<vmem>>
      %dma_start3A_71 = tpu.memref_slice %arg7[%run_scoped3A_24, %mul3A_16] : memref<16x10240xf32, #tpu.memory_space<vmem_shared>> -> memref<1x640xf32, #tpu.memory_space<vmem_shared>>
      %dma_start3A_72 = tpu.memref_squeeze %dma_start3A_71 : memref<1x640xf32, #tpu.memory_space<vmem_shared>> -> memref<640xf32, #tpu.memory_space<vmem_shared>>
      %dma_start3A_73 = arith.constant 0 : i32
      %dma_start3A_74 = tpu.memref_slice %arg12[%run_scoped3A_25, %dma_start3A_73] : memref<16x640xf32, #tpu.memory_space<vmem>> -> memref<1x640xf32, #tpu.memory_space<vmem>>
      %dma_start3A_75 = tpu.memref_squeeze %dma_start3A_74 : memref<1x640xf32, #tpu.memory_space<vmem>> -> memref<640xf32, #tpu.memory_space<vmem>>
      %dma_start3A_76 = tpu.memref_slice %arg7[%run_scoped3A_24, %mul3A_16] : memref<16x10240xf32, #tpu.memory_space<vmem_shared>> -> memref<1x640xf32, #tpu.memory_space<vmem_shared>>
      %dma_start3A_77 = tpu.memref_squeeze %dma_start3A_76 : memref<1x640xf32, #tpu.memory_space<vmem_shared>> -> memref<640xf32, #tpu.memory_space<vmem_shared>>
      tpu.enqueue_dma source(%dma_start3A_77 : memref<640xf32, #tpu.memory_space<vmem_shared>>) target(%dma_start3A_75 : memref<640xf32, #tpu.memory_space<vmem>>) target_semaphore(%run_scoped3A_68 : memref<!tpu.dma_semaphore, #tpu.memory_space<semaphore_mem>>)
      %dma_wait3A = arith.constant 0 : i32
      %dma_wait3A_78 = tpu.memref_slice %arg12[%run_scoped3A_25, %dma_wait3A] : memref<16x640xf32, #tpu.memory_space<vmem>> -> memref<1x640xf32, #tpu.memory_space<vmem>>
      %dma_wait3A_79 = tpu.memref_squeeze %dma_wait3A_78 : memref<1x640xf32, #tpu.memory_space<vmem>> -> memref<640xf32, #tpu.memory_space<vmem>>
      %dma_wait3A_80 = tpu.memref_slice %arg7[%run_scoped3A_24, %mul3A_16] : memref<16x10240xf32, #tpu.memory_space<vmem_shared>> -> memref<1x640xf32, #tpu.memory_space<vmem_shared>>
      %dma_wait3A_81 = tpu.memref_squeeze %dma_wait3A_80 : memref<1x640xf32, #tpu.memory_space<vmem_shared>> -> memref<640xf32, #tpu.memory_space<vmem_shared>>
      %dma_wait3A_82 = arith.constant 0 : i32
      %dma_wait3A_83 = tpu.memref_slice %arg12[%run_scoped3A_25, %dma_wait3A_82] : memref<16x640xf32, #tpu.memory_space<vmem>> -> memref<1x640xf32, #tpu.memory_space<vmem>>
      %dma_wait3A_84 = tpu.memref_squeeze %dma_wait3A_83 : memref<1x640xf32, #tpu.memory_space<vmem>> -> memref<640xf32, #tpu.memory_space<vmem>>
      %dma_wait3A_85 = tpu.memref_slice %arg7[%run_scoped3A_24, %mul3A_16] : memref<16x10240xf32, #tpu.memory_space<vmem_shared>> -> memref<1x640xf32, #tpu.memory_space<vmem_shared>>
      %dma_wait3A_86 = tpu.memref_squeeze %dma_wait3A_85 : memref<1x640xf32, #tpu.memory_space<vmem_shared>> -> memref<640xf32, #tpu.memory_space<vmem_shared>>
      tpu.wait_dma2 semaphore(%run_scoped3A_68 : memref<!tpu.dma_semaphore, #tpu.memory_space<semaphore_mem>>) src(%dma_wait3A_86 : memref<640xf32, #tpu.memory_space<vmem_shared>>) dst(%dma_wait3A_84 : memref<640xf32, #tpu.memory_space<vmem>>)
      tpu.yield
    }) : () -> ()
    %run_scoped3A_26 = arith.constant 5 : i32
    %run_scoped3A_27 = arith.constant 5 : i32
    "tpu.region"() ({
      %run_scoped3A_68 = tpu.sem_alloc : memref<!tpu.dma_semaphore, #tpu.memory_space<semaphore_mem>>
      %dma_start3A = arith.constant 0 : i32
      %dma_start3A_69 = tpu.memref_slice %arg12[%run_scoped3A_27, %dma_start3A] : memref<16x640xf32, #tpu.memory_space<vmem>> -> memref<1x640xf32, #tpu.memory_space<vmem>>
      %dma_start3A_70 = tpu.memref_squeeze %dma_start3A_69 : memref<1x640xf32, #tpu.memory_space<vmem>> -> memref<640xf32, #tpu.memory_space<vmem>>
      %dma_start3A_71 = tpu.memref_slice %arg7[%run_scoped3A_26, %mul3A_16] : memref<16x10240xf32, #tpu.memory_space<vmem_shared>> -> memref<1x640xf32, #tpu.memory_space<vmem_shared>>
      %dma_start3A_72 = tpu.memref_squeeze %dma_start3A_71 : memref<1x640xf32, #tpu.memory_space<vmem_shared>> -> memref<640xf32, #tpu.memory_space<vmem_shared>>
      %dma_start3A_73 = arith.constant 0 : i32
      %dma_start3A_74 = tpu.memref_slice %arg12[%run_scoped3A_27, %dma_start3A_73] : memref<16x640xf32, #tpu.memory_space<vmem>> -> memref<1x640xf32, #tpu.memory_space<vmem>>
      %dma_start3A_75 = tpu.memref_squeeze %dma_start3A_74 : memref<1x640xf32, #tpu.memory_space<vmem>> -> memref<640xf32, #tpu.memory_space<vmem>>
      %dma_start3A_76 = tpu.memref_slice %arg7[%run_scoped3A_26, %mul3A_16] : memref<16x10240xf32, #tpu.memory_space<vmem_shared>> -> memref<1x640xf32, #tpu.memory_space<vmem_shared>>
      %dma_start3A_77 = tpu.memref_squeeze %dma_start3A_76 : memref<1x640xf32, #tpu.memory_space<vmem_shared>> -> memref<640xf32, #tpu.memory_space<vmem_shared>>
      tpu.enqueue_dma source(%dma_start3A_77 : memref<640xf32, #tpu.memory_space<vmem_shared>>) target(%dma_start3A_75 : memref<640xf32, #tpu.memory_space<vmem>>) target_semaphore(%run_scoped3A_68 : memref<!tpu.dma_semaphore, #tpu.memory_space<semaphore_mem>>)
      %dma_wait3A = arith.constant 0 : i32
      %dma_wait3A_78 = tpu.memref_slice %arg12[%run_scoped3A_27, %dma_wait3A] : memref<16x640xf32, #tpu.memory_space<vmem>> -> memref<1x640xf32, #tpu.memory_space<vmem>>
      %dma_wait3A_79 = tpu.memref_squeeze %dma_wait3A_78 : memref<1x640xf32, #tpu.memory_space<vmem>> -> memref<640xf32, #tpu.memory_space<vmem>>
      %dma_wait3A_80 = tpu.memref_slice %arg7[%run_scoped3A_26, %mul3A_16] : memref<16x10240xf32, #tpu.memory_space<vmem_shared>> -> memref<1x640xf32, #tpu.memory_space<vmem_shared>>
      %dma_wait3A_81 = tpu.memref_squeeze %dma_wait3A_80 : memref<1x640xf32, #tpu.memory_space<vmem_shared>> -> memref<640xf32, #tpu.memory_space<vmem_shared>>
      %dma_wait3A_82 = arith.constant 0 : i32
      %dma_wait3A_83 = tpu.memref_slice %arg12[%run_scoped3A_27, %dma_wait3A_82] : memref<16x640xf32, #tpu.memory_space<vmem>> -> memref<1x640xf32, #tpu.memory_space<vmem>>
      %dma_wait3A_84 = tpu.memref_squeeze %dma_wait3A_83 : memref<1x640xf32, #tpu.memory_space<vmem>> -> memref<640xf32, #tpu.memory_space<vmem>>
      %dma_wait3A_85 = tpu.memref_slice %arg7[%run_scoped3A_26, %mul3A_16] : memref<16x10240xf32, #tpu.memory_space<vmem_shared>> -> memref<1x640xf32, #tpu.memory_space<vmem_shared>>
      %dma_wait3A_86 = tpu.memref_squeeze %dma_wait3A_85 : memref<1x640xf32, #tpu.memory_space<vmem_shared>> -> memref<640xf32, #tpu.memory_space<vmem_shared>>
      tpu.wait_dma2 semaphore(%run_scoped3A_68 : memref<!tpu.dma_semaphore, #tpu.memory_space<semaphore_mem>>) src(%dma_wait3A_86 : memref<640xf32, #tpu.memory_space<vmem_shared>>) dst(%dma_wait3A_84 : memref<640xf32, #tpu.memory_space<vmem>>)
      tpu.yield
    }) : () -> ()
    %run_scoped3A_28 = arith.constant 6 : i32
    %run_scoped3A_29 = arith.constant 6 : i32
    "tpu.region"() ({
      %run_scoped3A_68 = tpu.sem_alloc : memref<!tpu.dma_semaphore, #tpu.memory_space<semaphore_mem>>
      %dma_start3A = arith.constant 0 : i32
      %dma_start3A_69 = tpu.memref_slice %arg12[%run_scoped3A_29, %dma_start3A] : memref<16x640xf32, #tpu.memory_space<vmem>> -> memref<1x640xf32, #tpu.memory_space<vmem>>
      %dma_start3A_70 = tpu.memref_squeeze %dma_start3A_69 : memref<1x640xf32, #tpu.memory_space<vmem>> -> memref<640xf32, #tpu.memory_space<vmem>>
      %dma_start3A_71 = tpu.memref_slice %arg7[%run_scoped3A_28, %mul3A_16] : memref<16x10240xf32, #tpu.memory_space<vmem_shared>> -> memref<1x640xf32, #tpu.memory_space<vmem_shared>>
      %dma_start3A_72 = tpu.memref_squeeze %dma_start3A_71 : memref<1x640xf32, #tpu.memory_space<vmem_shared>> -> memref<640xf32, #tpu.memory_space<vmem_shared>>
      %dma_start3A_73 = arith.constant 0 : i32
      %dma_start3A_74 = tpu.memref_slice %arg12[%run_scoped3A_29, %dma_start3A_73] : memref<16x640xf32, #tpu.memory_space<vmem>> -> memref<1x640xf32, #tpu.memory_space<vmem>>
      %dma_start3A_75 = tpu.memref_squeeze %dma_start3A_74 : memref<1x640xf32, #tpu.memory_space<vmem>> -> memref<640xf32, #tpu.memory_space<vmem>>
      %dma_start3A_76 = tpu.memref_slice %arg7[%run_scoped3A_28, %mul3A_16] : memref<16x10240xf32, #tpu.memory_space<vmem_shared>> -> memref<1x640xf32, #tpu.memory_space<vmem_shared>>
      %dma_start3A_77 = tpu.memref_squeeze %dma_start3A_76 : memref<1x640xf32, #tpu.memory_space<vmem_shared>> -> memref<640xf32, #tpu.memory_space<vmem_shared>>
      tpu.enqueue_dma source(%dma_start3A_77 : memref<640xf32, #tpu.memory_space<vmem_shared>>) target(%dma_start3A_75 : memref<640xf32, #tpu.memory_space<vmem>>) target_semaphore(%run_scoped3A_68 : memref<!tpu.dma_semaphore, #tpu.memory_space<semaphore_mem>>)
      %dma_wait3A = arith.constant 0 : i32
      %dma_wait3A_78 = tpu.memref_slice %arg12[%run_scoped3A_29, %dma_wait3A] : memref<16x640xf32, #tpu.memory_space<vmem>> -> memref<1x640xf32, #tpu.memory_space<vmem>>
      %dma_wait3A_79 = tpu.memref_squeeze %dma_wait3A_78 : memref<1x640xf32, #tpu.memory_space<vmem>> -> memref<640xf32, #tpu.memory_space<vmem>>
      %dma_wait3A_80 = tpu.memref_slice %arg7[%run_scoped3A_28, %mul3A_16] : memref<16x10240xf32, #tpu.memory_space<vmem_shared>> -> memref<1x640xf32, #tpu.memory_space<vmem_shared>>
      %dma_wait3A_81 = tpu.memref_squeeze %dma_wait3A_80 : memref<1x640xf32, #tpu.memory_space<vmem_shared>> -> memref<640xf32, #tpu.memory_space<vmem_shared>>
      %dma_wait3A_82 = arith.constant 0 : i32
      %dma_wait3A_83 = tpu.memref_slice %arg12[%run_scoped3A_29, %dma_wait3A_82] : memref<16x640xf32, #tpu.memory_space<vmem>> -> memref<1x640xf32, #tpu.memory_space<vmem>>
      %dma_wait3A_84 = tpu.memref_squeeze %dma_wait3A_83 : memref<1x640xf32, #tpu.memory_space<vmem>> -> memref<640xf32, #tpu.memory_space<vmem>>
      %dma_wait3A_85 = tpu.memref_slice %arg7[%run_scoped3A_28, %mul3A_16] : memref<16x10240xf32, #tpu.memory_space<vmem_shared>> -> memref<1x640xf32, #tpu.memory_space<vmem_shared>>
      %dma_wait3A_86 = tpu.memref_squeeze %dma_wait3A_85 : memref<1x640xf32, #tpu.memory_space<vmem_shared>> -> memref<640xf32, #tpu.memory_space<vmem_shared>>
      tpu.wait_dma2 semaphore(%run_scoped3A_68 : memref<!tpu.dma_semaphore, #tpu.memory_space<semaphore_mem>>) src(%dma_wait3A_86 : memref<640xf32, #tpu.memory_space<vmem_shared>>) dst(%dma_wait3A_84 : memref<640xf32, #tpu.memory_space<vmem>>)
      tpu.yield
    }) : () -> ()
    %run_scoped3A_30 = arith.constant 7 : i32
    %run_scoped3A_31 = arith.constant 7 : i32
    "tpu.region"() ({
      %run_scoped3A_68 = tpu.sem_alloc : memref<!tpu.dma_semaphore, #tpu.memory_space<semaphore_mem>>
      %dma_start3A = arith.constant 0 : i32
      %dma_start3A_69 = tpu.memref_slice %arg12[%run_scoped3A_31, %dma_start3A] : memref<16x640xf32, #tpu.memory_space<vmem>> -> memref<1x640xf32, #tpu.memory_space<vmem>>
      %dma_start3A_70 = tpu.memref_squeeze %dma_start3A_69 : memref<1x640xf32, #tpu.memory_space<vmem>> -> memref<640xf32, #tpu.memory_space<vmem>>
      %dma_start3A_71 = tpu.memref_slice %arg7[%run_scoped3A_30, %mul3A_16] : memref<16x10240xf32, #tpu.memory_space<vmem_shared>> -> memref<1x640xf32, #tpu.memory_space<vmem_shared>>
      %dma_start3A_72 = tpu.memref_squeeze %dma_start3A_71 : memref<1x640xf32, #tpu.memory_space<vmem_shared>> -> memref<640xf32, #tpu.memory_space<vmem_shared>>
      %dma_start3A_73 = arith.constant 0 : i32
      %dma_start3A_74 = tpu.memref_slice %arg12[%run_scoped3A_31, %dma_start3A_73] : memref<16x640xf32, #tpu.memory_space<vmem>> -> memref<1x640xf32, #tpu.memory_space<vmem>>
      %dma_start3A_75 = tpu.memref_squeeze %dma_start3A_74 : memref<1x640xf32, #tpu.memory_space<vmem>> -> memref<640xf32, #tpu.memory_space<vmem>>
      %dma_start3A_76 = tpu.memref_slice %arg7[%run_scoped3A_30, %mul3A_16] : memref<16x10240xf32, #tpu.memory_space<vmem_shared>> -> memref<1x640xf32, #tpu.memory_space<vmem_shared>>
      %dma_start3A_77 = tpu.memref_squeeze %dma_start3A_76 : memref<1x640xf32, #tpu.memory_space<vmem_shared>> -> memref<640xf32, #tpu.memory_space<vmem_shared>>
      tpu.enqueue_dma source(%dma_start3A_77 : memref<640xf32, #tpu.memory_space<vmem_shared>>) target(%dma_start3A_75 : memref<640xf32, #tpu.memory_space<vmem>>) target_semaphore(%run_scoped3A_68 : memref<!tpu.dma_semaphore, #tpu.memory_space<semaphore_mem>>)
      %dma_wait3A = arith.constant 0 : i32
      %dma_wait3A_78 = tpu.memref_slice %arg12[%run_scoped3A_31, %dma_wait3A] : memref<16x640xf32, #tpu.memory_space<vmem>> -> memref<1x640xf32, #tpu.memory_space<vmem>>
      %dma_wait3A_79 = tpu.memref_squeeze %dma_wait3A_78 : memref<1x640xf32, #tpu.memory_space<vmem>> -> memref<640xf32, #tpu.memory_space<vmem>>
      %dma_wait3A_80 = tpu.memref_slice %arg7[%run_scoped3A_30, %mul3A_16] : memref<16x10240xf32, #tpu.memory_space<vmem_shared>> -> memref<1x640xf32, #tpu.memory_space<vmem_shared>>
      %dma_wait3A_81 = tpu.memref_squeeze %dma_wait3A_80 : memref<1x640xf32, #tpu.memory_space<vmem_shared>> -> memref<640xf32, #tpu.memory_space<vmem_shared>>
      %dma_wait3A_82 = arith.constant 0 : i32
      %dma_wait3A_83 = tpu.memref_slice %arg12[%run_scoped3A_31, %dma_wait3A_82] : memref<16x640xf32, #tpu.memory_space<vmem>> -> memref<1x640xf32, #tpu.memory_space<vmem>>
      %dma_wait3A_84 = tpu.memref_squeeze %dma_wait3A_83 : memref<1x640xf32, #tpu.memory_space<vmem>> -> memref<640xf32, #tpu.memory_space<vmem>>
      %dma_wait3A_85 = tpu.memref_slice %arg7[%run_scoped3A_30, %mul3A_16] : memref<16x10240xf32, #tpu.memory_space<vmem_shared>> -> memref<1x640xf32, #tpu.memory_space<vmem_shared>>
      %dma_wait3A_86 = tpu.memref_squeeze %dma_wait3A_85 : memref<1x640xf32, #tpu.memory_space<vmem_shared>> -> memref<640xf32, #tpu.memory_space<vmem_shared>>
      tpu.wait_dma2 semaphore(%run_scoped3A_68 : memref<!tpu.dma_semaphore, #tpu.memory_space<semaphore_mem>>) src(%dma_wait3A_86 : memref<640xf32, #tpu.memory_space<vmem_shared>>) dst(%dma_wait3A_84 : memref<640xf32, #tpu.memory_space<vmem>>)
      tpu.yield
    }) : () -> ()
    %run_scoped3A_32 = arith.constant 8 : i32
    %run_scoped3A_33 = arith.constant 8 : i32
    "tpu.region"() ({
      %run_scoped3A_68 = tpu.sem_alloc : memref<!tpu.dma_semaphore, #tpu.memory_space<semaphore_mem>>
      %dma_start3A = arith.constant 0 : i32
      %dma_start3A_69 = tpu.memref_slice %arg12[%run_scoped3A_33, %dma_start3A] : memref<16x640xf32, #tpu.memory_space<vmem>> -> memref<1x640xf32, #tpu.memory_space<vmem>>
      %dma_start3A_70 = tpu.memref_squeeze %dma_start3A_69 : memref<1x640xf32, #tpu.memory_space<vmem>> -> memref<640xf32, #tpu.memory_space<vmem>>
      %dma_start3A_71 = tpu.memref_slice %arg7[%run_scoped3A_32, %mul3A_16] : memref<16x10240xf32, #tpu.memory_space<vmem_shared>> -> memref<1x640xf32, #tpu.memory_space<vmem_shared>>
      %dma_start3A_72 = tpu.memref_squeeze %dma_start3A_71 : memref<1x640xf32, #tpu.memory_space<vmem_shared>> -> memref<640xf32, #tpu.memory_space<vmem_shared>>
      %dma_start3A_73 = arith.constant 0 : i32
      %dma_start3A_74 = tpu.memref_slice %arg12[%run_scoped3A_33, %dma_start3A_73] : memref<16x640xf32, #tpu.memory_space<vmem>> -> memref<1x640xf32, #tpu.memory_space<vmem>>
      %dma_start3A_75 = tpu.memref_squeeze %dma_start3A_74 : memref<1x640xf32, #tpu.memory_space<vmem>> -> memref<640xf32, #tpu.memory_space<vmem>>
      %dma_start3A_76 = tpu.memref_slice %arg7[%run_scoped3A_32, %mul3A_16] : memref<16x10240xf32, #tpu.memory_space<vmem_shared>> -> memref<1x640xf32, #tpu.memory_space<vmem_shared>>
      %dma_start3A_77 = tpu.memref_squeeze %dma_start3A_76 : memref<1x640xf32, #tpu.memory_space<vmem_shared>> -> memref<640xf32, #tpu.memory_space<vmem_shared>>
      tpu.enqueue_dma source(%dma_start3A_77 : memref<640xf32, #tpu.memory_space<vmem_shared>>) target(%dma_start3A_75 : memref<640xf32, #tpu.memory_space<vmem>>) target_semaphore(%run_scoped3A_68 : memref<!tpu.dma_semaphore, #tpu.memory_space<semaphore_mem>>)
      %dma_wait3A = arith.constant 0 : i32
      %dma_wait3A_78 = tpu.memref_slice %arg12[%run_scoped3A_33, %dma_wait3A] : memref<16x640xf32, #tpu.memory_space<vmem>> -> memref<1x640xf32, #tpu.memory_space<vmem>>
      %dma_wait3A_79 = tpu.memref_squeeze %dma_wait3A_78 : memref<1x640xf32, #tpu.memory_space<vmem>> -> memref<640xf32, #tpu.memory_space<vmem>>
      %dma_wait3A_80 = tpu.memref_slice %arg7[%run_scoped3A_32, %mul3A_16] : memref<16x10240xf32, #tpu.memory_space<vmem_shared>> -> memref<1x640xf32, #tpu.memory_space<vmem_shared>>
      %dma_wait3A_81 = tpu.memref_squeeze %dma_wait3A_80 : memref<1x640xf32, #tpu.memory_space<vmem_shared>> -> memref<640xf32, #tpu.memory_space<vmem_shared>>
      %dma_wait3A_82 = arith.constant 0 : i32
      %dma_wait3A_83 = tpu.memref_slice %arg12[%run_scoped3A_33, %dma_wait3A_82] : memref<16x640xf32, #tpu.memory_space<vmem>> -> memref<1x640xf32, #tpu.memory_space<vmem>>
      %dma_wait3A_84 = tpu.memref_squeeze %dma_wait3A_83 : memref<1x640xf32, #tpu.memory_space<vmem>> -> memref<640xf32, #tpu.memory_space<vmem>>
      %dma_wait3A_85 = tpu.memref_slice %arg7[%run_scoped3A_32, %mul3A_16] : memref<16x10240xf32, #tpu.memory_space<vmem_shared>> -> memref<1x640xf32, #tpu.memory_space<vmem_shared>>
      %dma_wait3A_86 = tpu.memref_squeeze %dma_wait3A_85 : memref<1x640xf32, #tpu.memory_space<vmem_shared>> -> memref<640xf32, #tpu.memory_space<vmem_shared>>
      tpu.wait_dma2 semaphore(%run_scoped3A_68 : memref<!tpu.dma_semaphore, #tpu.memory_space<semaphore_mem>>) src(%dma_wait3A_86 : memref<640xf32, #tpu.memory_space<vmem_shared>>) dst(%dma_wait3A_84 : memref<640xf32, #tpu.memory_space<vmem>>)
      tpu.yield
    }) : () -> ()
    %run_scoped3A_34 = arith.constant 9 : i32
    %run_scoped3A_35 = arith.constant 9 : i32
    "tpu.region"() ({
      %run_scoped3A_68 = tpu.sem_alloc : memref<!tpu.dma_semaphore, #tpu.memory_space<semaphore_mem>>
      %dma_start3A = arith.constant 0 : i32
      %dma_start3A_69 = tpu.memref_slice %arg12[%run_scoped3A_35, %dma_start3A] : memref<16x640xf32, #tpu.memory_space<vmem>> -> memref<1x640xf32, #tpu.memory_space<vmem>>
      %dma_start3A_70 = tpu.memref_squeeze %dma_start3A_69 : memref<1x640xf32, #tpu.memory_space<vmem>> -> memref<640xf32, #tpu.memory_space<vmem>>
      %dma_start3A_71 = tpu.memref_slice %arg7[%run_scoped3A_34, %mul3A_16] : memref<16x10240xf32, #tpu.memory_space<vmem_shared>> -> memref<1x640xf32, #tpu.memory_space<vmem_shared>>
      %dma_start3A_72 = tpu.memref_squeeze %dma_start3A_71 : memref<1x640xf32, #tpu.memory_space<vmem_shared>> -> memref<640xf32, #tpu.memory_space<vmem_shared>>
      %dma_start3A_73 = arith.constant 0 : i32
      %dma_start3A_74 = tpu.memref_slice %arg12[%run_scoped3A_35, %dma_start3A_73] : memref<16x640xf32, #tpu.memory_space<vmem>> -> memref<1x640xf32, #tpu.memory_space<vmem>>
      %dma_start3A_75 = tpu.memref_squeeze %dma_start3A_74 : memref<1x640xf32, #tpu.memory_space<vmem>> -> memref<640xf32, #tpu.memory_space<vmem>>
      %dma_start3A_76 = tpu.memref_slice %arg7[%run_scoped3A_34, %mul3A_16] : memref<16x10240xf32, #tpu.memory_space<vmem_shared>> -> memref<1x640xf32, #tpu.memory_space<vmem_shared>>
      %dma_start3A_77 = tpu.memref_squeeze %dma_start3A_76 : memref<1x640xf32, #tpu.memory_space<vmem_shared>> -> memref<640xf32, #tpu.memory_space<vmem_shared>>
      tpu.enqueue_dma source(%dma_start3A_77 : memref<640xf32, #tpu.memory_space<vmem_shared>>) target(%dma_start3A_75 : memref<640xf32, #tpu.memory_space<vmem>>) target_semaphore(%run_scoped3A_68 : memref<!tpu.dma_semaphore, #tpu.memory_space<semaphore_mem>>)
      %dma_wait3A = arith.constant 0 : i32
      %dma_wait3A_78 = tpu.memref_slice %arg12[%run_scoped3A_35, %dma_wait3A] : memref<16x640xf32, #tpu.memory_space<vmem>> -> memref<1x640xf32, #tpu.memory_space<vmem>>
      %dma_wait3A_79 = tpu.memref_squeeze %dma_wait3A_78 : memref<1x640xf32, #tpu.memory_space<vmem>> -> memref<640xf32, #tpu.memory_space<vmem>>
      %dma_wait3A_80 = tpu.memref_slice %arg7[%run_scoped3A_34, %mul3A_16] : memref<16x10240xf32, #tpu.memory_space<vmem_shared>> -> memref<1x640xf32, #tpu.memory_space<vmem_shared>>
      %dma_wait3A_81 = tpu.memref_squeeze %dma_wait3A_80 : memref<1x640xf32, #tpu.memory_space<vmem_shared>> -> memref<640xf32, #tpu.memory_space<vmem_shared>>
      %dma_wait3A_82 = arith.constant 0 : i32
      %dma_wait3A_83 = tpu.memref_slice %arg12[%run_scoped3A_35, %dma_wait3A_82] : memref<16x640xf32, #tpu.memory_space<vmem>> -> memref<1x640xf32, #tpu.memory_space<vmem>>
      %dma_wait3A_84 = tpu.memref_squeeze %dma_wait3A_83 : memref<1x640xf32, #tpu.memory_space<vmem>> -> memref<640xf32, #tpu.memory_space<vmem>>
      %dma_wait3A_85 = tpu.memref_slice %arg7[%run_scoped3A_34, %mul3A_16] : memref<16x10240xf32, #tpu.memory_space<vmem_shared>> -> memref<1x640xf32, #tpu.memory_space<vmem_shared>>
      %dma_wait3A_86 = tpu.memref_squeeze %dma_wait3A_85 : memref<1x640xf32, #tpu.memory_space<vmem_shared>> -> memref<640xf32, #tpu.memory_space<vmem_shared>>
      tpu.wait_dma2 semaphore(%run_scoped3A_68 : memref<!tpu.dma_semaphore, #tpu.memory_space<semaphore_mem>>) src(%dma_wait3A_86 : memref<640xf32, #tpu.memory_space<vmem_shared>>) dst(%dma_wait3A_84 : memref<640xf32, #tpu.memory_space<vmem>>)
      tpu.yield
    }) : () -> ()
    %run_scoped3A_36 = arith.constant 10 : i32
    %run_scoped3A_37 = arith.constant 10 : i32
    "tpu.region"() ({
      %run_scoped3A_68 = tpu.sem_alloc : memref<!tpu.dma_semaphore, #tpu.memory_space<semaphore_mem>>
      %dma_start3A = arith.constant 0 : i32
      %dma_start3A_69 = tpu.memref_slice %arg12[%run_scoped3A_37, %dma_start3A] : memref<16x640xf32, #tpu.memory_space<vmem>> -> memref<1x640xf32, #tpu.memory_space<vmem>>
      %dma_start3A_70 = tpu.memref_squeeze %dma_start3A_69 : memref<1x640xf32, #tpu.memory_space<vmem>> -> memref<640xf32, #tpu.memory_space<vmem>>
      %dma_start3A_71 = tpu.memref_slice %arg7[%run_scoped3A_36, %mul3A_16] : memref<16x10240xf32, #tpu.memory_space<vmem_shared>> -> memref<1x640xf32, #tpu.memory_space<vmem_shared>>
      %dma_start3A_72 = tpu.memref_squeeze %dma_start3A_71 : memref<1x640xf32, #tpu.memory_space<vmem_shared>> -> memref<640xf32, #tpu.memory_space<vmem_shared>>
      %dma_start3A_73 = arith.constant 0 : i32
      %dma_start3A_74 = tpu.memref_slice %arg12[%run_scoped3A_37, %dma_start3A_73] : memref<16x640xf32, #tpu.memory_space<vmem>> -> memref<1x640xf32, #tpu.memory_space<vmem>>
      %dma_start3A_75 = tpu.memref_squeeze %dma_start3A_74 : memref<1x640xf32, #tpu.memory_space<vmem>> -> memref<640xf32, #tpu.memory_space<vmem>>
      %dma_start3A_76 = tpu.memref_slice %arg7[%run_scoped3A_36, %mul3A_16] : memref<16x10240xf32, #tpu.memory_space<vmem_shared>> -> memref<1x640xf32, #tpu.memory_space<vmem_shared>>
      %dma_start3A_77 = tpu.memref_squeeze %dma_start3A_76 : memref<1x640xf32, #tpu.memory_space<vmem_shared>> -> memref<640xf32, #tpu.memory_space<vmem_shared>>
      tpu.enqueue_dma source(%dma_start3A_77 : memref<640xf32, #tpu.memory_space<vmem_shared>>) target(%dma_start3A_75 : memref<640xf32, #tpu.memory_space<vmem>>) target_semaphore(%run_scoped3A_68 : memref<!tpu.dma_semaphore, #tpu.memory_space<semaphore_mem>>)
      %dma_wait3A = arith.constant 0 : i32
      %dma_wait3A_78 = tpu.memref_slice %arg12[%run_scoped3A_37, %dma_wait3A] : memref<16x640xf32, #tpu.memory_space<vmem>> -> memref<1x640xf32, #tpu.memory_space<vmem>>
      %dma_wait3A_79 = tpu.memref_squeeze %dma_wait3A_78 : memref<1x640xf32, #tpu.memory_space<vmem>> -> memref<640xf32, #tpu.memory_space<vmem>>
      %dma_wait3A_80 = tpu.memref_slice %arg7[%run_scoped3A_36, %mul3A_16] : memref<16x10240xf32, #tpu.memory_space<vmem_shared>> -> memref<1x640xf32, #tpu.memory_space<vmem_shared>>
      %dma_wait3A_81 = tpu.memref_squeeze %dma_wait3A_80 : memref<1x640xf32, #tpu.memory_space<vmem_shared>> -> memref<640xf32, #tpu.memory_space<vmem_shared>>
      %dma_wait3A_82 = arith.constant 0 : i32
      %dma_wait3A_83 = tpu.memref_slice %arg12[%run_scoped3A_37, %dma_wait3A_82] : memref<16x640xf32, #tpu.memory_space<vmem>> -> memref<1x640xf32, #tpu.memory_space<vmem>>
      %dma_wait3A_84 = tpu.memref_squeeze %dma_wait3A_83 : memref<1x640xf32, #tpu.memory_space<vmem>> -> memref<640xf32, #tpu.memory_space<vmem>>
      %dma_wait3A_85 = tpu.memref_slice %arg7[%run_scoped3A_36, %mul3A_16] : memref<16x10240xf32, #tpu.memory_space<vmem_shared>> -> memref<1x640xf32, #tpu.memory_space<vmem_shared>>
      %dma_wait3A_86 = tpu.memref_squeeze %dma_wait3A_85 : memref<1x640xf32, #tpu.memory_space<vmem_shared>> -> memref<640xf32, #tpu.memory_space<vmem_shared>>
      tpu.wait_dma2 semaphore(%run_scoped3A_68 : memref<!tpu.dma_semaphore, #tpu.memory_space<semaphore_mem>>) src(%dma_wait3A_86 : memref<640xf32, #tpu.memory_space<vmem_shared>>) dst(%dma_wait3A_84 : memref<640xf32, #tpu.memory_space<vmem>>)
      tpu.yield
    }) : () -> ()
    %run_scoped3A_38 = arith.constant 11 : i32
    %run_scoped3A_39 = arith.constant 11 : i32
    "tpu.region"() ({
      %run_scoped3A_68 = tpu.sem_alloc : memref<!tpu.dma_semaphore, #tpu.memory_space<semaphore_mem>>
      %dma_start3A = arith.constant 0 : i32
      %dma_start3A_69 = tpu.memref_slice %arg12[%run_scoped3A_39, %dma_start3A] : memref<16x640xf32, #tpu.memory_space<vmem>> -> memref<1x640xf32, #tpu.memory_space<vmem>>
      %dma_start3A_70 = tpu.memref_squeeze %dma_start3A_69 : memref<1x640xf32, #tpu.memory_space<vmem>> -> memref<640xf32, #tpu.memory_space<vmem>>
      %dma_start3A_71 = tpu.memref_slice %arg7[%run_scoped3A_38, %mul3A_16] : memref<16x10240xf32, #tpu.memory_space<vmem_shared>> -> memref<1x640xf32, #tpu.memory_space<vmem_shared>>
      %dma_start3A_72 = tpu.memref_squeeze %dma_start3A_71 : memref<1x640xf32, #tpu.memory_space<vmem_shared>> -> memref<640xf32, #tpu.memory_space<vmem_shared>>
      %dma_start3A_73 = arith.constant 0 : i32
      %dma_start3A_74 = tpu.memref_slice %arg12[%run_scoped3A_39, %dma_start3A_73] : memref<16x640xf32, #tpu.memory_space<vmem>> -> memref<1x640xf32, #tpu.memory_space<vmem>>
      %dma_start3A_75 = tpu.memref_squeeze %dma_start3A_74 : memref<1x640xf32, #tpu.memory_space<vmem>> -> memref<640xf32, #tpu.memory_space<vmem>>
      %dma_start3A_76 = tpu.memref_slice %arg7[%run_scoped3A_38, %mul3A_16] : memref<16x10240xf32, #tpu.memory_space<vmem_shared>> -> memref<1x640xf32, #tpu.memory_space<vmem_shared>>
      %dma_start3A_77 = tpu.memref_squeeze %dma_start3A_76 : memref<1x640xf32, #tpu.memory_space<vmem_shared>> -> memref<640xf32, #tpu.memory_space<vmem_shared>>
      tpu.enqueue_dma source(%dma_start3A_77 : memref<640xf32, #tpu.memory_space<vmem_shared>>) target(%dma_start3A_75 : memref<640xf32, #tpu.memory_space<vmem>>) target_semaphore(%run_scoped3A_68 : memref<!tpu.dma_semaphore, #tpu.memory_space<semaphore_mem>>)
      %dma_wait3A = arith.constant 0 : i32
      %dma_wait3A_78 = tpu.memref_slice %arg12[%run_scoped3A_39, %dma_wait3A] : memref<16x640xf32, #tpu.memory_space<vmem>> -> memref<1x640xf32, #tpu.memory_space<vmem>>
      %dma_wait3A_79 = tpu.memref_squeeze %dma_wait3A_78 : memref<1x640xf32, #tpu.memory_space<vmem>> -> memref<640xf32, #tpu.memory_space<vmem>>
      %dma_wait3A_80 = tpu.memref_slice %arg7[%run_scoped3A_38, %mul3A_16] : memref<16x10240xf32, #tpu.memory_space<vmem_shared>> -> memref<1x640xf32, #tpu.memory_space<vmem_shared>>
      %dma_wait3A_81 = tpu.memref_squeeze %dma_wait3A_80 : memref<1x640xf32, #tpu.memory_space<vmem_shared>> -> memref<640xf32, #tpu.memory_space<vmem_shared>>
      %dma_wait3A_82 = arith.constant 0 : i32
      %dma_wait3A_83 = tpu.memref_slice %arg12[%run_scoped3A_39, %dma_wait3A_82] : memref<16x640xf32, #tpu.memory_space<vmem>> -> memref<1x640xf32, #tpu.memory_space<vmem>>
      %dma_wait3A_84 = tpu.memref_squeeze %dma_wait3A_83 : memref<1x640xf32, #tpu.memory_space<vmem>> -> memref<640xf32, #tpu.memory_space<vmem>>
      %dma_wait3A_85 = tpu.memref_slice %arg7[%run_scoped3A_38, %mul3A_16] : memref<16x10240xf32, #tpu.memory_space<vmem_shared>> -> memref<1x640xf32, #tpu.memory_space<vmem_shared>>
      %dma_wait3A_86 = tpu.memref_squeeze %dma_wait3A_85 : memref<1x640xf32, #tpu.memory_space<vmem_shared>> -> memref<640xf32, #tpu.memory_space<vmem_shared>>
      tpu.wait_dma2 semaphore(%run_scoped3A_68 : memref<!tpu.dma_semaphore, #tpu.memory_space<semaphore_mem>>) src(%dma_wait3A_86 : memref<640xf32, #tpu.memory_space<vmem_shared>>) dst(%dma_wait3A_84 : memref<640xf32, #tpu.memory_space<vmem>>)
      tpu.yield
    }) : () -> ()
    %run_scoped3A_40 = arith.constant 12 : i32
    %run_scoped3A_41 = arith.constant 12 : i32
    "tpu.region"() ({
      %run_scoped3A_68 = tpu.sem_alloc : memref<!tpu.dma_semaphore, #tpu.memory_space<semaphore_mem>>
      %dma_start3A = arith.constant 0 : i32
      %dma_start3A_69 = tpu.memref_slice %arg12[%run_scoped3A_41, %dma_start3A] : memref<16x640xf32, #tpu.memory_space<vmem>> -> memref<1x640xf32, #tpu.memory_space<vmem>>
      %dma_start3A_70 = tpu.memref_squeeze %dma_start3A_69 : memref<1x640xf32, #tpu.memory_space<vmem>> -> memref<640xf32, #tpu.memory_space<vmem>>
      %dma_start3A_71 = tpu.memref_slice %arg7[%run_scoped3A_40, %mul3A_16] : memref<16x10240xf32, #tpu.memory_space<vmem_shared>> -> memref<1x640xf32, #tpu.memory_space<vmem_shared>>
      %dma_start3A_72 = tpu.memref_squeeze %dma_start3A_71 : memref<1x640xf32, #tpu.memory_space<vmem_shared>> -> memref<640xf32, #tpu.memory_space<vmem_shared>>
      %dma_start3A_73 = arith.constant 0 : i32
      %dma_start3A_74 = tpu.memref_slice %arg12[%run_scoped3A_41, %dma_start3A_73] : memref<16x640xf32, #tpu.memory_space<vmem>> -> memref<1x640xf32, #tpu.memory_space<vmem>>
      %dma_start3A_75 = tpu.memref_squeeze %dma_start3A_74 : memref<1x640xf32, #tpu.memory_space<vmem>> -> memref<640xf32, #tpu.memory_space<vmem>>
      %dma_start3A_76 = tpu.memref_slice %arg7[%run_scoped3A_40, %mul3A_16] : memref<16x10240xf32, #tpu.memory_space<vmem_shared>> -> memref<1x640xf32, #tpu.memory_space<vmem_shared>>
      %dma_start3A_77 = tpu.memref_squeeze %dma_start3A_76 : memref<1x640xf32, #tpu.memory_space<vmem_shared>> -> memref<640xf32, #tpu.memory_space<vmem_shared>>
      tpu.enqueue_dma source(%dma_start3A_77 : memref<640xf32, #tpu.memory_space<vmem_shared>>) target(%dma_start3A_75 : memref<640xf32, #tpu.memory_space<vmem>>) target_semaphore(%run_scoped3A_68 : memref<!tpu.dma_semaphore, #tpu.memory_space<semaphore_mem>>)
      %dma_wait3A = arith.constant 0 : i32
      %dma_wait3A_78 = tpu.memref_slice %arg12[%run_scoped3A_41, %dma_wait3A] : memref<16x640xf32, #tpu.memory_space<vmem>> -> memref<1x640xf32, #tpu.memory_space<vmem>>
      %dma_wait3A_79 = tpu.memref_squeeze %dma_wait3A_78 : memref<1x640xf32, #tpu.memory_space<vmem>> -> memref<640xf32, #tpu.memory_space<vmem>>
      %dma_wait3A_80 = tpu.memref_slice %arg7[%run_scoped3A_40, %mul3A_16] : memref<16x10240xf32, #tpu.memory_space<vmem_shared>> -> memref<1x640xf32, #tpu.memory_space<vmem_shared>>
      %dma_wait3A_81 = tpu.memref_squeeze %dma_wait3A_80 : memref<1x640xf32, #tpu.memory_space<vmem_shared>> -> memref<640xf32, #tpu.memory_space<vmem_shared>>
      %dma_wait3A_82 = arith.constant 0 : i32
      %dma_wait3A_83 = tpu.memref_slice %arg12[%run_scoped3A_41, %dma_wait3A_82] : memref<16x640xf32, #tpu.memory_space<vmem>> -> memref<1x640xf32, #tpu.memory_space<vmem>>
      %dma_wait3A_84 = tpu.memref_squeeze %dma_wait3A_83 : memref<1x640xf32, #tpu.memory_space<vmem>> -> memref<640xf32, #tpu.memory_space<vmem>>
      %dma_wait3A_85 = tpu.memref_slice %arg7[%run_scoped3A_40, %mul3A_16] : memref<16x10240xf32, #tpu.memory_space<vmem_shared>> -> memref<1x640xf32, #tpu.memory_space<vmem_shared>>
      %dma_wait3A_86 = tpu.memref_squeeze %dma_wait3A_85 : memref<1x640xf32, #tpu.memory_space<vmem_shared>> -> memref<640xf32, #tpu.memory_space<vmem_shared>>
      tpu.wait_dma2 semaphore(%run_scoped3A_68 : memref<!tpu.dma_semaphore, #tpu.memory_space<semaphore_mem>>) src(%dma_wait3A_86 : memref<640xf32, #tpu.memory_space<vmem_shared>>) dst(%dma_wait3A_84 : memref<640xf32, #tpu.memory_space<vmem>>)
      tpu.yield
    }) : () -> ()
    %run_scoped3A_42 = arith.constant 13 : i32
    %run_scoped3A_43 = arith.constant 13 : i32
    "tpu.region"() ({
      %run_scoped3A_68 = tpu.sem_alloc : memref<!tpu.dma_semaphore, #tpu.memory_space<semaphore_mem>>
      %dma_start3A = arith.constant 0 : i32
      %dma_start3A_69 = tpu.memref_slice %arg12[%run_scoped3A_43, %dma_start3A] : memref<16x640xf32, #tpu.memory_space<vmem>> -> memref<1x640xf32, #tpu.memory_space<vmem>>
      %dma_start3A_70 = tpu.memref_squeeze %dma_start3A_69 : memref<1x640xf32, #tpu.memory_space<vmem>> -> memref<640xf32, #tpu.memory_space<vmem>>
      %dma_start3A_71 = tpu.memref_slice %arg7[%run_scoped3A_42, %mul3A_16] : memref<16x10240xf32, #tpu.memory_space<vmem_shared>> -> memref<1x640xf32, #tpu.memory_space<vmem_shared>>
      %dma_start3A_72 = tpu.memref_squeeze %dma_start3A_71 : memref<1x640xf32, #tpu.memory_space<vmem_shared>> -> memref<640xf32, #tpu.memory_space<vmem_shared>>
      %dma_start3A_73 = arith.constant 0 : i32
      %dma_start3A_74 = tpu.memref_slice %arg12[%run_scoped3A_43, %dma_start3A_73] : memref<16x640xf32, #tpu.memory_space<vmem>> -> memref<1x640xf32, #tpu.memory_space<vmem>>
      %dma_start3A_75 = tpu.memref_squeeze %dma_start3A_74 : memref<1x640xf32, #tpu.memory_space<vmem>> -> memref<640xf32, #tpu.memory_space<vmem>>
      %dma_start3A_76 = tpu.memref_slice %arg7[%run_scoped3A_42, %mul3A_16] : memref<16x10240xf32, #tpu.memory_space<vmem_shared>> -> memref<1x640xf32, #tpu.memory_space<vmem_shared>>
      %dma_start3A_77 = tpu.memref_squeeze %dma_start3A_76 : memref<1x640xf32, #tpu.memory_space<vmem_shared>> -> memref<640xf32, #tpu.memory_space<vmem_shared>>
      tpu.enqueue_dma source(%dma_start3A_77 : memref<640xf32, #tpu.memory_space<vmem_shared>>) target(%dma_start3A_75 : memref<640xf32, #tpu.memory_space<vmem>>) target_semaphore(%run_scoped3A_68 : memref<!tpu.dma_semaphore, #tpu.memory_space<semaphore_mem>>)
      %dma_wait3A = arith.constant 0 : i32
      %dma_wait3A_78 = tpu.memref_slice %arg12[%run_scoped3A_43, %dma_wait3A] : memref<16x640xf32, #tpu.memory_space<vmem>> -> memref<1x640xf32, #tpu.memory_space<vmem>>
      %dma_wait3A_79 = tpu.memref_squeeze %dma_wait3A_78 : memref<1x640xf32, #tpu.memory_space<vmem>> -> memref<640xf32, #tpu.memory_space<vmem>>
      %dma_wait3A_80 = tpu.memref_slice %arg7[%run_scoped3A_42, %mul3A_16] : memref<16x10240xf32, #tpu.memory_space<vmem_shared>> -> memref<1x640xf32, #tpu.memory_space<vmem_shared>>
      %dma_wait3A_81 = tpu.memref_squeeze %dma_wait3A_80 : memref<1x640xf32, #tpu.memory_space<vmem_shared>> -> memref<640xf32, #tpu.memory_space<vmem_shared>>
      %dma_wait3A_82 = arith.constant 0 : i32
      %dma_wait3A_83 = tpu.memref_slice %arg12[%run_scoped3A_43, %dma_wait3A_82] : memref<16x640xf32, #tpu.memory_space<vmem>> -> memref<1x640xf32, #tpu.memory_space<vmem>>
      %dma_wait3A_84 = tpu.memref_squeeze %dma_wait3A_83 : memref<1x640xf32, #tpu.memory_space<vmem>> -> memref<640xf32, #tpu.memory_space<vmem>>
      %dma_wait3A_85 = tpu.memref_slice %arg7[%run_scoped3A_42, %mul3A_16] : memref<16x10240xf32, #tpu.memory_space<vmem_shared>> -> memref<1x640xf32, #tpu.memory_space<vmem_shared>>
      %dma_wait3A_86 = tpu.memref_squeeze %dma_wait3A_85 : memref<1x640xf32, #tpu.memory_space<vmem_shared>> -> memref<640xf32, #tpu.memory_space<vmem_shared>>
      tpu.wait_dma2 semaphore(%run_scoped3A_68 : memref<!tpu.dma_semaphore, #tpu.memory_space<semaphore_mem>>) src(%dma_wait3A_86 : memref<640xf32, #tpu.memory_space<vmem_shared>>) dst(%dma_wait3A_84 : memref<640xf32, #tpu.memory_space<vmem>>)
      tpu.yield
    }) : () -> ()
    %run_scoped3A_44 = arith.constant 14 : i32
    %run_scoped3A_45 = arith.constant 14 : i32
    "tpu.region"() ({
      %run_scoped3A_68 = tpu.sem_alloc : memref<!tpu.dma_semaphore, #tpu.memory_space<semaphore_mem>>
      %dma_start3A = arith.constant 0 : i32
      %dma_start3A_69 = tpu.memref_slice %arg12[%run_scoped3A_45, %dma_start3A] : memref<16x640xf32, #tpu.memory_space<vmem>> -> memref<1x640xf32, #tpu.memory_space<vmem>>
      %dma_start3A_70 = tpu.memref_squeeze %dma_start3A_69 : memref<1x640xf32, #tpu.memory_space<vmem>> -> memref<640xf32, #tpu.memory_space<vmem>>
      %dma_start3A_71 = tpu.memref_slice %arg7[%run_scoped3A_44, %mul3A_16] : memref<16x10240xf32, #tpu.memory_space<vmem_shared>> -> memref<1x640xf32, #tpu.memory_space<vmem_shared>>
      %dma_start3A_72 = tpu.memref_squeeze %dma_start3A_71 : memref<1x640xf32, #tpu.memory_space<vmem_shared>> -> memref<640xf32, #tpu.memory_space<vmem_shared>>
      %dma_start3A_73 = arith.constant 0 : i32
      %dma_start3A_74 = tpu.memref_slice %arg12[%run_scoped3A_45, %dma_start3A_73] : memref<16x640xf32, #tpu.memory_space<vmem>> -> memref<1x640xf32, #tpu.memory_space<vmem>>
      %dma_start3A_75 = tpu.memref_squeeze %dma_start3A_74 : memref<1x640xf32, #tpu.memory_space<vmem>> -> memref<640xf32, #tpu.memory_space<vmem>>
      %dma_start3A_76 = tpu.memref_slice %arg7[%run_scoped3A_44, %mul3A_16] : memref<16x10240xf32, #tpu.memory_space<vmem_shared>> -> memref<1x640xf32, #tpu.memory_space<vmem_shared>>
      %dma_start3A_77 = tpu.memref_squeeze %dma_start3A_76 : memref<1x640xf32, #tpu.memory_space<vmem_shared>> -> memref<640xf32, #tpu.memory_space<vmem_shared>>
      tpu.enqueue_dma source(%dma_start3A_77 : memref<640xf32, #tpu.memory_space<vmem_shared>>) target(%dma_start3A_75 : memref<640xf32, #tpu.memory_space<vmem>>) target_semaphore(%run_scoped3A_68 : memref<!tpu.dma_semaphore, #tpu.memory_space<semaphore_mem>>)
      %dma_wait3A = arith.constant 0 : i32
      %dma_wait3A_78 = tpu.memref_slice %arg12[%run_scoped3A_45, %dma_wait3A] : memref<16x640xf32, #tpu.memory_space<vmem>> -> memref<1x640xf32, #tpu.memory_space<vmem>>
      %dma_wait3A_79 = tpu.memref_squeeze %dma_wait3A_78 : memref<1x640xf32, #tpu.memory_space<vmem>> -> memref<640xf32, #tpu.memory_space<vmem>>
      %dma_wait3A_80 = tpu.memref_slice %arg7[%run_scoped3A_44, %mul3A_16] : memref<16x10240xf32, #tpu.memory_space<vmem_shared>> -> memref<1x640xf32, #tpu.memory_space<vmem_shared>>
      %dma_wait3A_81 = tpu.memref_squeeze %dma_wait3A_80 : memref<1x640xf32, #tpu.memory_space<vmem_shared>> -> memref<640xf32, #tpu.memory_space<vmem_shared>>
      %dma_wait3A_82 = arith.constant 0 : i32
      %dma_wait3A_83 = tpu.memref_slice %arg12[%run_scoped3A_45, %dma_wait3A_82] : memref<16x640xf32, #tpu.memory_space<vmem>> -> memref<1x640xf32, #tpu.memory_space<vmem>>
      %dma_wait3A_84 = tpu.memref_squeeze %dma_wait3A_83 : memref<1x640xf32, #tpu.memory_space<vmem>> -> memref<640xf32, #tpu.memory_space<vmem>>
      %dma_wait3A_85 = tpu.memref_slice %arg7[%run_scoped3A_44, %mul3A_16] : memref<16x10240xf32, #tpu.memory_space<vmem_shared>> -> memref<1x640xf32, #tpu.memory_space<vmem_shared>>
      %dma_wait3A_86 = tpu.memref_squeeze %dma_wait3A_85 : memref<1x640xf32, #tpu.memory_space<vmem_shared>> -> memref<640xf32, #tpu.memory_space<vmem_shared>>
      tpu.wait_dma2 semaphore(%run_scoped3A_68 : memref<!tpu.dma_semaphore, #tpu.memory_space<semaphore_mem>>) src(%dma_wait3A_86 : memref<640xf32, #tpu.memory_space<vmem_shared>>) dst(%dma_wait3A_84 : memref<640xf32, #tpu.memory_space<vmem>>)
      tpu.yield
    }) : () -> ()
    %run_scoped3A_46 = arith.constant 15 : i32
    %run_scoped3A_47 = arith.constant 15 : i32
    "tpu.region"() ({
      %run_scoped3A_68 = tpu.sem_alloc : memref<!tpu.dma_semaphore, #tpu.memory_space<semaphore_mem>>
      %dma_start3A = arith.constant 0 : i32
      %dma_start3A_69 = tpu.memref_slice %arg12[%run_scoped3A_47, %dma_start3A] : memref<16x640xf32, #tpu.memory_space<vmem>> -> memref<1x640xf32, #tpu.memory_space<vmem>>
      %dma_start3A_70 = tpu.memref_squeeze %dma_start3A_69 : memref<1x640xf32, #tpu.memory_space<vmem>> -> memref<640xf32, #tpu.memory_space<vmem>>
      %dma_start3A_71 = tpu.memref_slice %arg7[%run_scoped3A_46, %mul3A_16] : memref<16x10240xf32, #tpu.memory_space<vmem_shared>> -> memref<1x640xf32, #tpu.memory_space<vmem_shared>>
      %dma_start3A_72 = tpu.memref_squeeze %dma_start3A_71 : memref<1x640xf32, #tpu.memory_space<vmem_shared>> -> memref<640xf32, #tpu.memory_space<vmem_shared>>
      %dma_start3A_73 = arith.constant 0 : i32
      %dma_start3A_74 = tpu.memref_slice %arg12[%run_scoped3A_47, %dma_start3A_73] : memref<16x640xf32, #tpu.memory_space<vmem>> -> memref<1x640xf32, #tpu.memory_space<vmem>>
      %dma_start3A_75 = tpu.memref_squeeze %dma_start3A_74 : memref<1x640xf32, #tpu.memory_space<vmem>> -> memref<640xf32, #tpu.memory_space<vmem>>
      %dma_start3A_76 = tpu.memref_slice %arg7[%run_scoped3A_46, %mul3A_16] : memref<16x10240xf32, #tpu.memory_space<vmem_shared>> -> memref<1x640xf32, #tpu.memory_space<vmem_shared>>
      %dma_start3A_77 = tpu.memref_squeeze %dma_start3A_76 : memref<1x640xf32, #tpu.memory_space<vmem_shared>> -> memref<640xf32, #tpu.memory_space<vmem_shared>>
      tpu.enqueue_dma source(%dma_start3A_77 : memref<640xf32, #tpu.memory_space<vmem_shared>>) target(%dma_start3A_75 : memref<640xf32, #tpu.memory_space<vmem>>) target_semaphore(%run_scoped3A_68 : memref<!tpu.dma_semaphore, #tpu.memory_space<semaphore_mem>>)
      %dma_wait3A = arith.constant 0 : i32
      %dma_wait3A_78 = tpu.memref_slice %arg12[%run_scoped3A_47, %dma_wait3A] : memref<16x640xf32, #tpu.memory_space<vmem>> -> memref<1x640xf32, #tpu.memory_space<vmem>>
      %dma_wait3A_79 = tpu.memref_squeeze %dma_wait3A_78 : memref<1x640xf32, #tpu.memory_space<vmem>> -> memref<640xf32, #tpu.memory_space<vmem>>
      %dma_wait3A_80 = tpu.memref_slice %arg7[%run_scoped3A_46, %mul3A_16] : memref<16x10240xf32, #tpu.memory_space<vmem_shared>> -> memref<1x640xf32, #tpu.memory_space<vmem_shared>>
      %dma_wait3A_81 = tpu.memref_squeeze %dma_wait3A_80 : memref<1x640xf32, #tpu.memory_space<vmem_shared>> -> memref<640xf32, #tpu.memory_space<vmem_shared>>
      %dma_wait3A_82 = arith.constant 0 : i32
      %dma_wait3A_83 = tpu.memref_slice %arg12[%run_scoped3A_47, %dma_wait3A_82] : memref<16x640xf32, #tpu.memory_space<vmem>> -> memref<1x640xf32, #tpu.memory_space<vmem>>
      %dma_wait3A_84 = tpu.memref_squeeze %dma_wait3A_83 : memref<1x640xf32, #tpu.memory_space<vmem>> -> memref<640xf32, #tpu.memory_space<vmem>>
      %dma_wait3A_85 = tpu.memref_slice %arg7[%run_scoped3A_46, %mul3A_16] : memref<16x10240xf32, #tpu.memory_space<vmem_shared>> -> memref<1x640xf32, #tpu.memory_space<vmem_shared>>
      %dma_wait3A_86 = tpu.memref_squeeze %dma_wait3A_85 : memref<1x640xf32, #tpu.memory_space<vmem_shared>> -> memref<640xf32, #tpu.memory_space<vmem_shared>>
      tpu.wait_dma2 semaphore(%run_scoped3A_68 : memref<!tpu.dma_semaphore, #tpu.memory_space<semaphore_mem>>) src(%dma_wait3A_86 : memref<640xf32, #tpu.memory_space<vmem_shared>>) dst(%dma_wait3A_84 : memref<640xf32, #tpu.memory_space<vmem>>)
      tpu.yield
    }) : () -> ()
    %scan3A_48 = arith.constant 0 : i32
    %scan3A_49 = arith.constant 40 : i32
    %scan3A_50 = arith.addi %scan3A_48, %scan3A_49 : i32
    %scan3A_51 = arith.constant 1 : i32
    scf.for %scan3A_68 = %scan3A_48 to %scan3A_50 step %scan3A_51  : i32 {
      %mul3A_69 = arith.constant 1 : i32
      %mul3A_70 = arith.muli %scan3A_68, %mul3A_69 : i32
      %add3A_71 = arith.constant 0 : i32
      %add3A_72 = arith.addi %add3A_71, %mul3A_70 : i32
      %broadcast_in_dim3A_73 = arith.constant 1.000000e+00 : f32
      %broadcast_in_dim3A_74 = vector.broadcast %broadcast_in_dim3A_73 : f32 to vector<16xf32>
      %mul3A_75 = arith.constant 16 : i32
      %mul3A_76 = arith.muli %add3A_72, %mul3A_75 : i32
      %get3A = arith.constant 0 : i32
      %get3A_77 = arith.index_cast %get3A : i32 to index
      %get3A_78 = arith.index_cast %mul3A_76 : i32 to index
      %get3A_79 = tpu.vector_load %arg12[%get3A_77, %get3A_78] {strides = array<i32>} : memref<16x640xf32, #tpu.memory_space<vmem>>, vector<16xf32>,
      %add3A_80 = arith.addf %broadcast_in_dim3A_74, %get3A_79 : vector<16xf32>
      %mul3A_81 = arith.constant 16 : i32
      %mul3A_82 = arith.muli %add3A_72, %mul3A_81 : i32
      %get3A_83 = arith.constant 1 : i32
      %get3A_84 = arith.index_cast %get3A_83 : i32 to index
      %get3A_85 = arith.index_cast %mul3A_82 : i32 to index
      %get3A_86 = tpu.vector_load %arg12[%get3A_84, %get3A_85] {strides = array<i32>} : memref<16x640xf32, #tpu.memory_space<vmem>>, vector<16xf32>,
      %add3A_87 = arith.addf %add3A_80, %get3A_86 : vector<16xf32>
      %mul3A_88 = arith.constant 16 : i32
      %mul3A_89 = arith.muli %add3A_72, %mul3A_88 : i32
      %get3A_90 = arith.constant 2 : i32
      %get3A_91 = arith.index_cast %get3A_90 : i32 to index
      %get3A_92 = arith.index_cast %mul3A_89 : i32 to index
      %get3A_93 = tpu.vector_load %arg12[%get3A_91, %get3A_92] {strides = array<i32>} : memref<16x640xf32, #tpu.memory_space<vmem>>, vector<16xf32>,
      %add3A_94 = arith.addf %add3A_87, %get3A_93 : vector<16xf32>
      %mul3A_95 = arith.constant 16 : i32
      %mul3A_96 = arith.muli %add3A_72, %mul3A_95 : i32
      %get3A_97 = arith.constant 3 : i32
      %get3A_98 = arith.index_cast %get3A_97 : i32 to index
      %get3A_99 = arith.index_cast %mul3A_96 : i32 to index
      %get3A_100 = tpu.vector_load %arg12[%get3A_98, %get3A_99] {strides = array<i32>} : memref<16x640xf32, #tpu.memory_space<vmem>>, vector<16xf32>,
      %add3A_101 = arith.addf %add3A_94, %get3A_100 : vector<16xf32>
      %mul3A_102 = arith.constant 16 : i32
      %mul3A_103 = arith.muli %add3A_72, %mul3A_102 : i32
      %get3A_104 = arith.constant 4 : i32
      %get3A_105 = arith.index_cast %get3A_104 : i32 to index
      %get3A_106 = arith.index_cast %mul3A_103 : i32 to index
      %get3A_107 = tpu.vector_load %arg12[%get3A_105, %get3A_106] {strides = array<i32>} : memref<16x640xf32, #tpu.memory_space<vmem>>, vector<16xf32>,
      %add3A_108 = arith.addf %add3A_101, %get3A_107 : vector<16xf32>
      %mul3A_109 = arith.constant 16 : i32
      %mul3A_110 = arith.muli %add3A_72, %mul3A_109 : i32
      %get3A_111 = arith.constant 5 : i32
      %get3A_112 = arith.index_cast %get3A_111 : i32 to index
      %get3A_113 = arith.index_cast %mul3A_110 : i32 to index
      %get3A_114 = tpu.vector_load %arg12[%get3A_112, %get3A_113] {strides = array<i32>} : memref<16x640xf32, #tpu.memory_space<vmem>>, vector<16xf32>,
      %add3A_115 = arith.addf %add3A_108, %get3A_114 : vector<16xf32>
      %mul3A_116 = arith.constant 16 : i32
      %mul3A_117 = arith.muli %add3A_72, %mul3A_116 : i32
      %get3A_118 = arith.constant 6 : i32
      %get3A_119 = arith.index_cast %get3A_118 : i32 to index
      %get3A_120 = arith.index_cast %mul3A_117 : i32 to index
      %get3A_121 = tpu.vector_load %arg12[%get3A_119, %get3A_120] {strides = array<i32>} : memref<16x640xf32, #tpu.memory_space<vmem>>, vector<16xf32>,
      %add3A_122 = arith.addf %add3A_115, %get3A_121 : vector<16xf32>
      %mul3A_123 = arith.constant 16 : i32
      %mul3A_124 = arith.muli %add3A_72, %mul3A_123 : i32
      %get3A_125 = arith.constant 7 : i32
      %get3A_126 = arith.index_cast %get3A_125 : i32 to index
      %get3A_127 = arith.index_cast %mul3A_124 : i32 to index
      %get3A_128 = tpu.vector_load %arg12[%get3A_126, %get3A_127] {strides = array<i32>} : memref<16x640xf32, #tpu.memory_space<vmem>>, vector<16xf32>,
      %add3A_129 = arith.addf %add3A_122, %get3A_128 : vector<16xf32>
      %mul3A_130 = arith.constant 16 : i32
      %mul3A_131 = arith.muli %add3A_72, %mul3A_130 : i32
      %get3A_132 = arith.constant 8 : i32
      %get3A_133 = arith.index_cast %get3A_132 : i32 to index
      %get3A_134 = arith.index_cast %mul3A_131 : i32 to index
      %get3A_135 = tpu.vector_load %arg12[%get3A_133, %get3A_134] {strides = array<i32>} : memref<16x640xf32, #tpu.memory_space<vmem>>, vector<16xf32>,
      %add3A_136 = arith.addf %add3A_129, %get3A_135 : vector<16xf32>
      %mul3A_137 = arith.constant 16 : i32
      %mul3A_138 = arith.muli %add3A_72, %mul3A_137 : i32
      %get3A_139 = arith.constant 9 : i32
      %get3A_140 = arith.index_cast %get3A_139 : i32 to index
      %get3A_141 = arith.index_cast %mul3A_138 : i32 to index
      %get3A_142 = tpu.vector_load %arg12[%get3A_140, %get3A_141] {strides = array<i32>} : memref<16x640xf32, #tpu.memory_space<vmem>>, vector<16xf32>,
      %add3A_143 = arith.addf %add3A_136, %get3A_142 : vector<16xf32>
      %mul3A_144 = arith.constant 16 : i32
      %mul3A_145 = arith.muli %add3A_72, %mul3A_144 : i32
      %get3A_146 = arith.constant 10 : i32
      %get3A_147 = arith.index_cast %get3A_146 : i32 to index
      %get3A_148 = arith.index_cast %mul3A_145 : i32 to index
      %get3A_149 = tpu.vector_load %arg12[%get3A_147, %get3A_148] {strides = array<i32>} : memref<16x640xf32, #tpu.memory_space<vmem>>, vector<16xf32>,
      %add3A_150 = arith.addf %add3A_143, %get3A_149 : vector<16xf32>
      %mul3A_151 = arith.constant 16 : i32
      %mul3A_152 = arith.muli %add3A_72, %mul3A_151 : i32
      %get3A_153 = arith.constant 11 : i32
      %get3A_154 = arith.index_cast %get3A_153 : i32 to index
      %get3A_155 = arith.index_cast %mul3A_152 : i32 to index
      %get3A_156 = tpu.vector_load %arg12[%get3A_154, %get3A_155] {strides = array<i32>} : memref<16x640xf32, #tpu.memory_space<vmem>>, vector<16xf32>,
      %add3A_157 = arith.addf %add3A_150, %get3A_156 : vector<16xf32>
      %mul3A_158 = arith.constant 16 : i32
      %mul3A_159 = arith.muli %add3A_72, %mul3A_158 : i32
      %get3A_160 = arith.constant 12 : i32
      %get3A_161 = arith.index_cast %get3A_160 : i32 to index
      %get3A_162 = arith.index_cast %mul3A_159 : i32 to index
      %get3A_163 = tpu.vector_load %arg12[%get3A_161, %get3A_162] {strides = array<i32>} : memref<16x640xf32, #tpu.memory_space<vmem>>, vector<16xf32>,
      %add3A_164 = arith.addf %add3A_157, %get3A_163 : vector<16xf32>
      %mul3A_165 = arith.constant 16 : i32
      %mul3A_166 = arith.muli %add3A_72, %mul3A_165 : i32
      %get3A_167 = arith.constant 13 : i32
      %get3A_168 = arith.index_cast %get3A_167 : i32 to index
      %get3A_169 = arith.index_cast %mul3A_166 : i32 to index
      %get3A_170 = tpu.vector_load %arg12[%get3A_168, %get3A_169] {strides = array<i32>} : memref<16x640xf32, #tpu.memory_space<vmem>>, vector<16xf32>,
      %add3A_171 = arith.addf %add3A_164, %get3A_170 : vector<16xf32>
      %mul3A_172 = arith.constant 16 : i32
      %mul3A_173 = arith.muli %add3A_72, %mul3A_172 : i32
      %get3A_174 = arith.constant 14 : i32
      %get3A_175 = arith.index_cast %get3A_174 : i32 to index
      %get3A_176 = arith.index_cast %mul3A_173 : i32 to index
      %get3A_177 = tpu.vector_load %arg12[%get3A_175, %get3A_176] {strides = array<i32>} : memref<16x640xf32, #tpu.memory_space<vmem>>, vector<16xf32>,
      %add3A_178 = arith.addf %add3A_171, %get3A_177 : vector<16xf32>
      %mul3A_179 = arith.constant 16 : i32
      %mul3A_180 = arith.muli %add3A_72, %mul3A_179 : i32
      %get3A_181 = arith.constant 15 : i32
      %get3A_182 = arith.index_cast %get3A_181 : i32 to index
      %get3A_183 = arith.index_cast %mul3A_180 : i32 to index
      %get3A_184 = tpu.vector_load %arg12[%get3A_182, %get3A_183] {strides = array<i32>} : memref<16x640xf32, #tpu.memory_space<vmem>>, vector<16xf32>,
      %add3A_185 = arith.addf %add3A_178, %get3A_184 : vector<16xf32>
      %mul3A_186 = arith.constant 16 : i32
      %mul3A_187 = arith.muli %add3A_72, %mul3A_186 : i32
      %swap3A = arith.index_cast %mul3A_187 : i32 to index
      %swap3A_188 = tpu.vector_load %arg13[%swap3A] {strides = array<i32>} : memref<640xf32, #tpu.memory_space<vmem>>, vector<16xf32>,
      tpu.vector_store %arg13[%swap3A], %add3A_185 {strides = array<i32>} : memref<640xf32, #tpu.memory_space<vmem>>, vector<16xf32>,
    }
    %scan3A_52 = arith.constant 40 : i32
    "tpu.region"() ({
      %run_scoped3A_68 = tpu.sem_alloc : memref<!tpu.dma_semaphore, #tpu.memory_space<semaphore_mem>>
      %dma_start3A = tpu.memref_slice %arg8[%mul3A_16] : memref<10240xf32, #tpu.memory_space<vmem_shared>> -> memref<640xf32, #tpu.memory_space<vmem_shared>>
      %dma_start3A_69 = tpu.memref_slice %arg8[%mul3A_16] : memref<10240xf32, #tpu.memory_space<vmem_shared>> -> memref<640xf32, #tpu.memory_space<vmem_shared>>
      tpu.enqueue_dma source(%arg13 : memref<640xf32, #tpu.memory_space<vmem>>) target(%dma_start3A_69 : memref<640xf32, #tpu.memory_space<vmem_shared>>) target_semaphore(%run_scoped3A_68 : memref<!tpu.dma_semaphore, #tpu.memory_space<semaphore_mem>>)
      %dma_wait3A = tpu.memref_slice %arg8[%mul3A_16] : memref<10240xf32, #tpu.memory_space<vmem_shared>> -> memref<640xf32, #tpu.memory_space<vmem_shared>>
      %dma_wait3A_70 = tpu.memref_slice %arg8[%mul3A_16] : memref<10240xf32, #tpu.memory_space<vmem_shared>> -> memref<640xf32, #tpu.memory_space<vmem_shared>>
      tpu.wait_dma2 semaphore(%run_scoped3A_68 : memref<!tpu.dma_semaphore, #tpu.memory_space<semaphore_mem>>) src(%arg13 : memref<640xf32, #tpu.memory_space<vmem>>) dst(%dma_wait3A_70 : memref<640xf32, #tpu.memory_space<vmem_shared>>)
      tpu.yield
    }) : () -> ()
    %eq3A = arith.constant 0 : i32
    %eq3A_53 = arith.cmpi eq, %arg0, %eq3A : i32
    %convert_element_type3A = arith.extui %eq3A_53 : i1 to i32
    %cond3A = arith.constant 0 : i32
    %cond3A_54 = arith.cmpi ne, %convert_element_type3A, %cond3A : i32
    scf.if %cond3A_54 {
      "tpu.region"() ({
        %run_scoped3A_68 = tpu.sem_alloc : memref<!tpu.dma_semaphore, #tpu.memory_space<semaphore_mem>>
        %dma_start3A = tpu.memref_slice %arg5[%mul3A_16] : memref<10240xf32, #tpu.memory_space<hbm>> -> memref<640xf32, #tpu.memory_space<hbm>>
        %dma_start3A_69 = tpu.memref_slice %arg5[%mul3A_16] : memref<10240xf32, #tpu.memory_space<hbm>> -> memref<640xf32, #tpu.memory_space<hbm>>
        tpu.enqueue_dma source(%arg13 : memref<640xf32, #tpu.memory_space<vmem>>) target(%dma_start3A_69 : memref<640xf32, #tpu.memory_space<hbm>>) target_semaphore(%run_scoped3A_68 : memref<!tpu.dma_semaphore, #tpu.memory_space<semaphore_mem>>)
        %dma_wait3A = tpu.memref_slice %arg5[%mul3A_16] : memref<10240xf32, #tpu.memory_space<hbm>> -> memref<640xf32, #tpu.memory_space<hbm>>
        %dma_wait3A_70 = tpu.memref_slice %arg5[%mul3A_16] : memref<10240xf32, #tpu.memory_space<hbm>> -> memref<640xf32, #tpu.memory_space<hbm>>
        tpu.wait_dma2 semaphore(%run_scoped3A_68 : memref<!tpu.dma_semaphore, #tpu.memory_space<semaphore_mem>>) src(%arg13 : memref<640xf32, #tpu.memory_space<vmem>>) dst(%dma_wait3A_70 : memref<640xf32, #tpu.memory_space<hbm>>)
        tpu.yield
      }) : () -> ()
    } else {
    }
    %barrier3A_55 = arith.constant 0 : index
    tpu.barrier barrier_id(%barrier3A_55)
    %mul3A_56 = arith.constant 320 : i32
    %mul3A_57 = arith.muli %add3A, %mul3A_56 : i32
    "tpu.region"() ({
      %run_scoped3A_68 = tpu.sem_alloc : memref<!tpu.dma_semaphore, #tpu.memory_space<semaphore_mem>>
      %dma_start3A = tpu.memref_slice %arg8[%mul3A_57] : memref<10240xf32, #tpu.memory_space<vmem_shared>> -> memref<320xf32, #tpu.memory_space<vmem_shared>>
      %dma_start3A_69 = tpu.memref_slice %arg8[%mul3A_57] : memref<10240xf32, #tpu.memory_space<vmem_shared>> -> memref<320xf32, #tpu.memory_space<vmem_shared>>
      tpu.enqueue_dma source(%dma_start3A_69 : memref<320xf32, #tpu.memory_space<vmem_shared>>) target(%arg14 : memref<320xf32, #tpu.memory_space<vmem>>) target_semaphore(%run_scoped3A_68 : memref<!tpu.dma_semaphore, #tpu.memory_space<semaphore_mem>>)
      %dma_wait3A = tpu.memref_slice %arg8[%mul3A_57] : memref<10240xf32, #tpu.memory_space<vmem_shared>> -> memref<320xf32, #tpu.memory_space<vmem_shared>>
      %dma_wait3A_70 = tpu.memref_slice %arg8[%mul3A_57] : memref<10240xf32, #tpu.memory_space<vmem_shared>> -> memref<320xf32, #tpu.memory_space<vmem_shared>>
      tpu.wait_dma2 semaphore(%run_scoped3A_68 : memref<!tpu.dma_semaphore, #tpu.memory_space<semaphore_mem>>) src(%dma_wait3A_70 : memref<320xf32, #tpu.memory_space<vmem_shared>>) dst(%arg14 : memref<320xf32, #tpu.memory_space<vmem>>)
      tpu.yield
    }) : () -> ()
    %scan3A_58 = arith.constant 0 : i32
    %scan3A_59 = arith.constant 20 : i32
    %scan3A_60 = arith.addi %scan3A_58, %scan3A_59 : i32
    %scan3A_61 = arith.constant 1 : i32
    scf.for %scan3A_68 = %scan3A_58 to %scan3A_60 step %scan3A_61  : i32 {
      %mul3A_69 = arith.constant 1 : i32
      %mul3A_70 = arith.muli %scan3A_68, %mul3A_69 : i32
      %add3A_71 = arith.constant 0 : i32
      %add3A_72 = arith.addi %add3A_71, %mul3A_70 : i32
      %mul3A_73 = arith.constant 16 : i32
      %mul3A_74 = arith.muli %add3A_72, %mul3A_73 : i32
      %get3A = arith.index_cast %mul3A_74 : i32 to index
      %get3A_75 = tpu.vector_load %arg14[%get3A] {strides = array<i32>} : memref<320xf32, #tpu.memory_space<vmem>>, vector<16xf32>,
      %bitcast3A = vector.bitcast %get3A_75 : vector<16xf32> to vector<16xi32>
      %shift_right_arithmetic3A = arith.constant 1 : i32
      %shift_right_arithmetic3A_76 = vector.broadcast %shift_right_arithmetic3A : i32 to vector<16xi32>
      %shift_right_arithmetic3A_77 = arith.shrsi %bitcast3A, %shift_right_arithmetic3A_76 : vector<16xi32>
      %sub3A = arith.constant 1597463007 : i32
      %sub3A_78 = vector.broadcast %sub3A : i32 to vector<16xi32>
      %sub3A_79 = arith.subi %sub3A_78, %shift_right_arithmetic3A_77 : vector<16xi32>
      %bitcast3A_80 = vector.bitcast %sub3A_79 : vector<16xi32> to vector<16xf32>
      %mul3A_81 = arith.constant 5.000000e-01 : f32
      %mul3A_82 = vector.broadcast %mul3A_81 : f32 to vector<16xf32>
      %mul3A_83 = arith.mulf %mul3A_82, %get3A_75 : vector<16xf32>
      %mul3A_84 = arith.mulf %mul3A_83, %bitcast3A_80 : vector<16xf32>
      %mul3A_85 = arith.mulf %mul3A_84, %bitcast3A_80 : vector<16xf32>
      %sub3A_86 = arith.constant 1.500000e+00 : f32
      %sub3A_87 = vector.broadcast %sub3A_86 : f32 to vector<16xf32>
      %sub3A_88 = arith.subf %sub3A_87, %mul3A_85 : vector<16xf32>
      %mul3A_89 = arith.mulf %bitcast3A_80, %sub3A_88 : vector<16xf32>
      %mul3A_90 = arith.constant 5.000000e-01 : f32
      %mul3A_91 = vector.broadcast %mul3A_90 : f32 to vector<16xf32>
      %mul3A_92 = arith.mulf %mul3A_91, %get3A_75 : vector<16xf32>
      %mul3A_93 = arith.mulf %mul3A_92, %mul3A_89 : vector<16xf32>
      %mul3A_94 = arith.mulf %mul3A_93, %mul3A_89 : vector<16xf32>
      %sub3A_95 = arith.constant 1.500000e+00 : f32
      %sub3A_96 = vector.broadcast %sub3A_95 : f32 to vector<16xf32>
      %sub3A_97 = arith.subf %sub3A_96, %mul3A_94 : vector<16xf32>
      %mul3A_98 = arith.mulf %mul3A_89, %sub3A_97 : vector<16xf32>
      %mul3A_99 = arith.constant 5.000000e-01 : f32
      %mul3A_100 = vector.broadcast %mul3A_99 : f32 to vector<16xf32>
      %mul3A_101 = arith.mulf %mul3A_100, %get3A_75 : vector<16xf32>
      %mul3A_102 = arith.mulf %mul3A_101, %mul3A_98 : vector<16xf32>
      %mul3A_103 = arith.mulf %mul3A_102, %mul3A_98 : vector<16xf32>
      %sub3A_104 = arith.constant 1.500000e+00 : f32
      %sub3A_105 = vector.broadcast %sub3A_104 : f32 to vector<16xf32>
      %sub3A_106 = arith.subf %sub3A_105, %mul3A_103 : vector<16xf32>
      %mul3A_107 = arith.mulf %mul3A_98, %sub3A_106 : vector<16xf32>
      %mul3A_108 = arith.constant 16 : i32
      %mul3A_109 = arith.muli %add3A_72, %mul3A_108 : i32
      %swap3A = arith.index_cast %mul3A_109 : i32 to index
      %swap3A_110 = tpu.vector_load %arg14[%swap3A] {strides = array<i32>} : memref<320xf32, #tpu.memory_space<vmem>>, vector<16xf32>,
      tpu.vector_store %arg14[%swap3A], %mul3A_107 {strides = array<i32>} : memref<320xf32, #tpu.memory_space<vmem>>, vector<16xf32>,
    }
    %scan3A_62 = arith.constant 20 : i32
    %scan3A_63 = arith.constant 0 : i32
    %scan3A_64 = arith.constant 5 : i32
    %scan3A_65 = arith.addi %scan3A_63, %scan3A_64 : i32
    %scan3A_66 = arith.constant 1 : i32
    scf.for %scan3A_68 = %scan3A_63 to %scan3A_65 step %scan3A_66  : i32 {
      %mul3A_69 = arith.constant 1 : i32
      %mul3A_70 = arith.muli %scan3A_68, %mul3A_69 : i32
      %add3A_71 = arith.constant 0 : i32
      %add3A_72 = arith.addi %add3A_71, %mul3A_70 : i32
      %mul3A_73 = arith.constant 64 : i32
      %mul3A_74 = arith.muli %add3A_72, %mul3A_73 : i32
      %add3A_75 = arith.addi %mul3A_57, %mul3A_74 : i32
      "tpu.region"() ({
        %run_scoped3A_84 = tpu.sem_alloc : memref<!tpu.dma_semaphore, #tpu.memory_space<semaphore_mem>>
        %dma_start3A = arith.constant 0 : i32
        %dma_start3A_85 = tpu.memref_slice %arg2[%add3A_75, %dma_start3A] : memref<10240x128xf32, #tpu.memory_space<hbm>> -> memref<64x128xf32, #tpu.memory_space<hbm>>
        %dma_start3A_86 = arith.constant 0 : i32
        %dma_start3A_87 = tpu.memref_slice %arg2[%add3A_75, %dma_start3A_86] : memref<10240x128xf32, #tpu.memory_space<hbm>> -> memref<64x128xf32, #tpu.memory_space<hbm>>
        tpu.enqueue_dma source(%dma_start3A_87 : memref<64x128xf32, #tpu.memory_space<hbm>>) target(%arg15 : memref<64x128xf32, #tpu.memory_space<vmem>>) target_semaphore(%run_scoped3A_84 : memref<!tpu.dma_semaphore, #tpu.memory_space<semaphore_mem>>)
        %dma_wait3A = arith.constant 0 : i32
        %dma_wait3A_88 = tpu.memref_slice %arg2[%add3A_75, %dma_wait3A] : memref<10240x128xf32, #tpu.memory_space<hbm>> -> memref<64x128xf32, #tpu.memory_space<hbm>>
        %dma_wait3A_89 = arith.constant 0 : i32
        %dma_wait3A_90 = tpu.memref_slice %arg2[%add3A_75, %dma_wait3A_89] : memref<10240x128xf32, #tpu.memory_space<hbm>> -> memref<64x128xf32, #tpu.memory_space<hbm>>
        tpu.wait_dma2 semaphore(%run_scoped3A_84 : memref<!tpu.dma_semaphore, #tpu.memory_space<semaphore_mem>>) src(%dma_wait3A_90 : memref<64x128xf32, #tpu.memory_space<hbm>>) dst(%arg15 : memref<64x128xf32, #tpu.memory_space<vmem>>)
        tpu.yield
      }) : () -> ()
      %scan3A_76 = arith.constant 0 : i32
      %scan3A_77 = arith.constant 4 : i32
      %scan3A_78 = arith.addi %scan3A_76, %scan3A_77 : i32
      %scan3A_79 = arith.constant 1 : i32
      scf.for %scan3A_84 = %scan3A_76 to %scan3A_78 step %scan3A_79  : i32 {
        %mul3A_85 = arith.constant 1 : i32
        %mul3A_86 = arith.muli %scan3A_84, %mul3A_85 : i32
        %add3A_87 = arith.constant 0 : i32
        %add3A_88 = arith.addi %add3A_87, %mul3A_86 : i32
        %mul3A_89 = arith.constant 64 : i32
        %mul3A_90 = arith.muli %add3A_72, %mul3A_89 : i32
        %mul3A_91 = arith.constant 16 : i32
        %mul3A_92 = arith.muli %add3A_88, %mul3A_91 : i32
        %add3A_93 = arith.addi %mul3A_90, %mul3A_92 : i32
        %get3A = arith.index_cast %add3A_93 : i32 to index
        %get3A_94 = tpu.vector_load %arg14[%get3A] {strides = array<i32>} : memref<320xf32, #tpu.memory_space<vmem>>, vector<16xf32>,
        %mul3A_95 = arith.constant 16 : i32
        %mul3A_96 = arith.muli %add3A_88, %mul3A_95 : i32
        %add3A_97 = arith.constant 0 : i32
        %add3A_98 = arith.addi %mul3A_96, %add3A_97 : i32
        %slice3A = vector.extract_strided_slice %get3A_94 {offsets = [0], sizes = [1], strides = [1]} : vector<16xf32> to vector<1xf32>
        %squeeze3A = vector.extract %slice3A[0] : f32 from vector<1xf32>
        %get3A_99 = arith.index_cast %add3A_98 : i32 to index
        %get3A_100 = arith.constant 0 : index
        %get3A_101 = tpu.vector_load %arg15[%get3A_99, %get3A_100] {strides = array<i32>} : memref<64x128xf32, #tpu.memory_space<vmem>>, vector<16xf32>,
        %mul3A_102 = vector.broadcast %squeeze3A : f32 to vector<16xf32>
        %mul3A_103 = arith.mulf %get3A_101, %mul3A_102 : vector<16xf32>
        %swap3A = arith.index_cast %add3A_98 : i32 to index
        %swap3A_104 = arith.constant 0 : index
        %swap3A_105 = tpu.vector_load %arg15[%swap3A, %swap3A_104] {strides = array<i32>} : memref<64x128xf32, #tpu.memory_space<vmem>>, vector<16xf32>,
        tpu.vector_store %arg15[%swap3A, %swap3A_104], %mul3A_103 {strides = array<i32>} : memref<64x128xf32, #tpu.memory_space<vmem>>, vector<16xf32>,
        %get3A_106 = arith.index_cast %add3A_98 : i32 to index
        %get3A_107 = arith.constant 16 : index
        %get3A_108 = tpu.vector_load %arg15[%get3A_106, %get3A_107] {strides = array<i32>} : memref<64x128xf32, #tpu.memory_space<vmem>>, vector<16xf32>,
        %mul3A_109 = vector.broadcast %squeeze3A : f32 to vector<16xf32>
        %mul3A_110 = arith.mulf %get3A_108, %mul3A_109 : vector<16xf32>
        %swap3A_111 = arith.index_cast %add3A_98 : i32 to index
        %swap3A_112 = arith.constant 16 : index
        %swap3A_113 = tpu.vector_load %arg15[%swap3A_111, %swap3A_112] {strides = array<i32>} : memref<64x128xf32, #tpu.memory_space<vmem>>, vector<16xf32>,
        tpu.vector_store %arg15[%swap3A_111, %swap3A_112], %mul3A_110 {strides = array<i32>} : memref<64x128xf32, #tpu.memory_space<vmem>>, vector<16xf32>,
        %get3A_114 = arith.index_cast %add3A_98 : i32 to index
        %get3A_115 = arith.constant 32 : index
        %get3A_116 = tpu.vector_load %arg15[%get3A_114, %get3A_115] {strides = array<i32>} : memref<64x128xf32, #tpu.memory_space<vmem>>, vector<16xf32>,
        %mul3A_117 = vector.broadcast %squeeze3A : f32 to vector<16xf32>
        %mul3A_118 = arith.mulf %get3A_116, %mul3A_117 : vector<16xf32>
        %swap3A_119 = arith.index_cast %add3A_98 : i32 to index
        %swap3A_120 = arith.constant 32 : index
        %swap3A_121 = tpu.vector_load %arg15[%swap3A_119, %swap3A_120] {strides = array<i32>} : memref<64x128xf32, #tpu.memory_space<vmem>>, vector<16xf32>,
        tpu.vector_store %arg15[%swap3A_119, %swap3A_120], %mul3A_118 {strides = array<i32>} : memref<64x128xf32, #tpu.memory_space<vmem>>, vector<16xf32>,
        %get3A_122 = arith.index_cast %add3A_98 : i32 to index
        %get3A_123 = arith.constant 48 : index
        %get3A_124 = tpu.vector_load %arg15[%get3A_122, %get3A_123] {strides = array<i32>} : memref<64x128xf32, #tpu.memory_space<vmem>>, vector<16xf32>,
        %mul3A_125 = vector.broadcast %squeeze3A : f32 to vector<16xf32>
        %mul3A_126 = arith.mulf %get3A_124, %mul3A_125 : vector<16xf32>
        %swap3A_127 = arith.index_cast %add3A_98 : i32 to index
        %swap3A_128 = arith.constant 48 : index
        %swap3A_129 = tpu.vector_load %arg15[%swap3A_127, %swap3A_128] {strides = array<i32>} : memref<64x128xf32, #tpu.memory_space<vmem>>, vector<16xf32>,
        tpu.vector_store %arg15[%swap3A_127, %swap3A_128], %mul3A_126 {strides = array<i32>} : memref<64x128xf32, #tpu.memory_space<vmem>>, vector<16xf32>,
        %get3A_130 = arith.index_cast %add3A_98 : i32 to index
        %get3A_131 = arith.constant 64 : index
        %get3A_132 = tpu.vector_load %arg15[%get3A_130, %get3A_131] {strides = array<i32>} : memref<64x128xf32, #tpu.memory_space<vmem>>, vector<16xf32>,
        %mul3A_133 = vector.broadcast %squeeze3A : f32 to vector<16xf32>
        %mul3A_134 = arith.mulf %get3A_132, %mul3A_133 : vector<16xf32>
        %swap3A_135 = arith.index_cast %add3A_98 : i32 to index
        %swap3A_136 = arith.constant 64 : index
        %swap3A_137 = tpu.vector_load %arg15[%swap3A_135, %swap3A_136] {strides = array<i32>} : memref<64x128xf32, #tpu.memory_space<vmem>>, vector<16xf32>,
        tpu.vector_store %arg15[%swap3A_135, %swap3A_136], %mul3A_134 {strides = array<i32>} : memref<64x128xf32, #tpu.memory_space<vmem>>, vector<16xf32>,
        %get3A_138 = arith.index_cast %add3A_98 : i32 to index
        %get3A_139 = arith.constant 80 : index
        %get3A_140 = tpu.vector_load %arg15[%get3A_138, %get3A_139] {strides = array<i32>} : memref<64x128xf32, #tpu.memory_space<vmem>>, vector<16xf32>,
        %mul3A_141 = vector.broadcast %squeeze3A : f32 to vector<16xf32>
        %mul3A_142 = arith.mulf %get3A_140, %mul3A_141 : vector<16xf32>
        %swap3A_143 = arith.index_cast %add3A_98 : i32 to index
        %swap3A_144 = arith.constant 80 : index
        %swap3A_145 = tpu.vector_load %arg15[%swap3A_143, %swap3A_144] {strides = array<i32>} : memref<64x128xf32, #tpu.memory_space<vmem>>, vector<16xf32>,
        tpu.vector_store %arg15[%swap3A_143, %swap3A_144], %mul3A_142 {strides = array<i32>} : memref<64x128xf32, #tpu.memory_space<vmem>>, vector<16xf32>,
        %get3A_146 = arith.index_cast %add3A_98 : i32 to index
        %get3A_147 = arith.constant 96 : index
        %get3A_148 = tpu.vector_load %arg15[%get3A_146, %get3A_147] {strides = array<i32>} : memref<64x128xf32, #tpu.memory_space<vmem>>, vector<16xf32>,
        %mul3A_149 = vector.broadcast %squeeze3A : f32 to vector<16xf32>
        %mul3A_150 = arith.mulf %get3A_148, %mul3A_149 : vector<16xf32>
        %swap3A_151 = arith.index_cast %add3A_98 : i32 to index
        %swap3A_152 = arith.constant 96 : index
        %swap3A_153 = tpu.vector_load %arg15[%swap3A_151, %swap3A_152] {strides = array<i32>} : memref<64x128xf32, #tpu.memory_space<vmem>>, vector<16xf32>,
        tpu.vector_store %arg15[%swap3A_151, %swap3A_152], %mul3A_150 {strides = array<i32>} : memref<64x128xf32, #tpu.memory_space<vmem>>, vector<16xf32>,
        %get3A_154 = arith.index_cast %add3A_98 : i32 to index
        %get3A_155 = arith.constant 112 : index
        %get3A_156 = tpu.vector_load %arg15[%get3A_154, %get3A_155] {strides = array<i32>} : memref<64x128xf32, #tpu.memory_space<vmem>>, vector<16xf32>,
        %mul3A_157 = vector.broadcast %squeeze3A : f32 to vector<16xf32>
        %mul3A_158 = arith.mulf %get3A_156, %mul3A_157 : vector<16xf32>
        %swap3A_159 = arith.index_cast %add3A_98 : i32 to index
        %swap3A_160 = arith.constant 112 : index
        %swap3A_161 = tpu.vector_load %arg15[%swap3A_159, %swap3A_160] {strides = array<i32>} : memref<64x128xf32, #tpu.memory_space<vmem>>, vector<16xf32>,
        tpu.vector_store %arg15[%swap3A_159, %swap3A_160], %mul3A_158 {strides = array<i32>} : memref<64x128xf32, #tpu.memory_space<vmem>>, vector<16xf32>,
        %mul3A_162 = arith.constant 16 : i32
        %mul3A_163 = arith.muli %add3A_88, %mul3A_162 : i32
        %add3A_164 = arith.constant 1 : i32
        %add3A_165 = arith.addi %mul3A_163, %add3A_164 : i32
        %slice3A_166 = vector.extract_strided_slice %get3A_94 {offsets = [1], sizes = [1], strides = [1]} : vector<16xf32> to vector<1xf32>
        %squeeze3A_167 = vector.extract %slice3A_166[0] : f32 from vector<1xf32>
        %get3A_168 = arith.index_cast %add3A_165 : i32 to index
        %get3A_169 = arith.constant 0 : index
        %get3A_170 = tpu.vector_load %arg15[%get3A_168, %get3A_169] {strides = array<i32>} : memref<64x128xf32, #tpu.memory_space<vmem>>, vector<16xf32>,
        %mul3A_171 = vector.broadcast %squeeze3A_167 : f32 to vector<16xf32>
        %mul3A_172 = arith.mulf %get3A_170, %mul3A_171 : vector<16xf32>
        %swap3A_173 = arith.index_cast %add3A_165 : i32 to index
        %swap3A_174 = arith.constant 0 : index
        %swap3A_175 = tpu.vector_load %arg15[%swap3A_173, %swap3A_174] {strides = array<i32>} : memref<64x128xf32, #tpu.memory_space<vmem>>, vector<16xf32>,
        tpu.vector_store %arg15[%swap3A_173, %swap3A_174], %mul3A_172 {strides = array<i32>} : memref<64x128xf32, #tpu.memory_space<vmem>>, vector<16xf32>,
        %get3A_176 = arith.index_cast %add3A_165 : i32 to index
        %get3A_177 = arith.constant 16 : index
        %get3A_178 = tpu.vector_load %arg15[%get3A_176, %get3A_177] {strides = array<i32>} : memref<64x128xf32, #tpu.memory_space<vmem>>, vector<16xf32>,
        %mul3A_179 = vector.broadcast %squeeze3A_167 : f32 to vector<16xf32>
        %mul3A_180 = arith.mulf %get3A_178, %mul3A_179 : vector<16xf32>
        %swap3A_181 = arith.index_cast %add3A_165 : i32 to index
        %swap3A_182 = arith.constant 16 : index
        %swap3A_183 = tpu.vector_load %arg15[%swap3A_181, %swap3A_182] {strides = array<i32>} : memref<64x128xf32, #tpu.memory_space<vmem>>, vector<16xf32>,
        tpu.vector_store %arg15[%swap3A_181, %swap3A_182], %mul3A_180 {strides = array<i32>} : memref<64x128xf32, #tpu.memory_space<vmem>>, vector<16xf32>,
        %get3A_184 = arith.index_cast %add3A_165 : i32 to index
        %get3A_185 = arith.constant 32 : index
        %get3A_186 = tpu.vector_load %arg15[%get3A_184, %get3A_185] {strides = array<i32>} : memref<64x128xf32, #tpu.memory_space<vmem>>, vector<16xf32>,
        %mul3A_187 = vector.broadcast %squeeze3A_167 : f32 to vector<16xf32>
        %mul3A_188 = arith.mulf %get3A_186, %mul3A_187 : vector<16xf32>
        %swap3A_189 = arith.index_cast %add3A_165 : i32 to index
        %swap3A_190 = arith.constant 32 : index
        %swap3A_191 = tpu.vector_load %arg15[%swap3A_189, %swap3A_190] {strides = array<i32>} : memref<64x128xf32, #tpu.memory_space<vmem>>, vector<16xf32>,
        tpu.vector_store %arg15[%swap3A_189, %swap3A_190], %mul3A_188 {strides = array<i32>} : memref<64x128xf32, #tpu.memory_space<vmem>>, vector<16xf32>,
        %get3A_192 = arith.index_cast %add3A_165 : i32 to index
        %get3A_193 = arith.constant 48 : index
        %get3A_194 = tpu.vector_load %arg15[%get3A_192, %get3A_193] {strides = array<i32>} : memref<64x128xf32, #tpu.memory_space<vmem>>, vector<16xf32>,
        %mul3A_195 = vector.broadcast %squeeze3A_167 : f32 to vector<16xf32>
        %mul3A_196 = arith.mulf %get3A_194, %mul3A_195 : vector<16xf32>
        %swap3A_197 = arith.index_cast %add3A_165 : i32 to index
        %swap3A_198 = arith.constant 48 : index
        %swap3A_199 = tpu.vector_load %arg15[%swap3A_197, %swap3A_198] {strides = array<i32>} : memref<64x128xf32, #tpu.memory_space<vmem>>, vector<16xf32>,
        tpu.vector_store %arg15[%swap3A_197, %swap3A_198], %mul3A_196 {strides = array<i32>} : memref<64x128xf32, #tpu.memory_space<vmem>>, vector<16xf32>,
        %get3A_200 = arith.index_cast %add3A_165 : i32 to index
        %get3A_201 = arith.constant 64 : index
        %get3A_202 = tpu.vector_load %arg15[%get3A_200, %get3A_201] {strides = array<i32>} : memref<64x128xf32, #tpu.memory_space<vmem>>, vector<16xf32>,
        %mul3A_203 = vector.broadcast %squeeze3A_167 : f32 to vector<16xf32>
        %mul3A_204 = arith.mulf %get3A_202, %mul3A_203 : vector<16xf32>
        %swap3A_205 = arith.index_cast %add3A_165 : i32 to index
        %swap3A_206 = arith.constant 64 : index
        %swap3A_207 = tpu.vector_load %arg15[%swap3A_205, %swap3A_206] {strides = array<i32>} : memref<64x128xf32, #tpu.memory_space<vmem>>, vector<16xf32>,
        tpu.vector_store %arg15[%swap3A_205, %swap3A_206], %mul3A_204 {strides = array<i32>} : memref<64x128xf32, #tpu.memory_space<vmem>>, vector<16xf32>,
        %get3A_208 = arith.index_cast %add3A_165 : i32 to index
        %get3A_209 = arith.constant 80 : index
        %get3A_210 = tpu.vector_load %arg15[%get3A_208, %get3A_209] {strides = array<i32>} : memref<64x128xf32, #tpu.memory_space<vmem>>, vector<16xf32>,
        %mul3A_211 = vector.broadcast %squeeze3A_167 : f32 to vector<16xf32>
        %mul3A_212 = arith.mulf %get3A_210, %mul3A_211 : vector<16xf32>
        %swap3A_213 = arith.index_cast %add3A_165 : i32 to index
        %swap3A_214 = arith.constant 80 : index
        %swap3A_215 = tpu.vector_load %arg15[%swap3A_213, %swap3A_214] {strides = array<i32>} : memref<64x128xf32, #tpu.memory_space<vmem>>, vector<16xf32>,
        tpu.vector_store %arg15[%swap3A_213, %swap3A_214], %mul3A_212 {strides = array<i32>} : memref<64x128xf32, #tpu.memory_space<vmem>>, vector<16xf32>,
        %get3A_216 = arith.index_cast %add3A_165 : i32 to index
        %get3A_217 = arith.constant 96 : index
        %get3A_218 = tpu.vector_load %arg15[%get3A_216, %get3A_217] {strides = array<i32>} : memref<64x128xf32, #tpu.memory_space<vmem>>, vector<16xf32>,
        %mul3A_219 = vector.broadcast %squeeze3A_167 : f32 to vector<16xf32>
        %mul3A_220 = arith.mulf %get3A_218, %mul3A_219 : vector<16xf32>
        %swap3A_221 = arith.index_cast %add3A_165 : i32 to index
        %swap3A_222 = arith.constant 96 : index
        %swap3A_223 = tpu.vector_load %arg15[%swap3A_221, %swap3A_222] {strides = array<i32>} : memref<64x128xf32, #tpu.memory_space<vmem>>, vector<16xf32>,
        tpu.vector_store %arg15[%swap3A_221, %swap3A_222], %mul3A_220 {strides = array<i32>} : memref<64x128xf32, #tpu.memory_space<vmem>>, vector<16xf32>,
        %get3A_224 = arith.index_cast %add3A_165 : i32 to index
        %get3A_225 = arith.constant 112 : index
        %get3A_226 = tpu.vector_load %arg15[%get3A_224, %get3A_225] {strides = array<i32>} : memref<64x128xf32, #tpu.memory_space<vmem>>, vector<16xf32>,
        %mul3A_227 = vector.broadcast %squeeze3A_167 : f32 to vector<16xf32>
        %mul3A_228 = arith.mulf %get3A_226, %mul3A_227 : vector<16xf32>
        %swap3A_229 = arith.index_cast %add3A_165 : i32 to index
        %swap3A_230 = arith.constant 112 : index
        %swap3A_231 = tpu.vector_load %arg15[%swap3A_229, %swap3A_230] {strides = array<i32>} : memref<64x128xf32, #tpu.memory_space<vmem>>, vector<16xf32>,
        tpu.vector_store %arg15[%swap3A_229, %swap3A_230], %mul3A_228 {strides = array<i32>} : memref<64x128xf32, #tpu.memory_space<vmem>>, vector<16xf32>,
        %mul3A_232 = arith.constant 16 : i32
        %mul3A_233 = arith.muli %add3A_88, %mul3A_232 : i32
        %add3A_234 = arith.constant 2 : i32
        %add3A_235 = arith.addi %mul3A_233, %add3A_234 : i32
        %slice3A_236 = vector.extract_strided_slice %get3A_94 {offsets = [2], sizes = [1], strides = [1]} : vector<16xf32> to vector<1xf32>
        %squeeze3A_237 = vector.extract %slice3A_236[0] : f32 from vector<1xf32>
        %get3A_238 = arith.index_cast %add3A_235 : i32 to index
        %get3A_239 = arith.constant 0 : index
        %get3A_240 = tpu.vector_load %arg15[%get3A_238, %get3A_239] {strides = array<i32>} : memref<64x128xf32, #tpu.memory_space<vmem>>, vector<16xf32>,
        %mul3A_241 = vector.broadcast %squeeze3A_237 : f32 to vector<16xf32>
        %mul3A_242 = arith.mulf %get3A_240, %mul3A_241 : vector<16xf32>
        %swap3A_243 = arith.index_cast %add3A_235 : i32 to index
        %swap3A_244 = arith.constant 0 : index
        %swap3A_245 = tpu.vector_load %arg15[%swap3A_243, %swap3A_244] {strides = array<i32>} : memref<64x128xf32, #tpu.memory_space<vmem>>, vector<16xf32>,
        tpu.vector_store %arg15[%swap3A_243, %swap3A_244], %mul3A_242 {strides = array<i32>} : memref<64x128xf32, #tpu.memory_space<vmem>>, vector<16xf32>,
        %get3A_246 = arith.index_cast %add3A_235 : i32 to index
        %get3A_247 = arith.constant 16 : index
        %get3A_248 = tpu.vector_load %arg15[%get3A_246, %get3A_247] {strides = array<i32>} : memref<64x128xf32, #tpu.memory_space<vmem>>, vector<16xf32>,
        %mul3A_249 = vector.broadcast %squeeze3A_237 : f32 to vector<16xf32>
        %mul3A_250 = arith.mulf %get3A_248, %mul3A_249 : vector<16xf32>
        %swap3A_251 = arith.index_cast %add3A_235 : i32 to index
        %swap3A_252 = arith.constant 16 : index
        %swap3A_253 = tpu.vector_load %arg15[%swap3A_251, %swap3A_252] {strides = array<i32>} : memref<64x128xf32, #tpu.memory_space<vmem>>, vector<16xf32>,
        tpu.vector_store %arg15[%swap3A_251, %swap3A_252], %mul3A_250 {strides = array<i32>} : memref<64x128xf32, #tpu.memory_space<vmem>>, vector<16xf32>,
        %get3A_254 = arith.index_cast %add3A_235 : i32 to index
        %get3A_255 = arith.constant 32 : index
        %get3A_256 = tpu.vector_load %arg15[%get3A_254, %get3A_255] {strides = array<i32>} : memref<64x128xf32, #tpu.memory_space<vmem>>, vector<16xf32>,
        %mul3A_257 = vector.broadcast %squeeze3A_237 : f32 to vector<16xf32>
        %mul3A_258 = arith.mulf %get3A_256, %mul3A_257 : vector<16xf32>
        %swap3A_259 = arith.index_cast %add3A_235 : i32 to index
        %swap3A_260 = arith.constant 32 : index
        %swap3A_261 = tpu.vector_load %arg15[%swap3A_259, %swap3A_260] {strides = array<i32>} : memref<64x128xf32, #tpu.memory_space<vmem>>, vector<16xf32>,
        tpu.vector_store %arg15[%swap3A_259, %swap3A_260], %mul3A_258 {strides = array<i32>} : memref<64x128xf32, #tpu.memory_space<vmem>>, vector<16xf32>,
        %get3A_262 = arith.index_cast %add3A_235 : i32 to index
        %get3A_263 = arith.constant 48 : index
        %get3A_264 = tpu.vector_load %arg15[%get3A_262, %get3A_263] {strides = array<i32>} : memref<64x128xf32, #tpu.memory_space<vmem>>, vector<16xf32>,
        %mul3A_265 = vector.broadcast %squeeze3A_237 : f32 to vector<16xf32>
        %mul3A_266 = arith.mulf %get3A_264, %mul3A_265 : vector<16xf32>
        %swap3A_267 = arith.index_cast %add3A_235 : i32 to index
        %swap3A_268 = arith.constant 48 : index
        %swap3A_269 = tpu.vector_load %arg15[%swap3A_267, %swap3A_268] {strides = array<i32>} : memref<64x128xf32, #tpu.memory_space<vmem>>, vector<16xf32>,
        tpu.vector_store %arg15[%swap3A_267, %swap3A_268], %mul3A_266 {strides = array<i32>} : memref<64x128xf32, #tpu.memory_space<vmem>>, vector<16xf32>,
        %get3A_270 = arith.index_cast %add3A_235 : i32 to index
        %get3A_271 = arith.constant 64 : index
        %get3A_272 = tpu.vector_load %arg15[%get3A_270, %get3A_271] {strides = array<i32>} : memref<64x128xf32, #tpu.memory_space<vmem>>, vector<16xf32>,
        %mul3A_273 = vector.broadcast %squeeze3A_237 : f32 to vector<16xf32>
        %mul3A_274 = arith.mulf %get3A_272, %mul3A_273 : vector<16xf32>
        %swap3A_275 = arith.index_cast %add3A_235 : i32 to index
        %swap3A_276 = arith.constant 64 : index
        %swap3A_277 = tpu.vector_load %arg15[%swap3A_275, %swap3A_276] {strides = array<i32>} : memref<64x128xf32, #tpu.memory_space<vmem>>, vector<16xf32>,
        tpu.vector_store %arg15[%swap3A_275, %swap3A_276], %mul3A_274 {strides = array<i32>} : memref<64x128xf32, #tpu.memory_space<vmem>>, vector<16xf32>,
        %get3A_278 = arith.index_cast %add3A_235 : i32 to index
        %get3A_279 = arith.constant 80 : index
        %get3A_280 = tpu.vector_load %arg15[%get3A_278, %get3A_279] {strides = array<i32>} : memref<64x128xf32, #tpu.memory_space<vmem>>, vector<16xf32>,
        %mul3A_281 = vector.broadcast %squeeze3A_237 : f32 to vector<16xf32>
        %mul3A_282 = arith.mulf %get3A_280, %mul3A_281 : vector<16xf32>
        %swap3A_283 = arith.index_cast %add3A_235 : i32 to index
        %swap3A_284 = arith.constant 80 : index
        %swap3A_285 = tpu.vector_load %arg15[%swap3A_283, %swap3A_284] {strides = array<i32>} : memref<64x128xf32, #tpu.memory_space<vmem>>, vector<16xf32>,
        tpu.vector_store %arg15[%swap3A_283, %swap3A_284], %mul3A_282 {strides = array<i32>} : memref<64x128xf32, #tpu.memory_space<vmem>>, vector<16xf32>,
        %get3A_286 = arith.index_cast %add3A_235 : i32 to index
        %get3A_287 = arith.constant 96 : index
        %get3A_288 = tpu.vector_load %arg15[%get3A_286, %get3A_287] {strides = array<i32>} : memref<64x128xf32, #tpu.memory_space<vmem>>, vector<16xf32>,
        %mul3A_289 = vector.broadcast %squeeze3A_237 : f32 to vector<16xf32>
        %mul3A_290 = arith.mulf %get3A_288, %mul3A_289 : vector<16xf32>
        %swap3A_291 = arith.index_cast %add3A_235 : i32 to index
        %swap3A_292 = arith.constant 96 : index
        %swap3A_293 = tpu.vector_load %arg15[%swap3A_291, %swap3A_292] {strides = array<i32>} : memref<64x128xf32, #tpu.memory_space<vmem>>, vector<16xf32>,
        tpu.vector_store %arg15[%swap3A_291, %swap3A_292], %mul3A_290 {strides = array<i32>} : memref<64x128xf32, #tpu.memory_space<vmem>>, vector<16xf32>,
        %get3A_294 = arith.index_cast %add3A_235 : i32 to index
        %get3A_295 = arith.constant 112 : index
        %get3A_296 = tpu.vector_load %arg15[%get3A_294, %get3A_295] {strides = array<i32>} : memref<64x128xf32, #tpu.memory_space<vmem>>, vector<16xf32>,
        %mul3A_297 = vector.broadcast %squeeze3A_237 : f32 to vector<16xf32>
        %mul3A_298 = arith.mulf %get3A_296, %mul3A_297 : vector<16xf32>
        %swap3A_299 = arith.index_cast %add3A_235 : i32 to index
        %swap3A_300 = arith.constant 112 : index
        %swap3A_301 = tpu.vector_load %arg15[%swap3A_299, %swap3A_300] {strides = array<i32>} : memref<64x128xf32, #tpu.memory_space<vmem>>, vector<16xf32>,
        tpu.vector_store %arg15[%swap3A_299, %swap3A_300], %mul3A_298 {strides = array<i32>} : memref<64x128xf32, #tpu.memory_space<vmem>>, vector<16xf32>,
        %mul3A_302 = arith.constant 16 : i32
        %mul3A_303 = arith.muli %add3A_88, %mul3A_302 : i32
        %add3A_304 = arith.constant 3 : i32
        %add3A_305 = arith.addi %mul3A_303, %add3A_304 : i32
        %slice3A_306 = vector.extract_strided_slice %get3A_94 {offsets = [3], sizes = [1], strides = [1]} : vector<16xf32> to vector<1xf32>
        %squeeze3A_307 = vector.extract %slice3A_306[0] : f32 from vector<1xf32>
        %get3A_308 = arith.index_cast %add3A_305 : i32 to index
        %get3A_309 = arith.constant 0 : index
        %get3A_310 = tpu.vector_load %arg15[%get3A_308, %get3A_309] {strides = array<i32>} : memref<64x128xf32, #tpu.memory_space<vmem>>, vector<16xf32>,
        %mul3A_311 = vector.broadcast %squeeze3A_307 : f32 to vector<16xf32>
        %mul3A_312 = arith.mulf %get3A_310, %mul3A_311 : vector<16xf32>
        %swap3A_313 = arith.index_cast %add3A_305 : i32 to index
        %swap3A_314 = arith.constant 0 : index
        %swap3A_315 = tpu.vector_load %arg15[%swap3A_313, %swap3A_314] {strides = array<i32>} : memref<64x128xf32, #tpu.memory_space<vmem>>, vector<16xf32>,
        tpu.vector_store %arg15[%swap3A_313, %swap3A_314], %mul3A_312 {strides = array<i32>} : memref<64x128xf32, #tpu.memory_space<vmem>>, vector<16xf32>,
        %get3A_316 = arith.index_cast %add3A_305 : i32 to index
        %get3A_317 = arith.constant 16 : index
        %get3A_318 = tpu.vector_load %arg15[%get3A_316, %get3A_317] {strides = array<i32>} : memref<64x128xf32, #tpu.memory_space<vmem>>, vector<16xf32>,
        %mul3A_319 = vector.broadcast %squeeze3A_307 : f32 to vector<16xf32>
        %mul3A_320 = arith.mulf %get3A_318, %mul3A_319 : vector<16xf32>
        %swap3A_321 = arith.index_cast %add3A_305 : i32 to index
        %swap3A_322 = arith.constant 16 : index
        %swap3A_323 = tpu.vector_load %arg15[%swap3A_321, %swap3A_322] {strides = array<i32>} : memref<64x128xf32, #tpu.memory_space<vmem>>, vector<16xf32>,
        tpu.vector_store %arg15[%swap3A_321, %swap3A_322], %mul3A_320 {strides = array<i32>} : memref<64x128xf32, #tpu.memory_space<vmem>>, vector<16xf32>,
        %get3A_324 = arith.index_cast %add3A_305 : i32 to index
        %get3A_325 = arith.constant 32 : index
        %get3A_326 = tpu.vector_load %arg15[%get3A_324, %get3A_325] {strides = array<i32>} : memref<64x128xf32, #tpu.memory_space<vmem>>, vector<16xf32>,
        %mul3A_327 = vector.broadcast %squeeze3A_307 : f32 to vector<16xf32>
        %mul3A_328 = arith.mulf %get3A_326, %mul3A_327 : vector<16xf32>
        %swap3A_329 = arith.index_cast %add3A_305 : i32 to index
        %swap3A_330 = arith.constant 32 : index
        %swap3A_331 = tpu.vector_load %arg15[%swap3A_329, %swap3A_330] {strides = array<i32>} : memref<64x128xf32, #tpu.memory_space<vmem>>, vector<16xf32>,
        tpu.vector_store %arg15[%swap3A_329, %swap3A_330], %mul3A_328 {strides = array<i32>} : memref<64x128xf32, #tpu.memory_space<vmem>>, vector<16xf32>,
        %get3A_332 = arith.index_cast %add3A_305 : i32 to index
        %get3A_333 = arith.constant 48 : index
        %get3A_334 = tpu.vector_load %arg15[%get3A_332, %get3A_333] {strides = array<i32>} : memref<64x128xf32, #tpu.memory_space<vmem>>, vector<16xf32>,
        %mul3A_335 = vector.broadcast %squeeze3A_307 : f32 to vector<16xf32>
        %mul3A_336 = arith.mulf %get3A_334, %mul3A_335 : vector<16xf32>
        %swap3A_337 = arith.index_cast %add3A_305 : i32 to index
        %swap3A_338 = arith.constant 48 : index
        %swap3A_339 = tpu.vector_load %arg15[%swap3A_337, %swap3A_338] {strides = array<i32>} : memref<64x128xf32, #tpu.memory_space<vmem>>, vector<16xf32>,
        tpu.vector_store %arg15[%swap3A_337, %swap3A_338], %mul3A_336 {strides = array<i32>} : memref<64x128xf32, #tpu.memory_space<vmem>>, vector<16xf32>,
        %get3A_340 = arith.index_cast %add3A_305 : i32 to index
        %get3A_341 = arith.constant 64 : index
        %get3A_342 = tpu.vector_load %arg15[%get3A_340, %get3A_341] {strides = array<i32>} : memref<64x128xf32, #tpu.memory_space<vmem>>, vector<16xf32>,
        %mul3A_343 = vector.broadcast %squeeze3A_307 : f32 to vector<16xf32>
        %mul3A_344 = arith.mulf %get3A_342, %mul3A_343 : vector<16xf32>
        %swap3A_345 = arith.index_cast %add3A_305 : i32 to index
        %swap3A_346 = arith.constant 64 : index
        %swap3A_347 = tpu.vector_load %arg15[%swap3A_345, %swap3A_346] {strides = array<i32>} : memref<64x128xf32, #tpu.memory_space<vmem>>, vector<16xf32>,
        tpu.vector_store %arg15[%swap3A_345, %swap3A_346], %mul3A_344 {strides = array<i32>} : memref<64x128xf32, #tpu.memory_space<vmem>>, vector<16xf32>,
        %get3A_348 = arith.index_cast %add3A_305 : i32 to index
        %get3A_349 = arith.constant 80 : index
        %get3A_350 = tpu.vector_load %arg15[%get3A_348, %get3A_349] {strides = array<i32>} : memref<64x128xf32, #tpu.memory_space<vmem>>, vector<16xf32>,
        %mul3A_351 = vector.broadcast %squeeze3A_307 : f32 to vector<16xf32>
        %mul3A_352 = arith.mulf %get3A_350, %mul3A_351 : vector<16xf32>
        %swap3A_353 = arith.index_cast %add3A_305 : i32 to index
        %swap3A_354 = arith.constant 80 : index
        %swap3A_355 = tpu.vector_load %arg15[%swap3A_353, %swap3A_354] {strides = array<i32>} : memref<64x128xf32, #tpu.memory_space<vmem>>, vector<16xf32>,
        tpu.vector_store %arg15[%swap3A_353, %swap3A_354], %mul3A_352 {strides = array<i32>} : memref<64x128xf32, #tpu.memory_space<vmem>>, vector<16xf32>,
        %get3A_356 = arith.index_cast %add3A_305 : i32 to index
        %get3A_357 = arith.constant 96 : index
        %get3A_358 = tpu.vector_load %arg15[%get3A_356, %get3A_357] {strides = array<i32>} : memref<64x128xf32, #tpu.memory_space<vmem>>, vector<16xf32>,
        %mul3A_359 = vector.broadcast %squeeze3A_307 : f32 to vector<16xf32>
        %mul3A_360 = arith.mulf %get3A_358, %mul3A_359 : vector<16xf32>
        %swap3A_361 = arith.index_cast %add3A_305 : i32 to index
        %swap3A_362 = arith.constant 96 : index
        %swap3A_363 = tpu.vector_load %arg15[%swap3A_361, %swap3A_362] {strides = array<i32>} : memref<64x128xf32, #tpu.memory_space<vmem>>, vector<16xf32>,
        tpu.vector_store %arg15[%swap3A_361, %swap3A_362], %mul3A_360 {strides = array<i32>} : memref<64x128xf32, #tpu.memory_space<vmem>>, vector<16xf32>,
        %get3A_364 = arith.index_cast %add3A_305 : i32 to index
        %get3A_365 = arith.constant 112 : index
        %get3A_366 = tpu.vector_load %arg15[%get3A_364, %get3A_365] {strides = array<i32>} : memref<64x128xf32, #tpu.memory_space<vmem>>, vector<16xf32>,
        %mul3A_367 = vector.broadcast %squeeze3A_307 : f32 to vector<16xf32>
        %mul3A_368 = arith.mulf %get3A_366, %mul3A_367 : vector<16xf32>
        %swap3A_369 = arith.index_cast %add3A_305 : i32 to index
        %swap3A_370 = arith.constant 112 : index
        %swap3A_371 = tpu.vector_load %arg15[%swap3A_369, %swap3A_370] {strides = array<i32>} : memref<64x128xf32, #tpu.memory_space<vmem>>, vector<16xf32>,
        tpu.vector_store %arg15[%swap3A_369, %swap3A_370], %mul3A_368 {strides = array<i32>} : memref<64x128xf32, #tpu.memory_space<vmem>>, vector<16xf32>,
        %mul3A_372 = arith.constant 16 : i32
        %mul3A_373 = arith.muli %add3A_88, %mul3A_372 : i32
        %add3A_374 = arith.constant 4 : i32
        %add3A_375 = arith.addi %mul3A_373, %add3A_374 : i32
        %slice3A_376 = vector.extract_strided_slice %get3A_94 {offsets = [4], sizes = [1], strides = [1]} : vector<16xf32> to vector<1xf32>
        %squeeze3A_377 = vector.extract %slice3A_376[0] : f32 from vector<1xf32>
        %get3A_378 = arith.index_cast %add3A_375 : i32 to index
        %get3A_379 = arith.constant 0 : index
        %get3A_380 = tpu.vector_load %arg15[%get3A_378, %get3A_379] {strides = array<i32>} : memref<64x128xf32, #tpu.memory_space<vmem>>, vector<16xf32>,
        %mul3A_381 = vector.broadcast %squeeze3A_377 : f32 to vector<16xf32>
        %mul3A_382 = arith.mulf %get3A_380, %mul3A_381 : vector<16xf32>
        %swap3A_383 = arith.index_cast %add3A_375 : i32 to index
        %swap3A_384 = arith.constant 0 : index
        %swap3A_385 = tpu.vector_load %arg15[%swap3A_383, %swap3A_384] {strides = array<i32>} : memref<64x128xf32, #tpu.memory_space<vmem>>, vector<16xf32>,
        tpu.vector_store %arg15[%swap3A_383, %swap3A_384], %mul3A_382 {strides = array<i32>} : memref<64x128xf32, #tpu.memory_space<vmem>>, vector<16xf32>,
        %get3A_386 = arith.index_cast %add3A_375 : i32 to index
        %get3A_387 = arith.constant 16 : index
        %get3A_388 = tpu.vector_load %arg15[%get3A_386, %get3A_387] {strides = array<i32>} : memref<64x128xf32, #tpu.memory_space<vmem>>, vector<16xf32>,
        %mul3A_389 = vector.broadcast %squeeze3A_377 : f32 to vector<16xf32>
        %mul3A_390 = arith.mulf %get3A_388, %mul3A_389 : vector<16xf32>
        %swap3A_391 = arith.index_cast %add3A_375 : i32 to index
        %swap3A_392 = arith.constant 16 : index
        %swap3A_393 = tpu.vector_load %arg15[%swap3A_391, %swap3A_392] {strides = array<i32>} : memref<64x128xf32, #tpu.memory_space<vmem>>, vector<16xf32>,
        tpu.vector_store %arg15[%swap3A_391, %swap3A_392], %mul3A_390 {strides = array<i32>} : memref<64x128xf32, #tpu.memory_space<vmem>>, vector<16xf32>,
        %get3A_394 = arith.index_cast %add3A_375 : i32 to index
        %get3A_395 = arith.constant 32 : index
        %get3A_396 = tpu.vector_load %arg15[%get3A_394, %get3A_395] {strides = array<i32>} : memref<64x128xf32, #tpu.memory_space<vmem>>, vector<16xf32>,
        %mul3A_397 = vector.broadcast %squeeze3A_377 : f32 to vector<16xf32>
        %mul3A_398 = arith.mulf %get3A_396, %mul3A_397 : vector<16xf32>
        %swap3A_399 = arith.index_cast %add3A_375 : i32 to index
        %swap3A_400 = arith.constant 32 : index
        %swap3A_401 = tpu.vector_load %arg15[%swap3A_399, %swap3A_400] {strides = array<i32>} : memref<64x128xf32, #tpu.memory_space<vmem>>, vector<16xf32>,
        tpu.vector_store %arg15[%swap3A_399, %swap3A_400], %mul3A_398 {strides = array<i32>} : memref<64x128xf32, #tpu.memory_space<vmem>>, vector<16xf32>,
        %get3A_402 = arith.index_cast %add3A_375 : i32 to index
        %get3A_403 = arith.constant 48 : index
        %get3A_404 = tpu.vector_load %arg15[%get3A_402, %get3A_403] {strides = array<i32>} : memref<64x128xf32, #tpu.memory_space<vmem>>, vector<16xf32>,
        %mul3A_405 = vector.broadcast %squeeze3A_377 : f32 to vector<16xf32>
        %mul3A_406 = arith.mulf %get3A_404, %mul3A_405 : vector<16xf32>
        %swap3A_407 = arith.index_cast %add3A_375 : i32 to index
        %swap3A_408 = arith.constant 48 : index
        %swap3A_409 = tpu.vector_load %arg15[%swap3A_407, %swap3A_408] {strides = array<i32>} : memref<64x128xf32, #tpu.memory_space<vmem>>, vector<16xf32>,
        tpu.vector_store %arg15[%swap3A_407, %swap3A_408], %mul3A_406 {strides = array<i32>} : memref<64x128xf32, #tpu.memory_space<vmem>>, vector<16xf32>,
        %get3A_410 = arith.index_cast %add3A_375 : i32 to index
        %get3A_411 = arith.constant 64 : index
        %get3A_412 = tpu.vector_load %arg15[%get3A_410, %get3A_411] {strides = array<i32>} : memref<64x128xf32, #tpu.memory_space<vmem>>, vector<16xf32>,
        %mul3A_413 = vector.broadcast %squeeze3A_377 : f32 to vector<16xf32>
        %mul3A_414 = arith.mulf %get3A_412, %mul3A_413 : vector<16xf32>
        %swap3A_415 = arith.index_cast %add3A_375 : i32 to index
        %swap3A_416 = arith.constant 64 : index
        %swap3A_417 = tpu.vector_load %arg15[%swap3A_415, %swap3A_416] {strides = array<i32>} : memref<64x128xf32, #tpu.memory_space<vmem>>, vector<16xf32>,
        tpu.vector_store %arg15[%swap3A_415, %swap3A_416], %mul3A_414 {strides = array<i32>} : memref<64x128xf32, #tpu.memory_space<vmem>>, vector<16xf32>,
        %get3A_418 = arith.index_cast %add3A_375 : i32 to index
        %get3A_419 = arith.constant 80 : index
        %get3A_420 = tpu.vector_load %arg15[%get3A_418, %get3A_419] {strides = array<i32>} : memref<64x128xf32, #tpu.memory_space<vmem>>, vector<16xf32>,
        %mul3A_421 = vector.broadcast %squeeze3A_377 : f32 to vector<16xf32>
        %mul3A_422 = arith.mulf %get3A_420, %mul3A_421 : vector<16xf32>
        %swap3A_423 = arith.index_cast %add3A_375 : i32 to index
        %swap3A_424 = arith.constant 80 : index
        %swap3A_425 = tpu.vector_load %arg15[%swap3A_423, %swap3A_424] {strides = array<i32>} : memref<64x128xf32, #tpu.memory_space<vmem>>, vector<16xf32>,
        tpu.vector_store %arg15[%swap3A_423, %swap3A_424], %mul3A_422 {strides = array<i32>} : memref<64x128xf32, #tpu.memory_space<vmem>>, vector<16xf32>,
        %get3A_426 = arith.index_cast %add3A_375 : i32 to index
        %get3A_427 = arith.constant 96 : index
        %get3A_428 = tpu.vector_load %arg15[%get3A_426, %get3A_427] {strides = array<i32>} : memref<64x128xf32, #tpu.memory_space<vmem>>, vector<16xf32>,
        %mul3A_429 = vector.broadcast %squeeze3A_377 : f32 to vector<16xf32>
        %mul3A_430 = arith.mulf %get3A_428, %mul3A_429 : vector<16xf32>
        %swap3A_431 = arith.index_cast %add3A_375 : i32 to index
        %swap3A_432 = arith.constant 96 : index
        %swap3A_433 = tpu.vector_load %arg15[%swap3A_431, %swap3A_432] {strides = array<i32>} : memref<64x128xf32, #tpu.memory_space<vmem>>, vector<16xf32>,
        tpu.vector_store %arg15[%swap3A_431, %swap3A_432], %mul3A_430 {strides = array<i32>} : memref<64x128xf32, #tpu.memory_space<vmem>>, vector<16xf32>,
        %get3A_434 = arith.index_cast %add3A_375 : i32 to index
        %get3A_435 = arith.constant 112 : index
        %get3A_436 = tpu.vector_load %arg15[%get3A_434, %get3A_435] {strides = array<i32>} : memref<64x128xf32, #tpu.memory_space<vmem>>, vector<16xf32>,
        %mul3A_437 = vector.broadcast %squeeze3A_377 : f32 to vector<16xf32>
        %mul3A_438 = arith.mulf %get3A_436, %mul3A_437 : vector<16xf32>
        %swap3A_439 = arith.index_cast %add3A_375 : i32 to index
        %swap3A_440 = arith.constant 112 : index
        %swap3A_441 = tpu.vector_load %arg15[%swap3A_439, %swap3A_440] {strides = array<i32>} : memref<64x128xf32, #tpu.memory_space<vmem>>, vector<16xf32>,
        tpu.vector_store %arg15[%swap3A_439, %swap3A_440], %mul3A_438 {strides = array<i32>} : memref<64x128xf32, #tpu.memory_space<vmem>>, vector<16xf32>,
        %mul3A_442 = arith.constant 16 : i32
        %mul3A_443 = arith.muli %add3A_88, %mul3A_442 : i32
        %add3A_444 = arith.constant 5 : i32
        %add3A_445 = arith.addi %mul3A_443, %add3A_444 : i32
        %slice3A_446 = vector.extract_strided_slice %get3A_94 {offsets = [5], sizes = [1], strides = [1]} : vector<16xf32> to vector<1xf32>
        %squeeze3A_447 = vector.extract %slice3A_446[0] : f32 from vector<1xf32>
        %get3A_448 = arith.index_cast %add3A_445 : i32 to index
        %get3A_449 = arith.constant 0 : index
        %get3A_450 = tpu.vector_load %arg15[%get3A_448, %get3A_449] {strides = array<i32>} : memref<64x128xf32, #tpu.memory_space<vmem>>, vector<16xf32>,
        %mul3A_451 = vector.broadcast %squeeze3A_447 : f32 to vector<16xf32>
        %mul3A_452 = arith.mulf %get3A_450, %mul3A_451 : vector<16xf32>
        %swap3A_453 = arith.index_cast %add3A_445 : i32 to index
        %swap3A_454 = arith.constant 0 : index
        %swap3A_455 = tpu.vector_load %arg15[%swap3A_453, %swap3A_454] {strides = array<i32>} : memref<64x128xf32, #tpu.memory_space<vmem>>, vector<16xf32>,
        tpu.vector_store %arg15[%swap3A_453, %swap3A_454], %mul3A_452 {strides = array<i32>} : memref<64x128xf32, #tpu.memory_space<vmem>>, vector<16xf32>,
        %get3A_456 = arith.index_cast %add3A_445 : i32 to index
        %get3A_457 = arith.constant 16 : index
        %get3A_458 = tpu.vector_load %arg15[%get3A_456, %get3A_457] {strides = array<i32>} : memref<64x128xf32, #tpu.memory_space<vmem>>, vector<16xf32>,
        %mul3A_459 = vector.broadcast %squeeze3A_447 : f32 to vector<16xf32>
        %mul3A_460 = arith.mulf %get3A_458, %mul3A_459 : vector<16xf32>
        %swap3A_461 = arith.index_cast %add3A_445 : i32 to index
        %swap3A_462 = arith.constant 16 : index
        %swap3A_463 = tpu.vector_load %arg15[%swap3A_461, %swap3A_462] {strides = array<i32>} : memref<64x128xf32, #tpu.memory_space<vmem>>, vector<16xf32>,
        tpu.vector_store %arg15[%swap3A_461, %swap3A_462], %mul3A_460 {strides = array<i32>} : memref<64x128xf32, #tpu.memory_space<vmem>>, vector<16xf32>,
        %get3A_464 = arith.index_cast %add3A_445 : i32 to index
        %get3A_465 = arith.constant 32 : index
        %get3A_466 = tpu.vector_load %arg15[%get3A_464, %get3A_465] {strides = array<i32>} : memref<64x128xf32, #tpu.memory_space<vmem>>, vector<16xf32>,
        %mul3A_467 = vector.broadcast %squeeze3A_447 : f32 to vector<16xf32>
        %mul3A_468 = arith.mulf %get3A_466, %mul3A_467 : vector<16xf32>
        %swap3A_469 = arith.index_cast %add3A_445 : i32 to index
        %swap3A_470 = arith.constant 32 : index
        %swap3A_471 = tpu.vector_load %arg15[%swap3A_469, %swap3A_470] {strides = array<i32>} : memref<64x128xf32, #tpu.memory_space<vmem>>, vector<16xf32>,
        tpu.vector_store %arg15[%swap3A_469, %swap3A_470], %mul3A_468 {strides = array<i32>} : memref<64x128xf32, #tpu.memory_space<vmem>>, vector<16xf32>,
        %get3A_472 = arith.index_cast %add3A_445 : i32 to index
        %get3A_473 = arith.constant 48 : index
        %get3A_474 = tpu.vector_load %arg15[%get3A_472, %get3A_473] {strides = array<i32>} : memref<64x128xf32, #tpu.memory_space<vmem>>, vector<16xf32>,
        %mul3A_475 = vector.broadcast %squeeze3A_447 : f32 to vector<16xf32>
        %mul3A_476 = arith.mulf %get3A_474, %mul3A_475 : vector<16xf32>
        %swap3A_477 = arith.index_cast %add3A_445 : i32 to index
        %swap3A_478 = arith.constant 48 : index
        %swap3A_479 = tpu.vector_load %arg15[%swap3A_477, %swap3A_478] {strides = array<i32>} : memref<64x128xf32, #tpu.memory_space<vmem>>, vector<16xf32>,
        tpu.vector_store %arg15[%swap3A_477, %swap3A_478], %mul3A_476 {strides = array<i32>} : memref<64x128xf32, #tpu.memory_space<vmem>>, vector<16xf32>,
        %get3A_480 = arith.index_cast %add3A_445 : i32 to index
        %get3A_481 = arith.constant 64 : index
        %get3A_482 = tpu.vector_load %arg15[%get3A_480, %get3A_481] {strides = array<i32>} : memref<64x128xf32, #tpu.memory_space<vmem>>, vector<16xf32>,
        %mul3A_483 = vector.broadcast %squeeze3A_447 : f32 to vector<16xf32>
        %mul3A_484 = arith.mulf %get3A_482, %mul3A_483 : vector<16xf32>
        %swap3A_485 = arith.index_cast %add3A_445 : i32 to index
        %swap3A_486 = arith.constant 64 : index
        %swap3A_487 = tpu.vector_load %arg15[%swap3A_485, %swap3A_486] {strides = array<i32>} : memref<64x128xf32, #tpu.memory_space<vmem>>, vector<16xf32>,
        tpu.vector_store %arg15[%swap3A_485, %swap3A_486], %mul3A_484 {strides = array<i32>} : memref<64x128xf32, #tpu.memory_space<vmem>>, vector<16xf32>,
        %get3A_488 = arith.index_cast %add3A_445 : i32 to index
        %get3A_489 = arith.constant 80 : index
        %get3A_490 = tpu.vector_load %arg15[%get3A_488, %get3A_489] {strides = array<i32>} : memref<64x128xf32, #tpu.memory_space<vmem>>, vector<16xf32>,
        %mul3A_491 = vector.broadcast %squeeze3A_447 : f32 to vector<16xf32>
        %mul3A_492 = arith.mulf %get3A_490, %mul3A_491 : vector<16xf32>
        %swap3A_493 = arith.index_cast %add3A_445 : i32 to index
        %swap3A_494 = arith.constant 80 : index
        %swap3A_495 = tpu.vector_load %arg15[%swap3A_493, %swap3A_494] {strides = array<i32>} : memref<64x128xf32, #tpu.memory_space<vmem>>, vector<16xf32>,
        tpu.vector_store %arg15[%swap3A_493, %swap3A_494], %mul3A_492 {strides = array<i32>} : memref<64x128xf32, #tpu.memory_space<vmem>>, vector<16xf32>,
        %get3A_496 = arith.index_cast %add3A_445 : i32 to index
        %get3A_497 = arith.constant 96 : index
        %get3A_498 = tpu.vector_load %arg15[%get3A_496, %get3A_497] {strides = array<i32>} : memref<64x128xf32, #tpu.memory_space<vmem>>, vector<16xf32>,
        %mul3A_499 = vector.broadcast %squeeze3A_447 : f32 to vector<16xf32>
        %mul3A_500 = arith.mulf %get3A_498, %mul3A_499 : vector<16xf32>
        %swap3A_501 = arith.index_cast %add3A_445 : i32 to index
        %swap3A_502 = arith.constant 96 : index
        %swap3A_503 = tpu.vector_load %arg15[%swap3A_501, %swap3A_502] {strides = array<i32>} : memref<64x128xf32, #tpu.memory_space<vmem>>, vector<16xf32>,
        tpu.vector_store %arg15[%swap3A_501, %swap3A_502], %mul3A_500 {strides = array<i32>} : memref<64x128xf32, #tpu.memory_space<vmem>>, vector<16xf32>,
        %get3A_504 = arith.index_cast %add3A_445 : i32 to index
        %get3A_505 = arith.constant 112 : index
        %get3A_506 = tpu.vector_load %arg15[%get3A_504, %get3A_505] {strides = array<i32>} : memref<64x128xf32, #tpu.memory_space<vmem>>, vector<16xf32>,
        %mul3A_507 = vector.broadcast %squeeze3A_447 : f32 to vector<16xf32>
        %mul3A_508 = arith.mulf %get3A_506, %mul3A_507 : vector<16xf32>
        %swap3A_509 = arith.index_cast %add3A_445 : i32 to index
        %swap3A_510 = arith.constant 112 : index
        %swap3A_511 = tpu.vector_load %arg15[%swap3A_509, %swap3A_510] {strides = array<i32>} : memref<64x128xf32, #tpu.memory_space<vmem>>, vector<16xf32>,
        tpu.vector_store %arg15[%swap3A_509, %swap3A_510], %mul3A_508 {strides = array<i32>} : memref<64x128xf32, #tpu.memory_space<vmem>>, vector<16xf32>,
        %mul3A_512 = arith.constant 16 : i32
        %mul3A_513 = arith.muli %add3A_88, %mul3A_512 : i32
        %add3A_514 = arith.constant 6 : i32
        %add3A_515 = arith.addi %mul3A_513, %add3A_514 : i32
        %slice3A_516 = vector.extract_strided_slice %get3A_94 {offsets = [6], sizes = [1], strides = [1]} : vector<16xf32> to vector<1xf32>
        %squeeze3A_517 = vector.extract %slice3A_516[0] : f32 from vector<1xf32>
        %get3A_518 = arith.index_cast %add3A_515 : i32 to index
        %get3A_519 = arith.constant 0 : index
        %get3A_520 = tpu.vector_load %arg15[%get3A_518, %get3A_519] {strides = array<i32>} : memref<64x128xf32, #tpu.memory_space<vmem>>, vector<16xf32>,
        %mul3A_521 = vector.broadcast %squeeze3A_517 : f32 to vector<16xf32>
        %mul3A_522 = arith.mulf %get3A_520, %mul3A_521 : vector<16xf32>
        %swap3A_523 = arith.index_cast %add3A_515 : i32 to index
        %swap3A_524 = arith.constant 0 : index
        %swap3A_525 = tpu.vector_load %arg15[%swap3A_523, %swap3A_524] {strides = array<i32>} : memref<64x128xf32, #tpu.memory_space<vmem>>, vector<16xf32>,
        tpu.vector_store %arg15[%swap3A_523, %swap3A_524], %mul3A_522 {strides = array<i32>} : memref<64x128xf32, #tpu.memory_space<vmem>>, vector<16xf32>,
        %get3A_526 = arith.index_cast %add3A_515 : i32 to index
        %get3A_527 = arith.constant 16 : index
        %get3A_528 = tpu.vector_load %arg15[%get3A_526, %get3A_527] {strides = array<i32>} : memref<64x128xf32, #tpu.memory_space<vmem>>, vector<16xf32>,
        %mul3A_529 = vector.broadcast %squeeze3A_517 : f32 to vector<16xf32>
        %mul3A_530 = arith.mulf %get3A_528, %mul3A_529 : vector<16xf32>
        %swap3A_531 = arith.index_cast %add3A_515 : i32 to index
        %swap3A_532 = arith.constant 16 : index
        %swap3A_533 = tpu.vector_load %arg15[%swap3A_531, %swap3A_532] {strides = array<i32>} : memref<64x128xf32, #tpu.memory_space<vmem>>, vector<16xf32>,
        tpu.vector_store %arg15[%swap3A_531, %swap3A_532], %mul3A_530 {strides = array<i32>} : memref<64x128xf32, #tpu.memory_space<vmem>>, vector<16xf32>,
        %get3A_534 = arith.index_cast %add3A_515 : i32 to index
        %get3A_535 = arith.constant 32 : index
        %get3A_536 = tpu.vector_load %arg15[%get3A_534, %get3A_535] {strides = array<i32>} : memref<64x128xf32, #tpu.memory_space<vmem>>, vector<16xf32>,
        %mul3A_537 = vector.broadcast %squeeze3A_517 : f32 to vector<16xf32>
        %mul3A_538 = arith.mulf %get3A_536, %mul3A_537 : vector<16xf32>
        %swap3A_539 = arith.index_cast %add3A_515 : i32 to index
        %swap3A_540 = arith.constant 32 : index
        %swap3A_541 = tpu.vector_load %arg15[%swap3A_539, %swap3A_540] {strides = array<i32>} : memref<64x128xf32, #tpu.memory_space<vmem>>, vector<16xf32>,
        tpu.vector_store %arg15[%swap3A_539, %swap3A_540], %mul3A_538 {strides = array<i32>} : memref<64x128xf32, #tpu.memory_space<vmem>>, vector<16xf32>,
        %get3A_542 = arith.index_cast %add3A_515 : i32 to index
        %get3A_543 = arith.constant 48 : index
        %get3A_544 = tpu.vector_load %arg15[%get3A_542, %get3A_543] {strides = array<i32>} : memref<64x128xf32, #tpu.memory_space<vmem>>, vector<16xf32>,
        %mul3A_545 = vector.broadcast %squeeze3A_517 : f32 to vector<16xf32>
        %mul3A_546 = arith.mulf %get3A_544, %mul3A_545 : vector<16xf32>
        %swap3A_547 = arith.index_cast %add3A_515 : i32 to index
        %swap3A_548 = arith.constant 48 : index
        %swap3A_549 = tpu.vector_load %arg15[%swap3A_547, %swap3A_548] {strides = array<i32>} : memref<64x128xf32, #tpu.memory_space<vmem>>, vector<16xf32>,
        tpu.vector_store %arg15[%swap3A_547, %swap3A_548], %mul3A_546 {strides = array<i32>} : memref<64x128xf32, #tpu.memory_space<vmem>>, vector<16xf32>,
        %get3A_550 = arith.index_cast %add3A_515 : i32 to index
        %get3A_551 = arith.constant 64 : index
        %get3A_552 = tpu.vector_load %arg15[%get3A_550, %get3A_551] {strides = array<i32>} : memref<64x128xf32, #tpu.memory_space<vmem>>, vector<16xf32>,
        %mul3A_553 = vector.broadcast %squeeze3A_517 : f32 to vector<16xf32>
        %mul3A_554 = arith.mulf %get3A_552, %mul3A_553 : vector<16xf32>
        %swap3A_555 = arith.index_cast %add3A_515 : i32 to index
        %swap3A_556 = arith.constant 64 : index
        %swap3A_557 = tpu.vector_load %arg15[%swap3A_555, %swap3A_556] {strides = array<i32>} : memref<64x128xf32, #tpu.memory_space<vmem>>, vector<16xf32>,
        tpu.vector_store %arg15[%swap3A_555, %swap3A_556], %mul3A_554 {strides = array<i32>} : memref<64x128xf32, #tpu.memory_space<vmem>>, vector<16xf32>,
        %get3A_558 = arith.index_cast %add3A_515 : i32 to index
        %get3A_559 = arith.constant 80 : index
        %get3A_560 = tpu.vector_load %arg15[%get3A_558, %get3A_559] {strides = array<i32>} : memref<64x128xf32, #tpu.memory_space<vmem>>, vector<16xf32>,
        %mul3A_561 = vector.broadcast %squeeze3A_517 : f32 to vector<16xf32>
        %mul3A_562 = arith.mulf %get3A_560, %mul3A_561 : vector<16xf32>
        %swap3A_563 = arith.index_cast %add3A_515 : i32 to index
        %swap3A_564 = arith.constant 80 : index
        %swap3A_565 = tpu.vector_load %arg15[%swap3A_563, %swap3A_564] {strides = array<i32>} : memref<64x128xf32, #tpu.memory_space<vmem>>, vector<16xf32>,
        tpu.vector_store %arg15[%swap3A_563, %swap3A_564], %mul3A_562 {strides = array<i32>} : memref<64x128xf32, #tpu.memory_space<vmem>>, vector<16xf32>,
        %get3A_566 = arith.index_cast %add3A_515 : i32 to index
        %get3A_567 = arith.constant 96 : index
        %get3A_568 = tpu.vector_load %arg15[%get3A_566, %get3A_567] {strides = array<i32>} : memref<64x128xf32, #tpu.memory_space<vmem>>, vector<16xf32>,
        %mul3A_569 = vector.broadcast %squeeze3A_517 : f32 to vector<16xf32>
        %mul3A_570 = arith.mulf %get3A_568, %mul3A_569 : vector<16xf32>
        %swap3A_571 = arith.index_cast %add3A_515 : i32 to index
        %swap3A_572 = arith.constant 96 : index
        %swap3A_573 = tpu.vector_load %arg15[%swap3A_571, %swap3A_572] {strides = array<i32>} : memref<64x128xf32, #tpu.memory_space<vmem>>, vector<16xf32>,
        tpu.vector_store %arg15[%swap3A_571, %swap3A_572], %mul3A_570 {strides = array<i32>} : memref<64x128xf32, #tpu.memory_space<vmem>>, vector<16xf32>,
        %get3A_574 = arith.index_cast %add3A_515 : i32 to index
        %get3A_575 = arith.constant 112 : index
        %get3A_576 = tpu.vector_load %arg15[%get3A_574, %get3A_575] {strides = array<i32>} : memref<64x128xf32, #tpu.memory_space<vmem>>, vector<16xf32>,
        %mul3A_577 = vector.broadcast %squeeze3A_517 : f32 to vector<16xf32>
        %mul3A_578 = arith.mulf %get3A_576, %mul3A_577 : vector<16xf32>
        %swap3A_579 = arith.index_cast %add3A_515 : i32 to index
        %swap3A_580 = arith.constant 112 : index
        %swap3A_581 = tpu.vector_load %arg15[%swap3A_579, %swap3A_580] {strides = array<i32>} : memref<64x128xf32, #tpu.memory_space<vmem>>, vector<16xf32>,
        tpu.vector_store %arg15[%swap3A_579, %swap3A_580], %mul3A_578 {strides = array<i32>} : memref<64x128xf32, #tpu.memory_space<vmem>>, vector<16xf32>,
        %mul3A_582 = arith.constant 16 : i32
        %mul3A_583 = arith.muli %add3A_88, %mul3A_582 : i32
        %add3A_584 = arith.constant 7 : i32
        %add3A_585 = arith.addi %mul3A_583, %add3A_584 : i32
        %slice3A_586 = vector.extract_strided_slice %get3A_94 {offsets = [7], sizes = [1], strides = [1]} : vector<16xf32> to vector<1xf32>
        %squeeze3A_587 = vector.extract %slice3A_586[0] : f32 from vector<1xf32>
        %get3A_588 = arith.index_cast %add3A_585 : i32 to index
        %get3A_589 = arith.constant 0 : index
        %get3A_590 = tpu.vector_load %arg15[%get3A_588, %get3A_589] {strides = array<i32>} : memref<64x128xf32, #tpu.memory_space<vmem>>, vector<16xf32>,
        %mul3A_591 = vector.broadcast %squeeze3A_587 : f32 to vector<16xf32>
        %mul3A_592 = arith.mulf %get3A_590, %mul3A_591 : vector<16xf32>
        %swap3A_593 = arith.index_cast %add3A_585 : i32 to index
        %swap3A_594 = arith.constant 0 : index
        %swap3A_595 = tpu.vector_load %arg15[%swap3A_593, %swap3A_594] {strides = array<i32>} : memref<64x128xf32, #tpu.memory_space<vmem>>, vector<16xf32>,
        tpu.vector_store %arg15[%swap3A_593, %swap3A_594], %mul3A_592 {strides = array<i32>} : memref<64x128xf32, #tpu.memory_space<vmem>>, vector<16xf32>,
        %get3A_596 = arith.index_cast %add3A_585 : i32 to index
        %get3A_597 = arith.constant 16 : index
        %get3A_598 = tpu.vector_load %arg15[%get3A_596, %get3A_597] {strides = array<i32>} : memref<64x128xf32, #tpu.memory_space<vmem>>, vector<16xf32>,
        %mul3A_599 = vector.broadcast %squeeze3A_587 : f32 to vector<16xf32>
        %mul3A_600 = arith.mulf %get3A_598, %mul3A_599 : vector<16xf32>
        %swap3A_601 = arith.index_cast %add3A_585 : i32 to index
        %swap3A_602 = arith.constant 16 : index
        %swap3A_603 = tpu.vector_load %arg15[%swap3A_601, %swap3A_602] {strides = array<i32>} : memref<64x128xf32, #tpu.memory_space<vmem>>, vector<16xf32>,
        tpu.vector_store %arg15[%swap3A_601, %swap3A_602], %mul3A_600 {strides = array<i32>} : memref<64x128xf32, #tpu.memory_space<vmem>>, vector<16xf32>,
        %get3A_604 = arith.index_cast %add3A_585 : i32 to index
        %get3A_605 = arith.constant 32 : index
        %get3A_606 = tpu.vector_load %arg15[%get3A_604, %get3A_605] {strides = array<i32>} : memref<64x128xf32, #tpu.memory_space<vmem>>, vector<16xf32>,
        %mul3A_607 = vector.broadcast %squeeze3A_587 : f32 to vector<16xf32>
        %mul3A_608 = arith.mulf %get3A_606, %mul3A_607 : vector<16xf32>
        %swap3A_609 = arith.index_cast %add3A_585 : i32 to index
        %swap3A_610 = arith.constant 32 : index
        %swap3A_611 = tpu.vector_load %arg15[%swap3A_609, %swap3A_610] {strides = array<i32>} : memref<64x128xf32, #tpu.memory_space<vmem>>, vector<16xf32>,
        tpu.vector_store %arg15[%swap3A_609, %swap3A_610], %mul3A_608 {strides = array<i32>} : memref<64x128xf32, #tpu.memory_space<vmem>>, vector<16xf32>,
        %get3A_612 = arith.index_cast %add3A_585 : i32 to index
        %get3A_613 = arith.constant 48 : index
        %get3A_614 = tpu.vector_load %arg15[%get3A_612, %get3A_613] {strides = array<i32>} : memref<64x128xf32, #tpu.memory_space<vmem>>, vector<16xf32>,
        %mul3A_615 = vector.broadcast %squeeze3A_587 : f32 to vector<16xf32>
        %mul3A_616 = arith.mulf %get3A_614, %mul3A_615 : vector<16xf32>
        %swap3A_617 = arith.index_cast %add3A_585 : i32 to index
        %swap3A_618 = arith.constant 48 : index
        %swap3A_619 = tpu.vector_load %arg15[%swap3A_617, %swap3A_618] {strides = array<i32>} : memref<64x128xf32, #tpu.memory_space<vmem>>, vector<16xf32>,
        tpu.vector_store %arg15[%swap3A_617, %swap3A_618], %mul3A_616 {strides = array<i32>} : memref<64x128xf32, #tpu.memory_space<vmem>>, vector<16xf32>,
        %get3A_620 = arith.index_cast %add3A_585 : i32 to index
        %get3A_621 = arith.constant 64 : index
        %get3A_622 = tpu.vector_load %arg15[%get3A_620, %get3A_621] {strides = array<i32>} : memref<64x128xf32, #tpu.memory_space<vmem>>, vector<16xf32>,
        %mul3A_623 = vector.broadcast %squeeze3A_587 : f32 to vector<16xf32>
        %mul3A_624 = arith.mulf %get3A_622, %mul3A_623 : vector<16xf32>
        %swap3A_625 = arith.index_cast %add3A_585 : i32 to index
        %swap3A_626 = arith.constant 64 : index
        %swap3A_627 = tpu.vector_load %arg15[%swap3A_625, %swap3A_626] {strides = array<i32>} : memref<64x128xf32, #tpu.memory_space<vmem>>, vector<16xf32>,
        tpu.vector_store %arg15[%swap3A_625, %swap3A_626], %mul3A_624 {strides = array<i32>} : memref<64x128xf32, #tpu.memory_space<vmem>>, vector<16xf32>,
        %get3A_628 = arith.index_cast %add3A_585 : i32 to index
        %get3A_629 = arith.constant 80 : index
        %get3A_630 = tpu.vector_load %arg15[%get3A_628, %get3A_629] {strides = array<i32>} : memref<64x128xf32, #tpu.memory_space<vmem>>, vector<16xf32>,
        %mul3A_631 = vector.broadcast %squeeze3A_587 : f32 to vector<16xf32>
        %mul3A_632 = arith.mulf %get3A_630, %mul3A_631 : vector<16xf32>
        %swap3A_633 = arith.index_cast %add3A_585 : i32 to index
        %swap3A_634 = arith.constant 80 : index
        %swap3A_635 = tpu.vector_load %arg15[%swap3A_633, %swap3A_634] {strides = array<i32>} : memref<64x128xf32, #tpu.memory_space<vmem>>, vector<16xf32>,
        tpu.vector_store %arg15[%swap3A_633, %swap3A_634], %mul3A_632 {strides = array<i32>} : memref<64x128xf32, #tpu.memory_space<vmem>>, vector<16xf32>,
        %get3A_636 = arith.index_cast %add3A_585 : i32 to index
        %get3A_637 = arith.constant 96 : index
        %get3A_638 = tpu.vector_load %arg15[%get3A_636, %get3A_637] {strides = array<i32>} : memref<64x128xf32, #tpu.memory_space<vmem>>, vector<16xf32>,
        %mul3A_639 = vector.broadcast %squeeze3A_587 : f32 to vector<16xf32>
        %mul3A_640 = arith.mulf %get3A_638, %mul3A_639 : vector<16xf32>
        %swap3A_641 = arith.index_cast %add3A_585 : i32 to index
        %swap3A_642 = arith.constant 96 : index
        %swap3A_643 = tpu.vector_load %arg15[%swap3A_641, %swap3A_642] {strides = array<i32>} : memref<64x128xf32, #tpu.memory_space<vmem>>, vector<16xf32>,
        tpu.vector_store %arg15[%swap3A_641, %swap3A_642], %mul3A_640 {strides = array<i32>} : memref<64x128xf32, #tpu.memory_space<vmem>>, vector<16xf32>,
        %get3A_644 = arith.index_cast %add3A_585 : i32 to index
        %get3A_645 = arith.constant 112 : index
        %get3A_646 = tpu.vector_load %arg15[%get3A_644, %get3A_645] {strides = array<i32>} : memref<64x128xf32, #tpu.memory_space<vmem>>, vector<16xf32>,
        %mul3A_647 = vector.broadcast %squeeze3A_587 : f32 to vector<16xf32>
        %mul3A_648 = arith.mulf %get3A_646, %mul3A_647 : vector<16xf32>
        %swap3A_649 = arith.index_cast %add3A_585 : i32 to index
        %swap3A_650 = arith.constant 112 : index
        %swap3A_651 = tpu.vector_load %arg15[%swap3A_649, %swap3A_650] {strides = array<i32>} : memref<64x128xf32, #tpu.memory_space<vmem>>, vector<16xf32>,
        tpu.vector_store %arg15[%swap3A_649, %swap3A_650], %mul3A_648 {strides = array<i32>} : memref<64x128xf32, #tpu.memory_space<vmem>>, vector<16xf32>,
        %mul3A_652 = arith.constant 16 : i32
        %mul3A_653 = arith.muli %add3A_88, %mul3A_652 : i32
        %add3A_654 = arith.constant 8 : i32
        %add3A_655 = arith.addi %mul3A_653, %add3A_654 : i32
        %slice3A_656 = vector.extract_strided_slice %get3A_94 {offsets = [8], sizes = [1], strides = [1]} : vector<16xf32> to vector<1xf32>
        %squeeze3A_657 = vector.extract %slice3A_656[0] : f32 from vector<1xf32>
        %get3A_658 = arith.index_cast %add3A_655 : i32 to index
        %get3A_659 = arith.constant 0 : index
        %get3A_660 = tpu.vector_load %arg15[%get3A_658, %get3A_659] {strides = array<i32>} : memref<64x128xf32, #tpu.memory_space<vmem>>, vector<16xf32>,
        %mul3A_661 = vector.broadcast %squeeze3A_657 : f32 to vector<16xf32>
        %mul3A_662 = arith.mulf %get3A_660, %mul3A_661 : vector<16xf32>
        %swap3A_663 = arith.index_cast %add3A_655 : i32 to index
        %swap3A_664 = arith.constant 0 : index
        %swap3A_665 = tpu.vector_load %arg15[%swap3A_663, %swap3A_664] {strides = array<i32>} : memref<64x128xf32, #tpu.memory_space<vmem>>, vector<16xf32>,
        tpu.vector_store %arg15[%swap3A_663, %swap3A_664], %mul3A_662 {strides = array<i32>} : memref<64x128xf32, #tpu.memory_space<vmem>>, vector<16xf32>,
        %get3A_666 = arith.index_cast %add3A_655 : i32 to index
        %get3A_667 = arith.constant 16 : index
        %get3A_668 = tpu.vector_load %arg15[%get3A_666, %get3A_667] {strides = array<i32>} : memref<64x128xf32, #tpu.memory_space<vmem>>, vector<16xf32>,
        %mul3A_669 = vector.broadcast %squeeze3A_657 : f32 to vector<16xf32>
        %mul3A_670 = arith.mulf %get3A_668, %mul3A_669 : vector<16xf32>
        %swap3A_671 = arith.index_cast %add3A_655 : i32 to index
        %swap3A_672 = arith.constant 16 : index
        %swap3A_673 = tpu.vector_load %arg15[%swap3A_671, %swap3A_672] {strides = array<i32>} : memref<64x128xf32, #tpu.memory_space<vmem>>, vector<16xf32>,
        tpu.vector_store %arg15[%swap3A_671, %swap3A_672], %mul3A_670 {strides = array<i32>} : memref<64x128xf32, #tpu.memory_space<vmem>>, vector<16xf32>,
        %get3A_674 = arith.index_cast %add3A_655 : i32 to index
        %get3A_675 = arith.constant 32 : index
        %get3A_676 = tpu.vector_load %arg15[%get3A_674, %get3A_675] {strides = array<i32>} : memref<64x128xf32, #tpu.memory_space<vmem>>, vector<16xf32>,
        %mul3A_677 = vector.broadcast %squeeze3A_657 : f32 to vector<16xf32>
        %mul3A_678 = arith.mulf %get3A_676, %mul3A_677 : vector<16xf32>
        %swap3A_679 = arith.index_cast %add3A_655 : i32 to index
        %swap3A_680 = arith.constant 32 : index
        %swap3A_681 = tpu.vector_load %arg15[%swap3A_679, %swap3A_680] {strides = array<i32>} : memref<64x128xf32, #tpu.memory_space<vmem>>, vector<16xf32>,
        tpu.vector_store %arg15[%swap3A_679, %swap3A_680], %mul3A_678 {strides = array<i32>} : memref<64x128xf32, #tpu.memory_space<vmem>>, vector<16xf32>,
        %get3A_682 = arith.index_cast %add3A_655 : i32 to index
        %get3A_683 = arith.constant 48 : index
        %get3A_684 = tpu.vector_load %arg15[%get3A_682, %get3A_683] {strides = array<i32>} : memref<64x128xf32, #tpu.memory_space<vmem>>, vector<16xf32>,
        %mul3A_685 = vector.broadcast %squeeze3A_657 : f32 to vector<16xf32>
        %mul3A_686 = arith.mulf %get3A_684, %mul3A_685 : vector<16xf32>
        %swap3A_687 = arith.index_cast %add3A_655 : i32 to index
        %swap3A_688 = arith.constant 48 : index
        %swap3A_689 = tpu.vector_load %arg15[%swap3A_687, %swap3A_688] {strides = array<i32>} : memref<64x128xf32, #tpu.memory_space<vmem>>, vector<16xf32>,
        tpu.vector_store %arg15[%swap3A_687, %swap3A_688], %mul3A_686 {strides = array<i32>} : memref<64x128xf32, #tpu.memory_space<vmem>>, vector<16xf32>,
        %get3A_690 = arith.index_cast %add3A_655 : i32 to index
        %get3A_691 = arith.constant 64 : index
        %get3A_692 = tpu.vector_load %arg15[%get3A_690, %get3A_691] {strides = array<i32>} : memref<64x128xf32, #tpu.memory_space<vmem>>, vector<16xf32>,
        %mul3A_693 = vector.broadcast %squeeze3A_657 : f32 to vector<16xf32>
        %mul3A_694 = arith.mulf %get3A_692, %mul3A_693 : vector<16xf32>
        %swap3A_695 = arith.index_cast %add3A_655 : i32 to index
        %swap3A_696 = arith.constant 64 : index
        %swap3A_697 = tpu.vector_load %arg15[%swap3A_695, %swap3A_696] {strides = array<i32>} : memref<64x128xf32, #tpu.memory_space<vmem>>, vector<16xf32>,
        tpu.vector_store %arg15[%swap3A_695, %swap3A_696], %mul3A_694 {strides = array<i32>} : memref<64x128xf32, #tpu.memory_space<vmem>>, vector<16xf32>,
        %get3A_698 = arith.index_cast %add3A_655 : i32 to index
        %get3A_699 = arith.constant 80 : index
        %get3A_700 = tpu.vector_load %arg15[%get3A_698, %get3A_699] {strides = array<i32>} : memref<64x128xf32, #tpu.memory_space<vmem>>, vector<16xf32>,
        %mul3A_701 = vector.broadcast %squeeze3A_657 : f32 to vector<16xf32>
        %mul3A_702 = arith.mulf %get3A_700, %mul3A_701 : vector<16xf32>
        %swap3A_703 = arith.index_cast %add3A_655 : i32 to index
        %swap3A_704 = arith.constant 80 : index
        %swap3A_705 = tpu.vector_load %arg15[%swap3A_703, %swap3A_704] {strides = array<i32>} : memref<64x128xf32, #tpu.memory_space<vmem>>, vector<16xf32>,
        tpu.vector_store %arg15[%swap3A_703, %swap3A_704], %mul3A_702 {strides = array<i32>} : memref<64x128xf32, #tpu.memory_space<vmem>>, vector<16xf32>,
        %get3A_706 = arith.index_cast %add3A_655 : i32 to index
        %get3A_707 = arith.constant 96 : index
        %get3A_708 = tpu.vector_load %arg15[%get3A_706, %get3A_707] {strides = array<i32>} : memref<64x128xf32, #tpu.memory_space<vmem>>, vector<16xf32>,
        %mul3A_709 = vector.broadcast %squeeze3A_657 : f32 to vector<16xf32>
        %mul3A_710 = arith.mulf %get3A_708, %mul3A_709 : vector<16xf32>
        %swap3A_711 = arith.index_cast %add3A_655 : i32 to index
        %swap3A_712 = arith.constant 96 : index
        %swap3A_713 = tpu.vector_load %arg15[%swap3A_711, %swap3A_712] {strides = array<i32>} : memref<64x128xf32, #tpu.memory_space<vmem>>, vector<16xf32>,
        tpu.vector_store %arg15[%swap3A_711, %swap3A_712], %mul3A_710 {strides = array<i32>} : memref<64x128xf32, #tpu.memory_space<vmem>>, vector<16xf32>,
        %get3A_714 = arith.index_cast %add3A_655 : i32 to index
        %get3A_715 = arith.constant 112 : index
        %get3A_716 = tpu.vector_load %arg15[%get3A_714, %get3A_715] {strides = array<i32>} : memref<64x128xf32, #tpu.memory_space<vmem>>, vector<16xf32>,
        %mul3A_717 = vector.broadcast %squeeze3A_657 : f32 to vector<16xf32>
        %mul3A_718 = arith.mulf %get3A_716, %mul3A_717 : vector<16xf32>
        %swap3A_719 = arith.index_cast %add3A_655 : i32 to index
        %swap3A_720 = arith.constant 112 : index
        %swap3A_721 = tpu.vector_load %arg15[%swap3A_719, %swap3A_720] {strides = array<i32>} : memref<64x128xf32, #tpu.memory_space<vmem>>, vector<16xf32>,
        tpu.vector_store %arg15[%swap3A_719, %swap3A_720], %mul3A_718 {strides = array<i32>} : memref<64x128xf32, #tpu.memory_space<vmem>>, vector<16xf32>,
        %mul3A_722 = arith.constant 16 : i32
        %mul3A_723 = arith.muli %add3A_88, %mul3A_722 : i32
        %add3A_724 = arith.constant 9 : i32
        %add3A_725 = arith.addi %mul3A_723, %add3A_724 : i32
        %slice3A_726 = vector.extract_strided_slice %get3A_94 {offsets = [9], sizes = [1], strides = [1]} : vector<16xf32> to vector<1xf32>
        %squeeze3A_727 = vector.extract %slice3A_726[0] : f32 from vector<1xf32>
        %get3A_728 = arith.index_cast %add3A_725 : i32 to index
        %get3A_729 = arith.constant 0 : index
        %get3A_730 = tpu.vector_load %arg15[%get3A_728, %get3A_729] {strides = array<i32>} : memref<64x128xf32, #tpu.memory_space<vmem>>, vector<16xf32>,
        %mul3A_731 = vector.broadcast %squeeze3A_727 : f32 to vector<16xf32>
        %mul3A_732 = arith.mulf %get3A_730, %mul3A_731 : vector<16xf32>
        %swap3A_733 = arith.index_cast %add3A_725 : i32 to index
        %swap3A_734 = arith.constant 0 : index
        %swap3A_735 = tpu.vector_load %arg15[%swap3A_733, %swap3A_734] {strides = array<i32>} : memref<64x128xf32, #tpu.memory_space<vmem>>, vector<16xf32>,
        tpu.vector_store %arg15[%swap3A_733, %swap3A_734], %mul3A_732 {strides = array<i32>} : memref<64x128xf32, #tpu.memory_space<vmem>>, vector<16xf32>,
        %get3A_736 = arith.index_cast %add3A_725 : i32 to index
        %get3A_737 = arith.constant 16 : index
        %get3A_738 = tpu.vector_load %arg15[%get3A_736, %get3A_737] {strides = array<i32>} : memref<64x128xf32, #tpu.memory_space<vmem>>, vector<16xf32>,
        %mul3A_739 = vector.broadcast %squeeze3A_727 : f32 to vector<16xf32>
        %mul3A_740 = arith.mulf %get3A_738, %mul3A_739 : vector<16xf32>
        %swap3A_741 = arith.index_cast %add3A_725 : i32 to index
        %swap3A_742 = arith.constant 16 : index
        %swap3A_743 = tpu.vector_load %arg15[%swap3A_741, %swap3A_742] {strides = array<i32>} : memref<64x128xf32, #tpu.memory_space<vmem>>, vector<16xf32>,
        tpu.vector_store %arg15[%swap3A_741, %swap3A_742], %mul3A_740 {strides = array<i32>} : memref<64x128xf32, #tpu.memory_space<vmem>>, vector<16xf32>,
        %get3A_744 = arith.index_cast %add3A_725 : i32 to index
        %get3A_745 = arith.constant 32 : index
        %get3A_746 = tpu.vector_load %arg15[%get3A_744, %get3A_745] {strides = array<i32>} : memref<64x128xf32, #tpu.memory_space<vmem>>, vector<16xf32>,
        %mul3A_747 = vector.broadcast %squeeze3A_727 : f32 to vector<16xf32>
        %mul3A_748 = arith.mulf %get3A_746, %mul3A_747 : vector<16xf32>
        %swap3A_749 = arith.index_cast %add3A_725 : i32 to index
        %swap3A_750 = arith.constant 32 : index
        %swap3A_751 = tpu.vector_load %arg15[%swap3A_749, %swap3A_750] {strides = array<i32>} : memref<64x128xf32, #tpu.memory_space<vmem>>, vector<16xf32>,
        tpu.vector_store %arg15[%swap3A_749, %swap3A_750], %mul3A_748 {strides = array<i32>} : memref<64x128xf32, #tpu.memory_space<vmem>>, vector<16xf32>,
        %get3A_752 = arith.index_cast %add3A_725 : i32 to index
        %get3A_753 = arith.constant 48 : index
        %get3A_754 = tpu.vector_load %arg15[%get3A_752, %get3A_753] {strides = array<i32>} : memref<64x128xf32, #tpu.memory_space<vmem>>, vector<16xf32>,
        %mul3A_755 = vector.broadcast %squeeze3A_727 : f32 to vector<16xf32>
        %mul3A_756 = arith.mulf %get3A_754, %mul3A_755 : vector<16xf32>
        %swap3A_757 = arith.index_cast %add3A_725 : i32 to index
        %swap3A_758 = arith.constant 48 : index
        %swap3A_759 = tpu.vector_load %arg15[%swap3A_757, %swap3A_758] {strides = array<i32>} : memref<64x128xf32, #tpu.memory_space<vmem>>, vector<16xf32>,
        tpu.vector_store %arg15[%swap3A_757, %swap3A_758], %mul3A_756 {strides = array<i32>} : memref<64x128xf32, #tpu.memory_space<vmem>>, vector<16xf32>,
        %get3A_760 = arith.index_cast %add3A_725 : i32 to index
        %get3A_761 = arith.constant 64 : index
        %get3A_762 = tpu.vector_load %arg15[%get3A_760, %get3A_761] {strides = array<i32>} : memref<64x128xf32, #tpu.memory_space<vmem>>, vector<16xf32>,
        %mul3A_763 = vector.broadcast %squeeze3A_727 : f32 to vector<16xf32>
        %mul3A_764 = arith.mulf %get3A_762, %mul3A_763 : vector<16xf32>
        %swap3A_765 = arith.index_cast %add3A_725 : i32 to index
        %swap3A_766 = arith.constant 64 : index
        %swap3A_767 = tpu.vector_load %arg15[%swap3A_765, %swap3A_766] {strides = array<i32>} : memref<64x128xf32, #tpu.memory_space<vmem>>, vector<16xf32>,
        tpu.vector_store %arg15[%swap3A_765, %swap3A_766], %mul3A_764 {strides = array<i32>} : memref<64x128xf32, #tpu.memory_space<vmem>>, vector<16xf32>,
        %get3A_768 = arith.index_cast %add3A_725 : i32 to index
        %get3A_769 = arith.constant 80 : index
        %get3A_770 = tpu.vector_load %arg15[%get3A_768, %get3A_769] {strides = array<i32>} : memref<64x128xf32, #tpu.memory_space<vmem>>, vector<16xf32>,
        %mul3A_771 = vector.broadcast %squeeze3A_727 : f32 to vector<16xf32>
        %mul3A_772 = arith.mulf %get3A_770, %mul3A_771 : vector<16xf32>
        %swap3A_773 = arith.index_cast %add3A_725 : i32 to index
        %swap3A_774 = arith.constant 80 : index
        %swap3A_775 = tpu.vector_load %arg15[%swap3A_773, %swap3A_774] {strides = array<i32>} : memref<64x128xf32, #tpu.memory_space<vmem>>, vector<16xf32>,
        tpu.vector_store %arg15[%swap3A_773, %swap3A_774], %mul3A_772 {strides = array<i32>} : memref<64x128xf32, #tpu.memory_space<vmem>>, vector<16xf32>,
        %get3A_776 = arith.index_cast %add3A_725 : i32 to index
        %get3A_777 = arith.constant 96 : index
        %get3A_778 = tpu.vector_load %arg15[%get3A_776, %get3A_777] {strides = array<i32>} : memref<64x128xf32, #tpu.memory_space<vmem>>, vector<16xf32>,
        %mul3A_779 = vector.broadcast %squeeze3A_727 : f32 to vector<16xf32>
        %mul3A_780 = arith.mulf %get3A_778, %mul3A_779 : vector<16xf32>
        %swap3A_781 = arith.index_cast %add3A_725 : i32 to index
        %swap3A_782 = arith.constant 96 : index
        %swap3A_783 = tpu.vector_load %arg15[%swap3A_781, %swap3A_782] {strides = array<i32>} : memref<64x128xf32, #tpu.memory_space<vmem>>, vector<16xf32>,
        tpu.vector_store %arg15[%swap3A_781, %swap3A_782], %mul3A_780 {strides = array<i32>} : memref<64x128xf32, #tpu.memory_space<vmem>>, vector<16xf32>,
        %get3A_784 = arith.index_cast %add3A_725 : i32 to index
        %get3A_785 = arith.constant 112 : index
        %get3A_786 = tpu.vector_load %arg15[%get3A_784, %get3A_785] {strides = array<i32>} : memref<64x128xf32, #tpu.memory_space<vmem>>, vector<16xf32>,
        %mul3A_787 = vector.broadcast %squeeze3A_727 : f32 to vector<16xf32>
        %mul3A_788 = arith.mulf %get3A_786, %mul3A_787 : vector<16xf32>
        %swap3A_789 = arith.index_cast %add3A_725 : i32 to index
        %swap3A_790 = arith.constant 112 : index
        %swap3A_791 = tpu.vector_load %arg15[%swap3A_789, %swap3A_790] {strides = array<i32>} : memref<64x128xf32, #tpu.memory_space<vmem>>, vector<16xf32>,
        tpu.vector_store %arg15[%swap3A_789, %swap3A_790], %mul3A_788 {strides = array<i32>} : memref<64x128xf32, #tpu.memory_space<vmem>>, vector<16xf32>,
        %mul3A_792 = arith.constant 16 : i32
        %mul3A_793 = arith.muli %add3A_88, %mul3A_792 : i32
        %add3A_794 = arith.constant 10 : i32
        %add3A_795 = arith.addi %mul3A_793, %add3A_794 : i32
        %slice3A_796 = vector.extract_strided_slice %get3A_94 {offsets = [10], sizes = [1], strides = [1]} : vector<16xf32> to vector<1xf32>
        %squeeze3A_797 = vector.extract %slice3A_796[0] : f32 from vector<1xf32>
        %get3A_798 = arith.index_cast %add3A_795 : i32 to index
        %get3A_799 = arith.constant 0 : index
        %get3A_800 = tpu.vector_load %arg15[%get3A_798, %get3A_799] {strides = array<i32>} : memref<64x128xf32, #tpu.memory_space<vmem>>, vector<16xf32>,
        %mul3A_801 = vector.broadcast %squeeze3A_797 : f32 to vector<16xf32>
        %mul3A_802 = arith.mulf %get3A_800, %mul3A_801 : vector<16xf32>
        %swap3A_803 = arith.index_cast %add3A_795 : i32 to index
        %swap3A_804 = arith.constant 0 : index
        %swap3A_805 = tpu.vector_load %arg15[%swap3A_803, %swap3A_804] {strides = array<i32>} : memref<64x128xf32, #tpu.memory_space<vmem>>, vector<16xf32>,
        tpu.vector_store %arg15[%swap3A_803, %swap3A_804], %mul3A_802 {strides = array<i32>} : memref<64x128xf32, #tpu.memory_space<vmem>>, vector<16xf32>,
        %get3A_806 = arith.index_cast %add3A_795 : i32 to index
        %get3A_807 = arith.constant 16 : index
        %get3A_808 = tpu.vector_load %arg15[%get3A_806, %get3A_807] {strides = array<i32>} : memref<64x128xf32, #tpu.memory_space<vmem>>, vector<16xf32>,
        %mul3A_809 = vector.broadcast %squeeze3A_797 : f32 to vector<16xf32>
        %mul3A_810 = arith.mulf %get3A_808, %mul3A_809 : vector<16xf32>
        %swap3A_811 = arith.index_cast %add3A_795 : i32 to index
        %swap3A_812 = arith.constant 16 : index
        %swap3A_813 = tpu.vector_load %arg15[%swap3A_811, %swap3A_812] {strides = array<i32>} : memref<64x128xf32, #tpu.memory_space<vmem>>, vector<16xf32>,
        tpu.vector_store %arg15[%swap3A_811, %swap3A_812], %mul3A_810 {strides = array<i32>} : memref<64x128xf32, #tpu.memory_space<vmem>>, vector<16xf32>,
        %get3A_814 = arith.index_cast %add3A_795 : i32 to index
        %get3A_815 = arith.constant 32 : index
        %get3A_816 = tpu.vector_load %arg15[%get3A_814, %get3A_815] {strides = array<i32>} : memref<64x128xf32, #tpu.memory_space<vmem>>, vector<16xf32>,
        %mul3A_817 = vector.broadcast %squeeze3A_797 : f32 to vector<16xf32>
        %mul3A_818 = arith.mulf %get3A_816, %mul3A_817 : vector<16xf32>
        %swap3A_819 = arith.index_cast %add3A_795 : i32 to index
        %swap3A_820 = arith.constant 32 : index
        %swap3A_821 = tpu.vector_load %arg15[%swap3A_819, %swap3A_820] {strides = array<i32>} : memref<64x128xf32, #tpu.memory_space<vmem>>, vector<16xf32>,
        tpu.vector_store %arg15[%swap3A_819, %swap3A_820], %mul3A_818 {strides = array<i32>} : memref<64x128xf32, #tpu.memory_space<vmem>>, vector<16xf32>,
        %get3A_822 = arith.index_cast %add3A_795 : i32 to index
        %get3A_823 = arith.constant 48 : index
        %get3A_824 = tpu.vector_load %arg15[%get3A_822, %get3A_823] {strides = array<i32>} : memref<64x128xf32, #tpu.memory_space<vmem>>, vector<16xf32>,
        %mul3A_825 = vector.broadcast %squeeze3A_797 : f32 to vector<16xf32>
        %mul3A_826 = arith.mulf %get3A_824, %mul3A_825 : vector<16xf32>
        %swap3A_827 = arith.index_cast %add3A_795 : i32 to index
        %swap3A_828 = arith.constant 48 : index
        %swap3A_829 = tpu.vector_load %arg15[%swap3A_827, %swap3A_828] {strides = array<i32>} : memref<64x128xf32, #tpu.memory_space<vmem>>, vector<16xf32>,
        tpu.vector_store %arg15[%swap3A_827, %swap3A_828], %mul3A_826 {strides = array<i32>} : memref<64x128xf32, #tpu.memory_space<vmem>>, vector<16xf32>,
        %get3A_830 = arith.index_cast %add3A_795 : i32 to index
        %get3A_831 = arith.constant 64 : index
        %get3A_832 = tpu.vector_load %arg15[%get3A_830, %get3A_831] {strides = array<i32>} : memref<64x128xf32, #tpu.memory_space<vmem>>, vector<16xf32>,
        %mul3A_833 = vector.broadcast %squeeze3A_797 : f32 to vector<16xf32>
        %mul3A_834 = arith.mulf %get3A_832, %mul3A_833 : vector<16xf32>
        %swap3A_835 = arith.index_cast %add3A_795 : i32 to index
        %swap3A_836 = arith.constant 64 : index
        %swap3A_837 = tpu.vector_load %arg15[%swap3A_835, %swap3A_836] {strides = array<i32>} : memref<64x128xf32, #tpu.memory_space<vmem>>, vector<16xf32>,
        tpu.vector_store %arg15[%swap3A_835, %swap3A_836], %mul3A_834 {strides = array<i32>} : memref<64x128xf32, #tpu.memory_space<vmem>>, vector<16xf32>,
        %get3A_838 = arith.index_cast %add3A_795 : i32 to index
        %get3A_839 = arith.constant 80 : index
        %get3A_840 = tpu.vector_load %arg15[%get3A_838, %get3A_839] {strides = array<i32>} : memref<64x128xf32, #tpu.memory_space<vmem>>, vector<16xf32>,
        %mul3A_841 = vector.broadcast %squeeze3A_797 : f32 to vector<16xf32>
        %mul3A_842 = arith.mulf %get3A_840, %mul3A_841 : vector<16xf32>
        %swap3A_843 = arith.index_cast %add3A_795 : i32 to index
        %swap3A_844 = arith.constant 80 : index
        %swap3A_845 = tpu.vector_load %arg15[%swap3A_843, %swap3A_844] {strides = array<i32>} : memref<64x128xf32, #tpu.memory_space<vmem>>, vector<16xf32>,
        tpu.vector_store %arg15[%swap3A_843, %swap3A_844], %mul3A_842 {strides = array<i32>} : memref<64x128xf32, #tpu.memory_space<vmem>>, vector<16xf32>,
        %get3A_846 = arith.index_cast %add3A_795 : i32 to index
        %get3A_847 = arith.constant 96 : index
        %get3A_848 = tpu.vector_load %arg15[%get3A_846, %get3A_847] {strides = array<i32>} : memref<64x128xf32, #tpu.memory_space<vmem>>, vector<16xf32>,
        %mul3A_849 = vector.broadcast %squeeze3A_797 : f32 to vector<16xf32>
        %mul3A_850 = arith.mulf %get3A_848, %mul3A_849 : vector<16xf32>
        %swap3A_851 = arith.index_cast %add3A_795 : i32 to index
        %swap3A_852 = arith.constant 96 : index
        %swap3A_853 = tpu.vector_load %arg15[%swap3A_851, %swap3A_852] {strides = array<i32>} : memref<64x128xf32, #tpu.memory_space<vmem>>, vector<16xf32>,
        tpu.vector_store %arg15[%swap3A_851, %swap3A_852], %mul3A_850 {strides = array<i32>} : memref<64x128xf32, #tpu.memory_space<vmem>>, vector<16xf32>,
        %get3A_854 = arith.index_cast %add3A_795 : i32 to index
        %get3A_855 = arith.constant 112 : index
        %get3A_856 = tpu.vector_load %arg15[%get3A_854, %get3A_855] {strides = array<i32>} : memref<64x128xf32, #tpu.memory_space<vmem>>, vector<16xf32>,
        %mul3A_857 = vector.broadcast %squeeze3A_797 : f32 to vector<16xf32>
        %mul3A_858 = arith.mulf %get3A_856, %mul3A_857 : vector<16xf32>
        %swap3A_859 = arith.index_cast %add3A_795 : i32 to index
        %swap3A_860 = arith.constant 112 : index
        %swap3A_861 = tpu.vector_load %arg15[%swap3A_859, %swap3A_860] {strides = array<i32>} : memref<64x128xf32, #tpu.memory_space<vmem>>, vector<16xf32>,
        tpu.vector_store %arg15[%swap3A_859, %swap3A_860], %mul3A_858 {strides = array<i32>} : memref<64x128xf32, #tpu.memory_space<vmem>>, vector<16xf32>,
        %mul3A_862 = arith.constant 16 : i32
        %mul3A_863 = arith.muli %add3A_88, %mul3A_862 : i32
        %add3A_864 = arith.constant 11 : i32
        %add3A_865 = arith.addi %mul3A_863, %add3A_864 : i32
        %slice3A_866 = vector.extract_strided_slice %get3A_94 {offsets = [11], sizes = [1], strides = [1]} : vector<16xf32> to vector<1xf32>
        %squeeze3A_867 = vector.extract %slice3A_866[0] : f32 from vector<1xf32>
        %get3A_868 = arith.index_cast %add3A_865 : i32 to index
        %get3A_869 = arith.constant 0 : index
        %get3A_870 = tpu.vector_load %arg15[%get3A_868, %get3A_869] {strides = array<i32>} : memref<64x128xf32, #tpu.memory_space<vmem>>, vector<16xf32>,
        %mul3A_871 = vector.broadcast %squeeze3A_867 : f32 to vector<16xf32>
        %mul3A_872 = arith.mulf %get3A_870, %mul3A_871 : vector<16xf32>
        %swap3A_873 = arith.index_cast %add3A_865 : i32 to index
        %swap3A_874 = arith.constant 0 : index
        %swap3A_875 = tpu.vector_load %arg15[%swap3A_873, %swap3A_874] {strides = array<i32>} : memref<64x128xf32, #tpu.memory_space<vmem>>, vector<16xf32>,
        tpu.vector_store %arg15[%swap3A_873, %swap3A_874], %mul3A_872 {strides = array<i32>} : memref<64x128xf32, #tpu.memory_space<vmem>>, vector<16xf32>,
        %get3A_876 = arith.index_cast %add3A_865 : i32 to index
        %get3A_877 = arith.constant 16 : index
        %get3A_878 = tpu.vector_load %arg15[%get3A_876, %get3A_877] {strides = array<i32>} : memref<64x128xf32, #tpu.memory_space<vmem>>, vector<16xf32>,
        %mul3A_879 = vector.broadcast %squeeze3A_867 : f32 to vector<16xf32>
        %mul3A_880 = arith.mulf %get3A_878, %mul3A_879 : vector<16xf32>
        %swap3A_881 = arith.index_cast %add3A_865 : i32 to index
        %swap3A_882 = arith.constant 16 : index
        %swap3A_883 = tpu.vector_load %arg15[%swap3A_881, %swap3A_882] {strides = array<i32>} : memref<64x128xf32, #tpu.memory_space<vmem>>, vector<16xf32>,
        tpu.vector_store %arg15[%swap3A_881, %swap3A_882], %mul3A_880 {strides = array<i32>} : memref<64x128xf32, #tpu.memory_space<vmem>>, vector<16xf32>,
        %get3A_884 = arith.index_cast %add3A_865 : i32 to index
        %get3A_885 = arith.constant 32 : index
        %get3A_886 = tpu.vector_load %arg15[%get3A_884, %get3A_885] {strides = array<i32>} : memref<64x128xf32, #tpu.memory_space<vmem>>, vector<16xf32>,
        %mul3A_887 = vector.broadcast %squeeze3A_867 : f32 to vector<16xf32>
        %mul3A_888 = arith.mulf %get3A_886, %mul3A_887 : vector<16xf32>
        %swap3A_889 = arith.index_cast %add3A_865 : i32 to index
        %swap3A_890 = arith.constant 32 : index
        %swap3A_891 = tpu.vector_load %arg15[%swap3A_889, %swap3A_890] {strides = array<i32>} : memref<64x128xf32, #tpu.memory_space<vmem>>, vector<16xf32>,
        tpu.vector_store %arg15[%swap3A_889, %swap3A_890], %mul3A_888 {strides = array<i32>} : memref<64x128xf32, #tpu.memory_space<vmem>>, vector<16xf32>,
        %get3A_892 = arith.index_cast %add3A_865 : i32 to index
        %get3A_893 = arith.constant 48 : index
        %get3A_894 = tpu.vector_load %arg15[%get3A_892, %get3A_893] {strides = array<i32>} : memref<64x128xf32, #tpu.memory_space<vmem>>, vector<16xf32>,
        %mul3A_895 = vector.broadcast %squeeze3A_867 : f32 to vector<16xf32>
        %mul3A_896 = arith.mulf %get3A_894, %mul3A_895 : vector<16xf32>
        %swap3A_897 = arith.index_cast %add3A_865 : i32 to index
        %swap3A_898 = arith.constant 48 : index
        %swap3A_899 = tpu.vector_load %arg15[%swap3A_897, %swap3A_898] {strides = array<i32>} : memref<64x128xf32, #tpu.memory_space<vmem>>, vector<16xf32>,
        tpu.vector_store %arg15[%swap3A_897, %swap3A_898], %mul3A_896 {strides = array<i32>} : memref<64x128xf32, #tpu.memory_space<vmem>>, vector<16xf32>,
        %get3A_900 = arith.index_cast %add3A_865 : i32 to index
        %get3A_901 = arith.constant 64 : index
        %get3A_902 = tpu.vector_load %arg15[%get3A_900, %get3A_901] {strides = array<i32>} : memref<64x128xf32, #tpu.memory_space<vmem>>, vector<16xf32>,
        %mul3A_903 = vector.broadcast %squeeze3A_867 : f32 to vector<16xf32>
        %mul3A_904 = arith.mulf %get3A_902, %mul3A_903 : vector<16xf32>
        %swap3A_905 = arith.index_cast %add3A_865 : i32 to index
        %swap3A_906 = arith.constant 64 : index
        %swap3A_907 = tpu.vector_load %arg15[%swap3A_905, %swap3A_906] {strides = array<i32>} : memref<64x128xf32, #tpu.memory_space<vmem>>, vector<16xf32>,
        tpu.vector_store %arg15[%swap3A_905, %swap3A_906], %mul3A_904 {strides = array<i32>} : memref<64x128xf32, #tpu.memory_space<vmem>>, vector<16xf32>,
        %get3A_908 = arith.index_cast %add3A_865 : i32 to index
        %get3A_909 = arith.constant 80 : index
        %get3A_910 = tpu.vector_load %arg15[%get3A_908, %get3A_909] {strides = array<i32>} : memref<64x128xf32, #tpu.memory_space<vmem>>, vector<16xf32>,
        %mul3A_911 = vector.broadcast %squeeze3A_867 : f32 to vector<16xf32>
        %mul3A_912 = arith.mulf %get3A_910, %mul3A_911 : vector<16xf32>
        %swap3A_913 = arith.index_cast %add3A_865 : i32 to index
        %swap3A_914 = arith.constant 80 : index
        %swap3A_915 = tpu.vector_load %arg15[%swap3A_913, %swap3A_914] {strides = array<i32>} : memref<64x128xf32, #tpu.memory_space<vmem>>, vector<16xf32>,
        tpu.vector_store %arg15[%swap3A_913, %swap3A_914], %mul3A_912 {strides = array<i32>} : memref<64x128xf32, #tpu.memory_space<vmem>>, vector<16xf32>,
        %get3A_916 = arith.index_cast %add3A_865 : i32 to index
        %get3A_917 = arith.constant 96 : index
        %get3A_918 = tpu.vector_load %arg15[%get3A_916, %get3A_917] {strides = array<i32>} : memref<64x128xf32, #tpu.memory_space<vmem>>, vector<16xf32>,
        %mul3A_919 = vector.broadcast %squeeze3A_867 : f32 to vector<16xf32>
        %mul3A_920 = arith.mulf %get3A_918, %mul3A_919 : vector<16xf32>
        %swap3A_921 = arith.index_cast %add3A_865 : i32 to index
        %swap3A_922 = arith.constant 96 : index
        %swap3A_923 = tpu.vector_load %arg15[%swap3A_921, %swap3A_922] {strides = array<i32>} : memref<64x128xf32, #tpu.memory_space<vmem>>, vector<16xf32>,
        tpu.vector_store %arg15[%swap3A_921, %swap3A_922], %mul3A_920 {strides = array<i32>} : memref<64x128xf32, #tpu.memory_space<vmem>>, vector<16xf32>,
        %get3A_924 = arith.index_cast %add3A_865 : i32 to index
        %get3A_925 = arith.constant 112 : index
        %get3A_926 = tpu.vector_load %arg15[%get3A_924, %get3A_925] {strides = array<i32>} : memref<64x128xf32, #tpu.memory_space<vmem>>, vector<16xf32>,
        %mul3A_927 = vector.broadcast %squeeze3A_867 : f32 to vector<16xf32>
        %mul3A_928 = arith.mulf %get3A_926, %mul3A_927 : vector<16xf32>
        %swap3A_929 = arith.index_cast %add3A_865 : i32 to index
        %swap3A_930 = arith.constant 112 : index
        %swap3A_931 = tpu.vector_load %arg15[%swap3A_929, %swap3A_930] {strides = array<i32>} : memref<64x128xf32, #tpu.memory_space<vmem>>, vector<16xf32>,
        tpu.vector_store %arg15[%swap3A_929, %swap3A_930], %mul3A_928 {strides = array<i32>} : memref<64x128xf32, #tpu.memory_space<vmem>>, vector<16xf32>,
        %mul3A_932 = arith.constant 16 : i32
        %mul3A_933 = arith.muli %add3A_88, %mul3A_932 : i32
        %add3A_934 = arith.constant 12 : i32
        %add3A_935 = arith.addi %mul3A_933, %add3A_934 : i32
        %slice3A_936 = vector.extract_strided_slice %get3A_94 {offsets = [12], sizes = [1], strides = [1]} : vector<16xf32> to vector<1xf32>
        %squeeze3A_937 = vector.extract %slice3A_936[0] : f32 from vector<1xf32>
        %get3A_938 = arith.index_cast %add3A_935 : i32 to index
        %get3A_939 = arith.constant 0 : index
        %get3A_940 = tpu.vector_load %arg15[%get3A_938, %get3A_939] {strides = array<i32>} : memref<64x128xf32, #tpu.memory_space<vmem>>, vector<16xf32>,
        %mul3A_941 = vector.broadcast %squeeze3A_937 : f32 to vector<16xf32>
        %mul3A_942 = arith.mulf %get3A_940, %mul3A_941 : vector<16xf32>
        %swap3A_943 = arith.index_cast %add3A_935 : i32 to index
        %swap3A_944 = arith.constant 0 : index
        %swap3A_945 = tpu.vector_load %arg15[%swap3A_943, %swap3A_944] {strides = array<i32>} : memref<64x128xf32, #tpu.memory_space<vmem>>, vector<16xf32>,
        tpu.vector_store %arg15[%swap3A_943, %swap3A_944], %mul3A_942 {strides = array<i32>} : memref<64x128xf32, #tpu.memory_space<vmem>>, vector<16xf32>,
        %get3A_946 = arith.index_cast %add3A_935 : i32 to index
        %get3A_947 = arith.constant 16 : index
        %get3A_948 = tpu.vector_load %arg15[%get3A_946, %get3A_947] {strides = array<i32>} : memref<64x128xf32, #tpu.memory_space<vmem>>, vector<16xf32>,
        %mul3A_949 = vector.broadcast %squeeze3A_937 : f32 to vector<16xf32>
        %mul3A_950 = arith.mulf %get3A_948, %mul3A_949 : vector<16xf32>
        %swap3A_951 = arith.index_cast %add3A_935 : i32 to index
        %swap3A_952 = arith.constant 16 : index
        %swap3A_953 = tpu.vector_load %arg15[%swap3A_951, %swap3A_952] {strides = array<i32>} : memref<64x128xf32, #tpu.memory_space<vmem>>, vector<16xf32>,
        tpu.vector_store %arg15[%swap3A_951, %swap3A_952], %mul3A_950 {strides = array<i32>} : memref<64x128xf32, #tpu.memory_space<vmem>>, vector<16xf32>,
        %get3A_954 = arith.index_cast %add3A_935 : i32 to index
        %get3A_955 = arith.constant 32 : index
        %get3A_956 = tpu.vector_load %arg15[%get3A_954, %get3A_955] {strides = array<i32>} : memref<64x128xf32, #tpu.memory_space<vmem>>, vector<16xf32>,
        %mul3A_957 = vector.broadcast %squeeze3A_937 : f32 to vector<16xf32>
        %mul3A_958 = arith.mulf %get3A_956, %mul3A_957 : vector<16xf32>
        %swap3A_959 = arith.index_cast %add3A_935 : i32 to index
        %swap3A_960 = arith.constant 32 : index
        %swap3A_961 = tpu.vector_load %arg15[%swap3A_959, %swap3A_960] {strides = array<i32>} : memref<64x128xf32, #tpu.memory_space<vmem>>, vector<16xf32>,
        tpu.vector_store %arg15[%swap3A_959, %swap3A_960], %mul3A_958 {strides = array<i32>} : memref<64x128xf32, #tpu.memory_space<vmem>>, vector<16xf32>,
        %get3A_962 = arith.index_cast %add3A_935 : i32 to index
        %get3A_963 = arith.constant 48 : index
        %get3A_964 = tpu.vector_load %arg15[%get3A_962, %get3A_963] {strides = array<i32>} : memref<64x128xf32, #tpu.memory_space<vmem>>, vector<16xf32>,
        %mul3A_965 = vector.broadcast %squeeze3A_937 : f32 to vector<16xf32>
        %mul3A_966 = arith.mulf %get3A_964, %mul3A_965 : vector<16xf32>
        %swap3A_967 = arith.index_cast %add3A_935 : i32 to index
        %swap3A_968 = arith.constant 48 : index
        %swap3A_969 = tpu.vector_load %arg15[%swap3A_967, %swap3A_968] {strides = array<i32>} : memref<64x128xf32, #tpu.memory_space<vmem>>, vector<16xf32>,
        tpu.vector_store %arg15[%swap3A_967, %swap3A_968], %mul3A_966 {strides = array<i32>} : memref<64x128xf32, #tpu.memory_space<vmem>>, vector<16xf32>,
        %get3A_970 = arith.index_cast %add3A_935 : i32 to index
        %get3A_971 = arith.constant 64 : index
        %get3A_972 = tpu.vector_load %arg15[%get3A_970, %get3A_971] {strides = array<i32>} : memref<64x128xf32, #tpu.memory_space<vmem>>, vector<16xf32>,
        %mul3A_973 = vector.broadcast %squeeze3A_937 : f32 to vector<16xf32>
        %mul3A_974 = arith.mulf %get3A_972, %mul3A_973 : vector<16xf32>
        %swap3A_975 = arith.index_cast %add3A_935 : i32 to index
        %swap3A_976 = arith.constant 64 : index
        %swap3A_977 = tpu.vector_load %arg15[%swap3A_975, %swap3A_976] {strides = array<i32>} : memref<64x128xf32, #tpu.memory_space<vmem>>, vector<16xf32>,
        tpu.vector_store %arg15[%swap3A_975, %swap3A_976], %mul3A_974 {strides = array<i32>} : memref<64x128xf32, #tpu.memory_space<vmem>>, vector<16xf32>,
        %get3A_978 = arith.index_cast %add3A_935 : i32 to index
        %get3A_979 = arith.constant 80 : index
        %get3A_980 = tpu.vector_load %arg15[%get3A_978, %get3A_979] {strides = array<i32>} : memref<64x128xf32, #tpu.memory_space<vmem>>, vector<16xf32>,
        %mul3A_981 = vector.broadcast %squeeze3A_937 : f32 to vector<16xf32>
        %mul3A_982 = arith.mulf %get3A_980, %mul3A_981 : vector<16xf32>
        %swap3A_983 = arith.index_cast %add3A_935 : i32 to index
        %swap3A_984 = arith.constant 80 : index
        %swap3A_985 = tpu.vector_load %arg15[%swap3A_983, %swap3A_984] {strides = array<i32>} : memref<64x128xf32, #tpu.memory_space<vmem>>, vector<16xf32>,
        tpu.vector_store %arg15[%swap3A_983, %swap3A_984], %mul3A_982 {strides = array<i32>} : memref<64x128xf32, #tpu.memory_space<vmem>>, vector<16xf32>,
        %get3A_986 = arith.index_cast %add3A_935 : i32 to index
        %get3A_987 = arith.constant 96 : index
        %get3A_988 = tpu.vector_load %arg15[%get3A_986, %get3A_987] {strides = array<i32>} : memref<64x128xf32, #tpu.memory_space<vmem>>, vector<16xf32>,
        %mul3A_989 = vector.broadcast %squeeze3A_937 : f32 to vector<16xf32>
        %mul3A_990 = arith.mulf %get3A_988, %mul3A_989 : vector<16xf32>
        %swap3A_991 = arith.index_cast %add3A_935 : i32 to index
        %swap3A_992 = arith.constant 96 : index
        %swap3A_993 = tpu.vector_load %arg15[%swap3A_991, %swap3A_992] {strides = array<i32>} : memref<64x128xf32, #tpu.memory_space<vmem>>, vector<16xf32>,
        tpu.vector_store %arg15[%swap3A_991, %swap3A_992], %mul3A_990 {strides = array<i32>} : memref<64x128xf32, #tpu.memory_space<vmem>>, vector<16xf32>,
        %get3A_994 = arith.index_cast %add3A_935 : i32 to index
        %get3A_995 = arith.constant 112 : index
        %get3A_996 = tpu.vector_load %arg15[%get3A_994, %get3A_995] {strides = array<i32>} : memref<64x128xf32, #tpu.memory_space<vmem>>, vector<16xf32>,
        %mul3A_997 = vector.broadcast %squeeze3A_937 : f32 to vector<16xf32>
        %mul3A_998 = arith.mulf %get3A_996, %mul3A_997 : vector<16xf32>
        %swap3A_999 = arith.index_cast %add3A_935 : i32 to index
        %swap3A_1000 = arith.constant 112 : index
        %swap3A_1001 = tpu.vector_load %arg15[%swap3A_999, %swap3A_1000] {strides = array<i32>} : memref<64x128xf32, #tpu.memory_space<vmem>>, vector<16xf32>,
        tpu.vector_store %arg15[%swap3A_999, %swap3A_1000], %mul3A_998 {strides = array<i32>} : memref<64x128xf32, #tpu.memory_space<vmem>>, vector<16xf32>,
        %mul3A_1002 = arith.constant 16 : i32
        %mul3A_1003 = arith.muli %add3A_88, %mul3A_1002 : i32
        %add3A_1004 = arith.constant 13 : i32
        %add3A_1005 = arith.addi %mul3A_1003, %add3A_1004 : i32
        %slice3A_1006 = vector.extract_strided_slice %get3A_94 {offsets = [13], sizes = [1], strides = [1]} : vector<16xf32> to vector<1xf32>
        %squeeze3A_1007 = vector.extract %slice3A_1006[0] : f32 from vector<1xf32>
        %get3A_1008 = arith.index_cast %add3A_1005 : i32 to index
        %get3A_1009 = arith.constant 0 : index
        %get3A_1010 = tpu.vector_load %arg15[%get3A_1008, %get3A_1009] {strides = array<i32>} : memref<64x128xf32, #tpu.memory_space<vmem>>, vector<16xf32>,
        %mul3A_1011 = vector.broadcast %squeeze3A_1007 : f32 to vector<16xf32>
        %mul3A_1012 = arith.mulf %get3A_1010, %mul3A_1011 : vector<16xf32>
        %swap3A_1013 = arith.index_cast %add3A_1005 : i32 to index
        %swap3A_1014 = arith.constant 0 : index
        %swap3A_1015 = tpu.vector_load %arg15[%swap3A_1013, %swap3A_1014] {strides = array<i32>} : memref<64x128xf32, #tpu.memory_space<vmem>>, vector<16xf32>,
        tpu.vector_store %arg15[%swap3A_1013, %swap3A_1014], %mul3A_1012 {strides = array<i32>} : memref<64x128xf32, #tpu.memory_space<vmem>>, vector<16xf32>,
        %get3A_1016 = arith.index_cast %add3A_1005 : i32 to index
        %get3A_1017 = arith.constant 16 : index
        %get3A_1018 = tpu.vector_load %arg15[%get3A_1016, %get3A_1017] {strides = array<i32>} : memref<64x128xf32, #tpu.memory_space<vmem>>, vector<16xf32>,
        %mul3A_1019 = vector.broadcast %squeeze3A_1007 : f32 to vector<16xf32>
        %mul3A_1020 = arith.mulf %get3A_1018, %mul3A_1019 : vector<16xf32>
        %swap3A_1021 = arith.index_cast %add3A_1005 : i32 to index
        %swap3A_1022 = arith.constant 16 : index
        %swap3A_1023 = tpu.vector_load %arg15[%swap3A_1021, %swap3A_1022] {strides = array<i32>} : memref<64x128xf32, #tpu.memory_space<vmem>>, vector<16xf32>,
        tpu.vector_store %arg15[%swap3A_1021, %swap3A_1022], %mul3A_1020 {strides = array<i32>} : memref<64x128xf32, #tpu.memory_space<vmem>>, vector<16xf32>,
        %get3A_1024 = arith.index_cast %add3A_1005 : i32 to index
        %get3A_1025 = arith.constant 32 : index
        %get3A_1026 = tpu.vector_load %arg15[%get3A_1024, %get3A_1025] {strides = array<i32>} : memref<64x128xf32, #tpu.memory_space<vmem>>, vector<16xf32>,
        %mul3A_1027 = vector.broadcast %squeeze3A_1007 : f32 to vector<16xf32>
        %mul3A_1028 = arith.mulf %get3A_1026, %mul3A_1027 : vector<16xf32>
        %swap3A_1029 = arith.index_cast %add3A_1005 : i32 to index
        %swap3A_1030 = arith.constant 32 : index
        %swap3A_1031 = tpu.vector_load %arg15[%swap3A_1029, %swap3A_1030] {strides = array<i32>} : memref<64x128xf32, #tpu.memory_space<vmem>>, vector<16xf32>,
        tpu.vector_store %arg15[%swap3A_1029, %swap3A_1030], %mul3A_1028 {strides = array<i32>} : memref<64x128xf32, #tpu.memory_space<vmem>>, vector<16xf32>,
        %get3A_1032 = arith.index_cast %add3A_1005 : i32 to index
        %get3A_1033 = arith.constant 48 : index
        %get3A_1034 = tpu.vector_load %arg15[%get3A_1032, %get3A_1033] {strides = array<i32>} : memref<64x128xf32, #tpu.memory_space<vmem>>, vector<16xf32>,
        %mul3A_1035 = vector.broadcast %squeeze3A_1007 : f32 to vector<16xf32>
        %mul3A_1036 = arith.mulf %get3A_1034, %mul3A_1035 : vector<16xf32>
        %swap3A_1037 = arith.index_cast %add3A_1005 : i32 to index
        %swap3A_1038 = arith.constant 48 : index
        %swap3A_1039 = tpu.vector_load %arg15[%swap3A_1037, %swap3A_1038] {strides = array<i32>} : memref<64x128xf32, #tpu.memory_space<vmem>>, vector<16xf32>,
        tpu.vector_store %arg15[%swap3A_1037, %swap3A_1038], %mul3A_1036 {strides = array<i32>} : memref<64x128xf32, #tpu.memory_space<vmem>>, vector<16xf32>,
        %get3A_1040 = arith.index_cast %add3A_1005 : i32 to index
        %get3A_1041 = arith.constant 64 : index
        %get3A_1042 = tpu.vector_load %arg15[%get3A_1040, %get3A_1041] {strides = array<i32>} : memref<64x128xf32, #tpu.memory_space<vmem>>, vector<16xf32>,
        %mul3A_1043 = vector.broadcast %squeeze3A_1007 : f32 to vector<16xf32>
        %mul3A_1044 = arith.mulf %get3A_1042, %mul3A_1043 : vector<16xf32>
        %swap3A_1045 = arith.index_cast %add3A_1005 : i32 to index
        %swap3A_1046 = arith.constant 64 : index
        %swap3A_1047 = tpu.vector_load %arg15[%swap3A_1045, %swap3A_1046] {strides = array<i32>} : memref<64x128xf32, #tpu.memory_space<vmem>>, vector<16xf32>,
        tpu.vector_store %arg15[%swap3A_1045, %swap3A_1046], %mul3A_1044 {strides = array<i32>} : memref<64x128xf32, #tpu.memory_space<vmem>>, vector<16xf32>,
        %get3A_1048 = arith.index_cast %add3A_1005 : i32 to index
        %get3A_1049 = arith.constant 80 : index
        %get3A_1050 = tpu.vector_load %arg15[%get3A_1048, %get3A_1049] {strides = array<i32>} : memref<64x128xf32, #tpu.memory_space<vmem>>, vector<16xf32>,
        %mul3A_1051 = vector.broadcast %squeeze3A_1007 : f32 to vector<16xf32>
        %mul3A_1052 = arith.mulf %get3A_1050, %mul3A_1051 : vector<16xf32>
        %swap3A_1053 = arith.index_cast %add3A_1005 : i32 to index
        %swap3A_1054 = arith.constant 80 : index
        %swap3A_1055 = tpu.vector_load %arg15[%swap3A_1053, %swap3A_1054] {strides = array<i32>} : memref<64x128xf32, #tpu.memory_space<vmem>>, vector<16xf32>,
        tpu.vector_store %arg15[%swap3A_1053, %swap3A_1054], %mul3A_1052 {strides = array<i32>} : memref<64x128xf32, #tpu.memory_space<vmem>>, vector<16xf32>,
        %get3A_1056 = arith.index_cast %add3A_1005 : i32 to index
        %get3A_1057 = arith.constant 96 : index
        %get3A_1058 = tpu.vector_load %arg15[%get3A_1056, %get3A_1057] {strides = array<i32>} : memref<64x128xf32, #tpu.memory_space<vmem>>, vector<16xf32>,
        %mul3A_1059 = vector.broadcast %squeeze3A_1007 : f32 to vector<16xf32>
        %mul3A_1060 = arith.mulf %get3A_1058, %mul3A_1059 : vector<16xf32>
        %swap3A_1061 = arith.index_cast %add3A_1005 : i32 to index
        %swap3A_1062 = arith.constant 96 : index
        %swap3A_1063 = tpu.vector_load %arg15[%swap3A_1061, %swap3A_1062] {strides = array<i32>} : memref<64x128xf32, #tpu.memory_space<vmem>>, vector<16xf32>,
        tpu.vector_store %arg15[%swap3A_1061, %swap3A_1062], %mul3A_1060 {strides = array<i32>} : memref<64x128xf32, #tpu.memory_space<vmem>>, vector<16xf32>,
        %get3A_1064 = arith.index_cast %add3A_1005 : i32 to index
        %get3A_1065 = arith.constant 112 : index
        %get3A_1066 = tpu.vector_load %arg15[%get3A_1064, %get3A_1065] {strides = array<i32>} : memref<64x128xf32, #tpu.memory_space<vmem>>, vector<16xf32>,
        %mul3A_1067 = vector.broadcast %squeeze3A_1007 : f32 to vector<16xf32>
        %mul3A_1068 = arith.mulf %get3A_1066, %mul3A_1067 : vector<16xf32>
        %swap3A_1069 = arith.index_cast %add3A_1005 : i32 to index
        %swap3A_1070 = arith.constant 112 : index
        %swap3A_1071 = tpu.vector_load %arg15[%swap3A_1069, %swap3A_1070] {strides = array<i32>} : memref<64x128xf32, #tpu.memory_space<vmem>>, vector<16xf32>,
        tpu.vector_store %arg15[%swap3A_1069, %swap3A_1070], %mul3A_1068 {strides = array<i32>} : memref<64x128xf32, #tpu.memory_space<vmem>>, vector<16xf32>,
        %mul3A_1072 = arith.constant 16 : i32
        %mul3A_1073 = arith.muli %add3A_88, %mul3A_1072 : i32
        %add3A_1074 = arith.constant 14 : i32
        %add3A_1075 = arith.addi %mul3A_1073, %add3A_1074 : i32
        %slice3A_1076 = vector.extract_strided_slice %get3A_94 {offsets = [14], sizes = [1], strides = [1]} : vector<16xf32> to vector<1xf32>
        %squeeze3A_1077 = vector.extract %slice3A_1076[0] : f32 from vector<1xf32>
        %get3A_1078 = arith.index_cast %add3A_1075 : i32 to index
        %get3A_1079 = arith.constant 0 : index
        %get3A_1080 = tpu.vector_load %arg15[%get3A_1078, %get3A_1079] {strides = array<i32>} : memref<64x128xf32, #tpu.memory_space<vmem>>, vector<16xf32>,
        %mul3A_1081 = vector.broadcast %squeeze3A_1077 : f32 to vector<16xf32>
        %mul3A_1082 = arith.mulf %get3A_1080, %mul3A_1081 : vector<16xf32>
        %swap3A_1083 = arith.index_cast %add3A_1075 : i32 to index
        %swap3A_1084 = arith.constant 0 : index
        %swap3A_1085 = tpu.vector_load %arg15[%swap3A_1083, %swap3A_1084] {strides = array<i32>} : memref<64x128xf32, #tpu.memory_space<vmem>>, vector<16xf32>,
        tpu.vector_store %arg15[%swap3A_1083, %swap3A_1084], %mul3A_1082 {strides = array<i32>} : memref<64x128xf32, #tpu.memory_space<vmem>>, vector<16xf32>,
        %get3A_1086 = arith.index_cast %add3A_1075 : i32 to index
        %get3A_1087 = arith.constant 16 : index
        %get3A_1088 = tpu.vector_load %arg15[%get3A_1086, %get3A_1087] {strides = array<i32>} : memref<64x128xf32, #tpu.memory_space<vmem>>, vector<16xf32>,
        %mul3A_1089 = vector.broadcast %squeeze3A_1077 : f32 to vector<16xf32>
        %mul3A_1090 = arith.mulf %get3A_1088, %mul3A_1089 : vector<16xf32>
        %swap3A_1091 = arith.index_cast %add3A_1075 : i32 to index
        %swap3A_1092 = arith.constant 16 : index
        %swap3A_1093 = tpu.vector_load %arg15[%swap3A_1091, %swap3A_1092] {strides = array<i32>} : memref<64x128xf32, #tpu.memory_space<vmem>>, vector<16xf32>,
        tpu.vector_store %arg15[%swap3A_1091, %swap3A_1092], %mul3A_1090 {strides = array<i32>} : memref<64x128xf32, #tpu.memory_space<vmem>>, vector<16xf32>,
        %get3A_1094 = arith.index_cast %add3A_1075 : i32 to index
        %get3A_1095 = arith.constant 32 : index
        %get3A_1096 = tpu.vector_load %arg15[%get3A_1094, %get3A_1095] {strides = array<i32>} : memref<64x128xf32, #tpu.memory_space<vmem>>, vector<16xf32>,
        %mul3A_1097 = vector.broadcast %squeeze3A_1077 : f32 to vector<16xf32>
        %mul3A_1098 = arith.mulf %get3A_1096, %mul3A_1097 : vector<16xf32>
        %swap3A_1099 = arith.index_cast %add3A_1075 : i32 to index
        %swap3A_1100 = arith.constant 32 : index
        %swap3A_1101 = tpu.vector_load %arg15[%swap3A_1099, %swap3A_1100] {strides = array<i32>} : memref<64x128xf32, #tpu.memory_space<vmem>>, vector<16xf32>,
        tpu.vector_store %arg15[%swap3A_1099, %swap3A_1100], %mul3A_1098 {strides = array<i32>} : memref<64x128xf32, #tpu.memory_space<vmem>>, vector<16xf32>,
        %get3A_1102 = arith.index_cast %add3A_1075 : i32 to index
        %get3A_1103 = arith.constant 48 : index
        %get3A_1104 = tpu.vector_load %arg15[%get3A_1102, %get3A_1103] {strides = array<i32>} : memref<64x128xf32, #tpu.memory_space<vmem>>, vector<16xf32>,
        %mul3A_1105 = vector.broadcast %squeeze3A_1077 : f32 to vector<16xf32>
        %mul3A_1106 = arith.mulf %get3A_1104, %mul3A_1105 : vector<16xf32>
        %swap3A_1107 = arith.index_cast %add3A_1075 : i32 to index
        %swap3A_1108 = arith.constant 48 : index
        %swap3A_1109 = tpu.vector_load %arg15[%swap3A_1107, %swap3A_1108] {strides = array<i32>} : memref<64x128xf32, #tpu.memory_space<vmem>>, vector<16xf32>,
        tpu.vector_store %arg15[%swap3A_1107, %swap3A_1108], %mul3A_1106 {strides = array<i32>} : memref<64x128xf32, #tpu.memory_space<vmem>>, vector<16xf32>,
        %get3A_1110 = arith.index_cast %add3A_1075 : i32 to index
        %get3A_1111 = arith.constant 64 : index
        %get3A_1112 = tpu.vector_load %arg15[%get3A_1110, %get3A_1111] {strides = array<i32>} : memref<64x128xf32, #tpu.memory_space<vmem>>, vector<16xf32>,
        %mul3A_1113 = vector.broadcast %squeeze3A_1077 : f32 to vector<16xf32>
        %mul3A_1114 = arith.mulf %get3A_1112, %mul3A_1113 : vector<16xf32>
        %swap3A_1115 = arith.index_cast %add3A_1075 : i32 to index
        %swap3A_1116 = arith.constant 64 : index
        %swap3A_1117 = tpu.vector_load %arg15[%swap3A_1115, %swap3A_1116] {strides = array<i32>} : memref<64x128xf32, #tpu.memory_space<vmem>>, vector<16xf32>,
        tpu.vector_store %arg15[%swap3A_1115, %swap3A_1116], %mul3A_1114 {strides = array<i32>} : memref<64x128xf32, #tpu.memory_space<vmem>>, vector<16xf32>,
        %get3A_1118 = arith.index_cast %add3A_1075 : i32 to index
        %get3A_1119 = arith.constant 80 : index
        %get3A_1120 = tpu.vector_load %arg15[%get3A_1118, %get3A_1119] {strides = array<i32>} : memref<64x128xf32, #tpu.memory_space<vmem>>, vector<16xf32>,
        %mul3A_1121 = vector.broadcast %squeeze3A_1077 : f32 to vector<16xf32>
        %mul3A_1122 = arith.mulf %get3A_1120, %mul3A_1121 : vector<16xf32>
        %swap3A_1123 = arith.index_cast %add3A_1075 : i32 to index
        %swap3A_1124 = arith.constant 80 : index
        %swap3A_1125 = tpu.vector_load %arg15[%swap3A_1123, %swap3A_1124] {strides = array<i32>} : memref<64x128xf32, #tpu.memory_space<vmem>>, vector<16xf32>,
        tpu.vector_store %arg15[%swap3A_1123, %swap3A_1124], %mul3A_1122 {strides = array<i32>} : memref<64x128xf32, #tpu.memory_space<vmem>>, vector<16xf32>,
        %get3A_1126 = arith.index_cast %add3A_1075 : i32 to index
        %get3A_1127 = arith.constant 96 : index
        %get3A_1128 = tpu.vector_load %arg15[%get3A_1126, %get3A_1127] {strides = array<i32>} : memref<64x128xf32, #tpu.memory_space<vmem>>, vector<16xf32>,
        %mul3A_1129 = vector.broadcast %squeeze3A_1077 : f32 to vector<16xf32>
        %mul3A_1130 = arith.mulf %get3A_1128, %mul3A_1129 : vector<16xf32>
        %swap3A_1131 = arith.index_cast %add3A_1075 : i32 to index
        %swap3A_1132 = arith.constant 96 : index
        %swap3A_1133 = tpu.vector_load %arg15[%swap3A_1131, %swap3A_1132] {strides = array<i32>} : memref<64x128xf32, #tpu.memory_space<vmem>>, vector<16xf32>,
        tpu.vector_store %arg15[%swap3A_1131, %swap3A_1132], %mul3A_1130 {strides = array<i32>} : memref<64x128xf32, #tpu.memory_space<vmem>>, vector<16xf32>,
        %get3A_1134 = arith.index_cast %add3A_1075 : i32 to index
        %get3A_1135 = arith.constant 112 : index
        %get3A_1136 = tpu.vector_load %arg15[%get3A_1134, %get3A_1135] {strides = array<i32>} : memref<64x128xf32, #tpu.memory_space<vmem>>, vector<16xf32>,
        %mul3A_1137 = vector.broadcast %squeeze3A_1077 : f32 to vector<16xf32>
        %mul3A_1138 = arith.mulf %get3A_1136, %mul3A_1137 : vector<16xf32>
        %swap3A_1139 = arith.index_cast %add3A_1075 : i32 to index
        %swap3A_1140 = arith.constant 112 : index
        %swap3A_1141 = tpu.vector_load %arg15[%swap3A_1139, %swap3A_1140] {strides = array<i32>} : memref<64x128xf32, #tpu.memory_space<vmem>>, vector<16xf32>,
        tpu.vector_store %arg15[%swap3A_1139, %swap3A_1140], %mul3A_1138 {strides = array<i32>} : memref<64x128xf32, #tpu.memory_space<vmem>>, vector<16xf32>,
        %mul3A_1142 = arith.constant 16 : i32
        %mul3A_1143 = arith.muli %add3A_88, %mul3A_1142 : i32
        %add3A_1144 = arith.constant 15 : i32
        %add3A_1145 = arith.addi %mul3A_1143, %add3A_1144 : i32
        %slice3A_1146 = vector.extract_strided_slice %get3A_94 {offsets = [15], sizes = [1], strides = [1]} : vector<16xf32> to vector<1xf32>
        %squeeze3A_1147 = vector.extract %slice3A_1146[0] : f32 from vector<1xf32>
        %get3A_1148 = arith.index_cast %add3A_1145 : i32 to index
        %get3A_1149 = arith.constant 0 : index
        %get3A_1150 = tpu.vector_load %arg15[%get3A_1148, %get3A_1149] {strides = array<i32>} : memref<64x128xf32, #tpu.memory_space<vmem>>, vector<16xf32>,
        %mul3A_1151 = vector.broadcast %squeeze3A_1147 : f32 to vector<16xf32>
        %mul3A_1152 = arith.mulf %get3A_1150, %mul3A_1151 : vector<16xf32>
        %swap3A_1153 = arith.index_cast %add3A_1145 : i32 to index
        %swap3A_1154 = arith.constant 0 : index
        %swap3A_1155 = tpu.vector_load %arg15[%swap3A_1153, %swap3A_1154] {strides = array<i32>} : memref<64x128xf32, #tpu.memory_space<vmem>>, vector<16xf32>,
        tpu.vector_store %arg15[%swap3A_1153, %swap3A_1154], %mul3A_1152 {strides = array<i32>} : memref<64x128xf32, #tpu.memory_space<vmem>>, vector<16xf32>,
        %get3A_1156 = arith.index_cast %add3A_1145 : i32 to index
        %get3A_1157 = arith.constant 16 : index
        %get3A_1158 = tpu.vector_load %arg15[%get3A_1156, %get3A_1157] {strides = array<i32>} : memref<64x128xf32, #tpu.memory_space<vmem>>, vector<16xf32>,
        %mul3A_1159 = vector.broadcast %squeeze3A_1147 : f32 to vector<16xf32>
        %mul3A_1160 = arith.mulf %get3A_1158, %mul3A_1159 : vector<16xf32>
        %swap3A_1161 = arith.index_cast %add3A_1145 : i32 to index
        %swap3A_1162 = arith.constant 16 : index
        %swap3A_1163 = tpu.vector_load %arg15[%swap3A_1161, %swap3A_1162] {strides = array<i32>} : memref<64x128xf32, #tpu.memory_space<vmem>>, vector<16xf32>,
        tpu.vector_store %arg15[%swap3A_1161, %swap3A_1162], %mul3A_1160 {strides = array<i32>} : memref<64x128xf32, #tpu.memory_space<vmem>>, vector<16xf32>,
        %get3A_1164 = arith.index_cast %add3A_1145 : i32 to index
        %get3A_1165 = arith.constant 32 : index
        %get3A_1166 = tpu.vector_load %arg15[%get3A_1164, %get3A_1165] {strides = array<i32>} : memref<64x128xf32, #tpu.memory_space<vmem>>, vector<16xf32>,
        %mul3A_1167 = vector.broadcast %squeeze3A_1147 : f32 to vector<16xf32>
        %mul3A_1168 = arith.mulf %get3A_1166, %mul3A_1167 : vector<16xf32>
        %swap3A_1169 = arith.index_cast %add3A_1145 : i32 to index
        %swap3A_1170 = arith.constant 32 : index
        %swap3A_1171 = tpu.vector_load %arg15[%swap3A_1169, %swap3A_1170] {strides = array<i32>} : memref<64x128xf32, #tpu.memory_space<vmem>>, vector<16xf32>,
        tpu.vector_store %arg15[%swap3A_1169, %swap3A_1170], %mul3A_1168 {strides = array<i32>} : memref<64x128xf32, #tpu.memory_space<vmem>>, vector<16xf32>,
        %get3A_1172 = arith.index_cast %add3A_1145 : i32 to index
        %get3A_1173 = arith.constant 48 : index
        %get3A_1174 = tpu.vector_load %arg15[%get3A_1172, %get3A_1173] {strides = array<i32>} : memref<64x128xf32, #tpu.memory_space<vmem>>, vector<16xf32>,
        %mul3A_1175 = vector.broadcast %squeeze3A_1147 : f32 to vector<16xf32>
        %mul3A_1176 = arith.mulf %get3A_1174, %mul3A_1175 : vector<16xf32>
        %swap3A_1177 = arith.index_cast %add3A_1145 : i32 to index
        %swap3A_1178 = arith.constant 48 : index
        %swap3A_1179 = tpu.vector_load %arg15[%swap3A_1177, %swap3A_1178] {strides = array<i32>} : memref<64x128xf32, #tpu.memory_space<vmem>>, vector<16xf32>,
        tpu.vector_store %arg15[%swap3A_1177, %swap3A_1178], %mul3A_1176 {strides = array<i32>} : memref<64x128xf32, #tpu.memory_space<vmem>>, vector<16xf32>,
        %get3A_1180 = arith.index_cast %add3A_1145 : i32 to index
        %get3A_1181 = arith.constant 64 : index
        %get3A_1182 = tpu.vector_load %arg15[%get3A_1180, %get3A_1181] {strides = array<i32>} : memref<64x128xf32, #tpu.memory_space<vmem>>, vector<16xf32>,
        %mul3A_1183 = vector.broadcast %squeeze3A_1147 : f32 to vector<16xf32>
        %mul3A_1184 = arith.mulf %get3A_1182, %mul3A_1183 : vector<16xf32>
        %swap3A_1185 = arith.index_cast %add3A_1145 : i32 to index
        %swap3A_1186 = arith.constant 64 : index
        %swap3A_1187 = tpu.vector_load %arg15[%swap3A_1185, %swap3A_1186] {strides = array<i32>} : memref<64x128xf32, #tpu.memory_space<vmem>>, vector<16xf32>,
        tpu.vector_store %arg15[%swap3A_1185, %swap3A_1186], %mul3A_1184 {strides = array<i32>} : memref<64x128xf32, #tpu.memory_space<vmem>>, vector<16xf32>,
        %get3A_1188 = arith.index_cast %add3A_1145 : i32 to index
        %get3A_1189 = arith.constant 80 : index
        %get3A_1190 = tpu.vector_load %arg15[%get3A_1188, %get3A_1189] {strides = array<i32>} : memref<64x128xf32, #tpu.memory_space<vmem>>, vector<16xf32>,
        %mul3A_1191 = vector.broadcast %squeeze3A_1147 : f32 to vector<16xf32>
        %mul3A_1192 = arith.mulf %get3A_1190, %mul3A_1191 : vector<16xf32>
        %swap3A_1193 = arith.index_cast %add3A_1145 : i32 to index
        %swap3A_1194 = arith.constant 80 : index
        %swap3A_1195 = tpu.vector_load %arg15[%swap3A_1193, %swap3A_1194] {strides = array<i32>} : memref<64x128xf32, #tpu.memory_space<vmem>>, vector<16xf32>,
        tpu.vector_store %arg15[%swap3A_1193, %swap3A_1194], %mul3A_1192 {strides = array<i32>} : memref<64x128xf32, #tpu.memory_space<vmem>>, vector<16xf32>,
        %get3A_1196 = arith.index_cast %add3A_1145 : i32 to index
        %get3A_1197 = arith.constant 96 : index
        %get3A_1198 = tpu.vector_load %arg15[%get3A_1196, %get3A_1197] {strides = array<i32>} : memref<64x128xf32, #tpu.memory_space<vmem>>, vector<16xf32>,
        %mul3A_1199 = vector.broadcast %squeeze3A_1147 : f32 to vector<16xf32>
        %mul3A_1200 = arith.mulf %get3A_1198, %mul3A_1199 : vector<16xf32>
        %swap3A_1201 = arith.index_cast %add3A_1145 : i32 to index
        %swap3A_1202 = arith.constant 96 : index
        %swap3A_1203 = tpu.vector_load %arg15[%swap3A_1201, %swap3A_1202] {strides = array<i32>} : memref<64x128xf32, #tpu.memory_space<vmem>>, vector<16xf32>,
        tpu.vector_store %arg15[%swap3A_1201, %swap3A_1202], %mul3A_1200 {strides = array<i32>} : memref<64x128xf32, #tpu.memory_space<vmem>>, vector<16xf32>,
        %get3A_1204 = arith.index_cast %add3A_1145 : i32 to index
        %get3A_1205 = arith.constant 112 : index
        %get3A_1206 = tpu.vector_load %arg15[%get3A_1204, %get3A_1205] {strides = array<i32>} : memref<64x128xf32, #tpu.memory_space<vmem>>, vector<16xf32>,
        %mul3A_1207 = vector.broadcast %squeeze3A_1147 : f32 to vector<16xf32>
        %mul3A_1208 = arith.mulf %get3A_1206, %mul3A_1207 : vector<16xf32>
        %swap3A_1209 = arith.index_cast %add3A_1145 : i32 to index
        %swap3A_1210 = arith.constant 112 : index
        %swap3A_1211 = tpu.vector_load %arg15[%swap3A_1209, %swap3A_1210] {strides = array<i32>} : memref<64x128xf32, #tpu.memory_space<vmem>>, vector<16xf32>,
        tpu.vector_store %arg15[%swap3A_1209, %swap3A_1210], %mul3A_1208 {strides = array<i32>} : memref<64x128xf32, #tpu.memory_space<vmem>>, vector<16xf32>,
      }
      %scan3A_80 = arith.constant 4 : i32
      %mul3A_81 = arith.constant 64 : i32
      %mul3A_82 = arith.muli %add3A_72, %mul3A_81 : i32
      %add3A_83 = arith.addi %mul3A_57, %mul3A_82 : i32
      "tpu.region"() ({
        %run_scoped3A_84 = tpu.sem_alloc : memref<!tpu.dma_semaphore, #tpu.memory_space<semaphore_mem>>
        %dma_start3A = arith.constant 0 : i32
        %dma_start3A_85 = tpu.memref_slice %arg6[%add3A_83, %dma_start3A] : memref<10240x128xf32, #tpu.memory_space<hbm>> -> memref<64x128xf32, #tpu.memory_space<hbm>>
        %dma_start3A_86 = arith.constant 0 : i32
        %dma_start3A_87 = tpu.memref_slice %arg6[%add3A_83, %dma_start3A_86] : memref<10240x128xf32, #tpu.memory_space<hbm>> -> memref<64x128xf32, #tpu.memory_space<hbm>>
        tpu.enqueue_dma source(%arg15 : memref<64x128xf32, #tpu.memory_space<vmem>>) target(%dma_start3A_87 : memref<64x128xf32, #tpu.memory_space<hbm>>) target_semaphore(%run_scoped3A_84 : memref<!tpu.dma_semaphore, #tpu.memory_space<semaphore_mem>>)
        %dma_wait3A = arith.constant 0 : i32
        %dma_wait3A_88 = tpu.memref_slice %arg6[%add3A_83, %dma_wait3A] : memref<10240x128xf32, #tpu.memory_space<hbm>> -> memref<64x128xf32, #tpu.memory_space<hbm>>
        %dma_wait3A_89 = arith.constant 0 : i32
        %dma_wait3A_90 = tpu.memref_slice %arg6[%add3A_83, %dma_wait3A_89] : memref<10240x128xf32, #tpu.memory_space<hbm>> -> memref<64x128xf32, #tpu.memory_space<hbm>>
        tpu.wait_dma2 semaphore(%run_scoped3A_84 : memref<!tpu.dma_semaphore, #tpu.memory_space<semaphore_mem>>) src(%arg15 : memref<64x128xf32, #tpu.memory_space<vmem>>) dst(%dma_wait3A_90 : memref<64x128xf32, #tpu.memory_space<hbm>>)
        tpu.yield
      }) : () -> ()
    }
    %scan3A_67 = arith.constant 5 : i32
    return
  }
}

</mosaic_0001>

<sc_bundles>
// kernel: _sc_degree.3.cloned.1.call-start
scs
__scs_entry_jumppad:
0x0: {  	(pc) =	sbr.rel $0x88, $3  }
0x1: {  	(tag) =	ssettag $0x0;
	lr =	simm.s32 $0x1  }
0x2: {  	[smem:$0x3F9E] =	sst lr;
	_ =	strace $0xD0000000  }
0x3: {  	_ = 	snop  }
0x4: {  	_ = 	snop  }
0x5: {  	_ = 	snop  }
0x6: {  	_ = 	snop  }
0x7: {  	_ = 	snop  }
__scs_overlays_trampoline_lowered:
0x8: {  	[smem:$0x3FAD] =	sst s0  }
0x9: {  	[smem:$0x3FAE] =	sst s1  }
0xa: {  	[smem:$0x3FAF] =	sst s2  }
0xb: {  	[smem:$0x3FB0] =	sst s3  }
0xc: {  	[smem:$0x3FB1] =	sst s4  }
0xd: {  	[smem:$0x3FB2] =	sst s5  }
0xe: {  	[smem:$0x3FB3] =	sst s6  }
0xf: {  	[smem:$0x3FB4] =	sst s7  }
0x10: {  	[smem:$0x3FB5] =	sst s8  }
0x11: {  	[smem:$0x3FB6] =	sst s9;
	s0 =	simm.s32 @!p0 $0x0  }
0x12: {  	s1 =	sld [smem:$0x3F9C];
	s0 =	simm.s32 @p0 $0x1  }
0x13: {  	[smem:$0x3FB7] =	sst s0;
	s0 =	simm.s32 @!p1 $0x0  }
0x14: {  	s2 =	sld [smem:$0x3F9B];
	s0 =	simm.s32 @p1 $0x1  }
0x15: {  	[smem:$0x3FB8] =	sst s0;
	s0 =	simm.s32 @!p2 $0x0  }
0x16: {  	s3 =	sld [smem:$0x3FDB];
	s0 =	simm.s32 @p2 $0x1  }
0x17: {  	s4 =	simm.s32 $0x1BF5;
	[smem:$0x3FBA] =	sst s0  }
0x18: {  	s0 =	sld [smem:$0x3F9D];
	_ =	swait.ge [sflag:s4], $0x0  }
0x19: {  	s7 =	sld [smem:$0x3F9E]  }
0x1a: {  	s8 =	sadd.s32 $0xFFFFE003, lr  }
0x1b: {  	s9 =	sadd.s32 $0xFFFFFEF7, lr;
	s5 =	simm.s32 $0xFFFFFFFF;
	p2 =	slt.u32 s8, $0xFFFFF086  }
0x1c: {  	p1 =	slt.u32 s9, $0xF7A;
	s5 =	simm.s32 @!p2 $0x0  }
0x1d: {  	s5 =	simm.s32 @p1 $0x1;
	p0 =	seq.s32 s7, s2  }
0x1e: {  	s7 =	smul.u32 @!p0 $0xF7A, s2;
	p2 =	seq.s32 @!p0 s5, $0x0  }
0x1f: {  	s9 =	smul.u32 $0xF7A, s1;
	s8 =	simm.s32 @!p0 $0x1BF5;
	p2 =	por !p2, p0  }
0x20: {  	[sflag:s8] =	ssyncset.s32 @!p0 $0xFFFFF086;
	s6 =	sadd.s32 @!p0 s3, s7;
	s7 =	simm.s32 @!p0 $0x108  }
0x21: {  	s3 =	sadd.s32 s3, s9;
	s6 =	sadd.s32 @!p0 $0x88, s6;
	s7 =	simm.s32 @p2 $0x1082  }
0x22: {  	[simem:s7], [sflag:s8] =	dma.local @!p0 [hbm:s6], $0xF7A  }
0x23: {  	s9 =	sor.u32 $0xD0000000, s2;
	s6 =	simm.s32 $0x108;
	_ =	swait.ge @!p0 [sflag:s8], $0x0  }
0x24: {  	s3 =	sadd.s32 $0x88, s3;
	s6 =	simm.s32 @!p1 $0x1082;
	[sflag:s4] =	ssyncset.s32 $0xFFFFF086  }
0x25: {  	[simem:s6], [sflag:s4] =	dma.local [hbm:s3], $0xF7A  }
0x26: {  	[smem:$0x3F9E] =	sst s1;
	(tag) =	ssettag s2;
	_ =	strace s9  }
0x27: {  	s1 =	sld [smem:$0x3FAE]  }
0x28: {  	s2 =	sld [smem:$0x3FAF]  }
0x29: {  	s4 =	sld [smem:$0x3FB1]  }
0x2a: {  	p0 =	seq.s32 s5, $0x0;
	s5 =	sld [smem:$0x3FB2]  }
0x2b: {  	s6 =	sld [smem:$0x3FB3]  }
0x2c: {  	s7 =	sld [smem:$0x3FB4]  }
0x2d: {  	s3 =	simm.s32 $0x108;
	s8 =	sld [smem:$0x3FB5]  }
0x2e: {  	s3 =	simm.s32 @!p0 $0x1082;
	s9 =	sld [smem:$0x3FB6]  }
0x2f: {  	lr =	sadd.s32 s0, s3;
	s0 =	sld [smem:$0x3FAD]  }
0x30: {  	s3 =	sld [smem:$0x3FB0]  }
0x31: {  	[smem:$0x3FB9] =	sst s10  }
0x32: {  	s10 =	sld [smem:$0x3FB7];
	_ =	sdelay $0x3  }
0x33: {  	p0 =	seq.s32 s10, $0x1;
	s10 =	sld [smem:$0x3FB9];
	_ =	sdelay $0x3  }
0x34: {  	[smem:$0x3FB9] =	sst s10  }
0x35: {  	s10 =	sld [smem:$0x3FB8];
	_ =	sdelay $0x3  }
0x36: {  	p1 =	seq.s32 s10, $0x1;
	s10 =	sld [smem:$0x3FB9];
	_ =	sdelay $0x3  }
0x37: {  	[smem:$0x3FB9] =	sst s10  }
0x38: {  	s10 =	sld [smem:$0x3FBA]  }
0x39: {  	_ = 	snop;
	(pc) =	sbr.ind lr, $3  }
0x3a: {  	_ = 	snop  }
0x3b: {  	_ = 	snop  }
0x3c: {  	p2 =	seq.s32 s10, $0x1;
	s10 =	sld [smem:$0x3FB9]  }
0x3d: {  	_ =	shalt  }
0x3e: {  	_ =	shalt  }
0x3f: {  	_ =	shalt  }
0x40: {  	_ =	shalt  }
0x41: {  	_ =	shalt  }
0x42: {  	_ =	shalt  }
0x43: {  	_ =	shalt  }
0x44: {  	_ =	shalt  }
0x45: {  	_ =	shalt  }
0x46: {  	_ =	shalt  }
0x47: {  	_ =	shalt  }
0x48: {  	_ =	shalt  }
0x49: {  	_ =	shalt  }
0x4a: {  	_ =	shalt  }
0x4b: {  	_ =	shalt  }
0x4c: {  	_ =	shalt  }
0x4d: {  	_ =	shalt  }
0x4e: {  	_ =	shalt  }
0x4f: {  	_ =	shalt  }
0x50: {  	_ =	shalt  }
0x51: {  	_ =	shalt  }
0x52: {  	_ =	shalt  }
0x53: {  	_ =	shalt  }
0x54: {  	_ =	shalt  }
0x55: {  	_ =	shalt  }
0x56: {  	_ =	shalt  }
0x57: {  	_ =	shalt  }
0x58: {  	_ =	shalt  }
0x59: {  	_ =	shalt  }
0x5a: {  	_ =	shalt  }
0x5b: {  	_ =	shalt  }
0x5c: {  	_ =	shalt  }
0x5d: {  	_ =	shalt  }
0x5e: {  	_ =	shalt  }
0x5f: {  	_ =	shalt  }
0x60: {  	_ =	shalt  }
0x61: {  	_ =	shalt  }
0x62: {  	_ =	shalt  }
0x63: {  	_ =	shalt  }
0x64: {  	_ =	shalt  }
0x65: {  	_ =	shalt  }
0x66: {  	_ =	shalt  }
0x67: {  	_ =	shalt  }
0x68: {  	_ =	shalt  }
0x69: {  	_ =	shalt  }
0x6a: {  	_ =	shalt  }
0x6b: {  	_ =	shalt  }
0x6c: {  	_ =	shalt  }
0x6d: {  	_ =	shalt  }
0x6e: {  	_ =	shalt  }
0x6f: {  	_ =	shalt  }
0x70: {  	_ =	shalt  }
0x71: {  	_ =	shalt  }
0x72: {  	_ =	shalt  }
0x73: {  	_ =	shalt  }
0x74: {  	_ =	shalt  }
0x75: {  	_ =	shalt  }
0x76: {  	_ =	shalt  }
0x77: {  	_ =	shalt  }
0x78: {  	_ =	shalt  }
0x79: {  	_ =	shalt  }
0x7a: {  	_ =	shalt  }
0x7b: {  	_ =	shalt  }
0x7c: {  	_ =	shalt  }
0x7d: {  	_ =	shalt  }
0x7e: {  	_ =	shalt  }
0x7f: {  	_ =	shalt  }
0x80: {  	_ =	shalt  }
0x81: {  	_ =	shalt  }
0x82: {  	_ =	shalt  }
0x83: {  	_ =	shalt  }
0x84: {  	_ =	shalt  }
0x85: {  	_ =	shalt  }
0x86: {  	_ =	shalt  }
0x87: {  	_ =	shalt  }
.Lfunc_end0:
.L_simem_size_0:
called_computation_lowered:
.L_overlay_start_0:
0x88: {  	s2 =	sld [smem:$0x3FD9]  }
0x89: {  	s3 =	sld [smem:$0x3FFE];
	_ =	sdelay $0x1  }
0x8a: {  	s1 =	srdreg.scid  }
0x8b: {  	s0 =	sand.u32 $0x1, s1  }
0x8c: {  	s15 =	sshll.u32 s0, $0xA;
	s2 =	sadd.s32 s3, s2  }
0x8d: {  	s2 =	sadd.s32 s2, s15  }
0x8e: {  	[smem:$0x3FC5] =	sst s2  }
0x8f: {  	_ = 	snop  }
0x90: {  	s2 =	sld [smem:$0x3FD0]  }
0x91: {  	s16 =	sld [smem:$0x3FC9]  }
0x92: {  	s4 =	sld [smem:$0x3FC8]  }
0x93: {  	s6 =	simm.s32 $0xA;
	s7 =	simm.s32 $0x10;
	s5 =	sld [smem:$0x3FC7]  }
0x94: {  	[smem:s7], [sflag:s6] =	dma.local [hbm:s2], $0x1  }
0x95: {  	_ =	swait.eq [sflag:s6], $0x1  }
0x96: {  	[sflag:s6] =	ssyncset.done $0x0  }
0x97: {  	s17 =	sld [smem:$0x10];
	[sflag:s6] =	ssyncadd.s32 $0xFFFFFFFF  }
0x98: {  	s18 =	sld [smem:$0x11];
	(tm) =	ssettm $0x1  }
0x99: {  	s19 =	sld [smem:$0x3FFB];
	_ =	sdelay $0x3  }
0x9a: {  	_ =	strace s19  }
0x9b: {  	s7 =	sld [smem:$0x3FFC];
	_ =	sdelay $0x3  }
0x9c: {  	_ =	strace s7  }
0x9d: {  	s7 =	sld [smem:$0x3FFD];
	_ =	sdelay $0x3  }
0x9e: {  	_ =	strace s7  }
0x9f: {  	_ =	strace $0x8FFFFFFF  }
0xa0: {  	s20 =	sld [smem:$0x3FDB];
	_ =	sdelay $0x1  }
0xa1: {  	s8 =	simm.s32 $_scs_section_size  }
0xa2: {  	s9 =	simm.s32 $_size__tile_overlayer_lowered;
	s10 =	simm.s32 $_tile_overlayer_lowered  }
0xa3: {  	s23 =	simm.s32 $0x1BFF;
	s22 =	sshll.u32 s10, $0x1;
	s7 =	sadd.s32 s8, s20  }
0xa4: {  	s11 =	simm.s32 $0x0;
	s21 =	sshll.u32 s9, $0x1;
	s9 =	sadd.s32 s22, s7  }
0xa5: {  	[timem:s11], [sflag:s23] =	dma.local [hbm:s9], s21  }
0xa6: {  	_ =	swait.ge [sflag:s23], s21  }
0xa7: {  	s8 =	ssub.s32 $0x0, s21;
	[sflag:s23] =	ssyncset.done $0x0  }
0xa8: {  	[sflag:s23] =	ssyncadd.s32 s8;
	_ =	sdelay $0x1  }
0xa9: {  	s24 =	simm.s32 $0x1B8B  }
0xaa: {  	_ =	swait.ge [sflag:s24], $0x1  }
0xab: {  	[sflag:s24] =	ssyncset.done $0x0  }
0xac: {  	s25 =	simm.s32 $0x1B8E;
	[sflag:s24] =	ssyncadd.s32 $0xFFFFFFFF  }
0xad: {  	s26 =	simm.s32 $execute0_lowered;
	[smem:$0x3FD2] =	sst s25  }
0xae: {  	s8 =	sshll.u32 s26, $0x1;
	_ =	strace $0x80000046;
	[dreg:$0x1] =	wrdreg $0xFFFFFFFF  }
0xaf: {  	s28 =	simm.s32 $_size_execute0_lowered;
	s7 =	sadd.s32 s7, s8;
	[dreg:$0x0] =	wrdreg $0x0  }
0xb0: {  	s8 =	sshll.u32 s28, $0x1;
	[dreg:$0x2] =	wrdreg s7  }
0xb1: {  	[dreg:$0x3] =	wrdreg s8  }
0xb2: {  	[dreg:$0x4] =	wrdreg $0xC0  }
0xb3: {  	_ =	task [dreg:s11], $0x5FFFF  }
0xb4: {  	[dreg:$0x1] =	wrdreg $0xFFFFFFFF  }
0xb5: {  	[dreg:$0x0] =	wrdreg $0x60  }
0xb6: {  	[dreg:$0x2] =	wrdreg s16  }
0xb7: {  	[dreg:$0x3] =	wrdreg s4  }
0xb8: {  	[dreg:$0x4] =	wrdreg s5  }
0xb9: {  	[dreg:$0x5] =	wrdreg s17  }
0xba: {  	[dreg:$0x6] =	wrdreg s18  }
0xbb: {  	[dreg:$0x7] =	wrdreg $0x0  }
0xbc: {  	[dreg:$0x8] =	wrdreg $0x28000  }
0xbd: {  	[dreg:$0x9] =	wrdreg $0x9  }
0xbe: {  	_ =	task.clear_ibuf [dreg:s11], $0xAFFFF;
	_ =	strace $0x90000046  }
0xbf: {  	s29 =	simm.s32 $0x9;
	_ =	strace $0x80000048  }
0xc0: {  	_ =	swait.ge [sflag:s29], $0x1  }
0xc1: {  	[sflag:s29] =	ssyncadd.s32 $0xFFFFFFFF  }
0xc2: {  	_ =	strace $0x90000048  }
0xc3: {  	_ =	sfence  }
0xc4: {  	s30 =	sld [smem:$0x0];
	_ =	sdelay $0x2  }
0xc5: {  	s31 =	sshll.u32 s1, $0xD;
	s1 =	sshrl.u32 s1, $0x2  }
0xc6: {  	s3 =	sand.u32 $0x4000, s31;
	s1 =	sadd.s32 s1, s30  }
0xc7: {  	s0 =	sor.u32 s3, s0;
	s1 =	sshll.u32 s1, $0x11  }
0xc8: {  	s0 =	sor.u32 s1, s0  }
0xc9: {  	s0 =	sadd.s32 $0x8F2B, s0  }
0xca: {  	[sflag:s0] =	ssyncadd.remote.s32 $0x1  }
0xcb: {  	_ =	sfence.sel $0xFFFF  }
0xcc: {  	[dreg:$0x0] =	wrdreg $0xFFFFFFFF;
	(pc) =	sbr.abs _section_cstart, $3  }
0xcd: {  	[dreg:$0x1] =	wrdreg $0xFFFFFFFF  }
0xce: {  	_ =	task.clear_ibuf [dreg:s11], $0x2FFFF;
	_ =	strace $0x9FFFFFFF  }
0xcf: {  	(tm) =	ssettm $0x7FFFFFFF  }
tec
execute0_lowered:
.L_overlay_start_1:
0x0: {  	(tag) =	ssettag $0x1  }
0x1: {  	s0 =	rddreg [dreg:$0x0]  }
0x2: {  	s1 =	rddreg [dreg:$0x1]  }
0x3: {  	s3 =	rddreg [dreg:$0x2]  }
0x4: {  	s5 =	rddreg [dreg:$0x3]  }
0x5: {  	s2 =	rddreg [dreg:$0x4]  }
0x6: {  	s6 =	rddreg [dreg:$0x5]  }
0x7: {  	s7 =	rddreg [dreg:$0x6]  }
0x8: {  	s4 =	simm.s32 $0x0;
	s8 =	srdreg.scid;
	s14 =	stileid.u32  }
0x9: {  	[smem:$0x7FF] =	sst s4;
	s10 =	smul.u32 $0xA00, s14  }
0xa: {  	s9 =	sand.u32 $0x1, s8;
	s11 =	sshrl.u32 s14, $0x3;
	s16 =	smul.u32 $0x5000, s14  }
0xb: {  	s17 =	sshll.u32 s14, $0x7;
	_ =	strace $0x80000047;
	s8 =	ssub.s32 $0x2, s9  }
0xc: {  	s11 =	smul.u32 $0x50000, s11;
	s12 =	sshrl.u32 s8, $0x1;
	s1 =	sadd.s32 s1, s10  }
0xd: {  	s3 =	sadd.s32 s3, s10;
	s12 =	ssub.s32 s8, s12;
	[dreg:$0x8] =	wrdreg s1  }
0xe: {  	s11 =	sshrl.u32 s11, $0x2;
	s1 =	sand.u32 $0x380, s17;
	s8 =	sshrl.u32 s16, $0x2  }
0xf: {  	[dreg:$0x9] =	wrdreg s3;
	s11 =	sadd.s32 s11, s6;
	s17 =	smax.u32 s12, $0x1  }
0x10: {  	s8 =	sadd.s32 s8, s6;
	s1 =	sadd.s32 s1, s11;
	[dreg:$0x1a] =	wrdreg s17  }
0x11: {  	s19 =	sadd.s32 $0x80, s8;
	[dreg:$0xa] =	wrdreg s1  }
0x12: {  	s20 =	sadd.s32 $0x100, s8;
	[dreg:$0xb] =	wrdreg s19  }
0x13: {  	s21 =	sadd.s32 $0x180, s8;
	[dreg:$0xc] =	wrdreg s20  }
0x14: {  	s22 =	sadd.s32 $0x200, s8;
	[dreg:$0xd] =	wrdreg s21  }
0x15: {  	s23 =	sadd.s32 $0x280, s8;
	[dreg:$0xe] =	wrdreg s22  }
0x16: {  	s24 =	sadd.s32 $0x300, s8;
	[dreg:$0xf] =	wrdreg s23  }
0x17: {  	s25 =	sadd.s32 $0x380, s8;
	[dreg:$0x10] =	wrdreg s24  }
0x18: {  	s26 =	sadd.s32 $0x14000, s8;
	[dreg:$0x11] =	wrdreg s25  }
0x19: {  	s18 =	smul.u32 $0x280, s14;
	s6 =	sadd.s32 $0x14080, s8;
	[dreg:$0x12] =	wrdreg s26  }
0x1a: {  	s13 =	sshll.u32 s9, $0x4;
	s10 =	sadd.s32 $0x14100, s8;
	[dreg:$0x13] =	wrdreg s6  }
0x1b: {  	s13 =	sor.u32 s14, s13;
	s14 =	sadd.s32 $0x14180, s8;
	[dreg:$0x14] =	wrdreg s10  }
0x1c: {  	s15 =	sadd.s32 $0x14200, s8;
	[dreg:$0x16] =	wrdreg s14  }
0x1d: {  	p0 =	sne.s32 s9, $0x0;
	s9 =	sadd.s32 $0x900, s8;
	[dreg:$0x17] =	wrdreg s15  }
0x1e: {  	s12 =	sadd.s32 $0x580, s8;
	[smem:$0x7D8] =	sst s9  }
0x1f: {  	s11 =	sshrl.u32 s18, $0x3;
	s17 =	sadd.s32 $0xA00, s8;
	[smem:$0x7DB] =	sst s12  }
0x20: {  	s3 =	sadd.s32 s5, s11;
	[smem:$0x7E0] =	sst s17  }
0x21: {  	s1 =	sadd.s32 s18, s7;
	[dreg:$0x15] =	wrdreg s3  }
0x22: {  	s18 =	sadd.s32 $0x14280, s8;
	[dreg:$0x18] =	wrdreg s1  }
0x23: {  	s19 =	sadd.s32 $0x14300, s8;
	[dreg:$0x1b] =	wrdreg s18  }
0x24: {  	s20 =	sadd.s32 $0x14380, s8;
	[dreg:$0x1c] =	wrdreg s19  }
0x25: {  	s22 =	sadd.s32 $0x400, s8;
	[dreg:$0x1d] =	wrdreg s20  }
0x26: {  	s23 =	sadd.s32 $0x800, s8;
	[dreg:$0x1e] =	wrdreg s22  }
0x27: {  	s24 =	sadd.s32 $0xC00, s8;
	[dreg:$0x1f] =	wrdreg s23  }
0x28: {  	s25 =	sadd.s32 $0x1000, s8;
	[smem:$0x7D1] =	sst s24  }
0x29: {  	s26 =	sadd.s32 $0x480, s8;
	[smem:$0x7D2] =	sst s25  }
0x2a: {  	s5 =	sadd.s32 $0xC80, s8;
	[smem:$0x7D3] =	sst s26  }
0x2b: {  	s6 =	sadd.s32 $0x1080, s8;
	[smem:$0x7D5] =	sst s5  }
0x2c: {  	s10 =	sadd.s32 $0xD00, s8;
	[smem:$0x7D6] =	sst s6  }
0x2d: {  	s11 =	sadd.s32 $0x1100, s8;
	[smem:$0x7D9] =	sst s10  }
0x2e: {  	s21 =	smul.u32 $0x140, s13;
	s13 =	sadd.s32 $0x980, s8;
	[smem:$0x7DA] =	sst s11  }
0x2f: {  	s14 =	sadd.s32 $0xD80, s8;
	[smem:$0x7DC] =	sst s13  }
0x30: {  	s15 =	sadd.s32 $0x1180, s8;
	[smem:$0x7DD] =	sst s14  }
0x31: {  	s9 =	sadd.s32 $0xF80, s8;
	[smem:$0x7DE] =	sst s15  }
0x32: {  	s12 =	sadd.s32 $0x14800, s8;
	[smem:$0x7ED] =	sst s9  }
0x33: {  	s17 =	sadd.s32 $0x14C80, s8;
	[smem:$0x7F0] =	sst s12  }
0x34: {  	s3 =	sadd.s32 $0x880, s8;
	[smem:$0x7F5] =	sst s17  }
0x35: {  	s18 =	sadd.s32 $0xE00, s8;
	[smem:$0x7D4] =	sst s3  }
0x36: {  	s19 =	sadd.s32 $0x1200, s8;
	[smem:$0x7E1] =	sst s18  }
0x37: {  	s20 =	sadd.s32 $0x680, s8;
	[smem:$0x7E2] =	sst s19  }
0x38: {  	s22 =	sadd.s32 $0xA80, s8;
	[smem:$0x7E3] =	sst s20  }
0x39: {  	s23 =	sadd.s32 $0xE80, s8;
	[smem:$0x7E4] =	sst s22  }
0x3a: {  	s24 =	sadd.s32 $0x1280, s8;
	[smem:$0x7E5] =	sst s23  }
0x3b: {  	s25 =	sadd.s32 $0x700, s8;
	[smem:$0x7E6] =	sst s24  }
0x3c: {  	s26 =	sadd.s32 $0xB00, s8;
	[smem:$0x7E7] =	sst s25  }
0x3d: {  	s5 =	sadd.s32 $0x1300, s8;
	[smem:$0x7E8] =	sst s26  }
0x3e: {  	s6 =	sadd.s32 $0x780, s8;
	[smem:$0x7EA] =	sst s5  }
0x3f: {  	s28 =	sadd.s32 $0x14E00, s8;
	s10 =	sadd.s32 $0x1380, s8;
	[smem:$0x7EB] =	sst s6  }
0x40: {  	s29 =	sadd.s32 $0x15200, s8;
	s11 =	sadd.s32 $0x14400, s8;
	[smem:$0x7EE] =	sst s10  }
0x41: {  	s30 =	sadd.s32 $0x14680, s8;
	s13 =	sadd.s32 $0x14C00, s8;
	[smem:$0x7EF] =	sst s11  }
0x42: {  	s31 =	sadd.s32 $0x14A80, s8;
	s14 =	sadd.s32 $0x15000, s8;
	[smem:$0x7F1] =	sst s13  }
0x43: {  	s15 =	sadd.s32 $0x14480, s8;
	s1 =	sadd.s32 $0x14E80, s8;
	[smem:$0x7F2] =	sst s14  }
0x44: {  	s9 =	sadd.s32 $0x15300, s8;
	s16 =	sadd.s32 s21, s7;
	[smem:$0x7F3] =	sst s15  }
0x45: {  	s12 =	sadd.s32 $0x14F80, s8;
	s7 =	sadd.s32 $0x500, s8;
	[dreg:$0x19] =	wrdreg s16  }
0x46: {  	s17 =	simm.s32 $0x0;
	s3 =	sadd.s32 $0xF00, s8;
	[smem:$0x7D7] =	sst s7  }
0x47: {  	s18 =	sadd.s32 $0x15080, s8;
	s19 =	sadd.s32 $0x14500, s8;
	[smem:$0x7E9] =	sst s3  }
0x48: {  	s20 =	sadd.s32 $0x14900, s8;
	s22 =	sadd.s32 $0x14D00, s8;
	[smem:$0x7F6] =	sst s18  }
0x49: {  	s23 =	sadd.s32 $0x15100, s8;
	s24 =	sadd.s32 $0x14580, s8;
	[smem:$0x7F7] =	sst s19  }
0x4a: {  	s25 =	sadd.s32 $0x14980, s8;
	s26 =	sadd.s32 $0x14D80, s8;
	[smem:$0x7F8] =	sst s20  }
0x4b: {  	s5 =	sadd.s32 $0x14700, s8;
	s6 =	sadd.s32 $0x14B00, s8;
	[smem:$0x7F9] =	sst s22  }
0x4c: {  	s10 =	sadd.s32 $0x14780, s8;
	s11 =	sadd.s32 $0x14B80, s8;
	[smem:$0x7FA] =	sst s23  }
0x4d: {  	s13 =	sadd.s32 $0x15380, s8;
	s14 =	simm.s32 $0x1;
	[smem:$0x7FB] =	sst s24  }
0x4e: {  	s15 =	simm.s32 $0x2A80;
	s16 =	sadd.s32 $0x600, s8;
	[smem:$0x7FC] =	sst s25  }
0x4f: {  	s7 =	sadd.s32 $0xB80, s8;
	[smem:$0x7FD] =	sst s26;
	s24 =	sadd.s32 $0x15180, s8  }
0x50: {  	s25 =	sadd.s32 $0x14600, s8;
	s26 =	sadd.s32 $0x14A00, s8;
	[smem:$0x7DF] =	sst s16  }
0x51: {  	s3 =	sadd.s32 $0x15280, s8;
	[smem:$0x7EC] =	sst s7;
	s16 =	sadd.s32 $0x14880, s8  }
0x52: {  	v0 =	vimm.f32 $0.0e+00;
	s7 =	sadd.s32 $0x14F00, s8;
	[smem:$0x7F4] =	sst s16;
	s16 =	simm.s32 $0x11E80  }
.LBB2_1:
0x53: {  	s18 =	simm.s32 $0x40;
	s19 =	simm.s32 $0x0  }
.LBB2_2:
0x54: {  	p1 =	sne.s32 s18, $0x9FC0;
	[tilespmem:s19+$0x2A80] =	vst v0;
	s19 =	smov.u32 s18;
	s18 =	sadd.s32 $0x40, s18  }
.Ltmp0:
0x55: {  	(pc) =	sbr.rel @p1 .LBB2_2-.Ltmp0, $2  }
0x56: {  	_ =	sdelay $0x2  }
0x57: {  	s19 =	sshra.s32 s19, $0x2  }
0x58: {  	[tilespmem:s19+$0x2A80] =	vst v0;
	s18 =	simm.s32 $0x0;
	s23 =	rddreg [dreg:$0x8];
	s20 =	simm.s32 $0x5280  }
0x59: {  	[tilespmem:s20], [sflag:$0x1] =	stream.linear.gather [hbm4b:s23+s18], $0x5000, $0x38;
	[tilespmem:$0x13E80] =	vst v63  }
0x5a: {  	_ =	swait.ge [sflag:s14], $0x5000  }
0x5b: {  	[sflag:s14] =	ssyncset.done $0x0  }
0x5c: {  	s23 =	simm.s32 $0xA280;
	s22 =	rddreg [dreg:$0x9];
	[sflag:s14] =	ssyncadd.s32 $0xFFFFB000  }
0x5d: {  	[tilespmem:s23], [sflag:$0x1] =	stream.linear.gather [hbm4b:s22+s18], $0x5000, $0x38;
	[tilespmem:$0x13E80] =	vst v63  }
0x5e: {  	_ =	swait.ge [sflag:s14], $0x5000  }
0x5f: {  	[sflag:s14] =	ssyncset.done $0x0  }
0x60: {  	[sflag:s14] =	ssyncadd.s32 $0xFFFFB000  }
.LBB2_4:
0x61: {  	s19 =	sshra.s32 s18, $0x2  }
0x62: {  	v1 =	vld [tilespmem:s19+$0x5280];
	_ =	sdelay $0x2  }
0x63: {  	v2 =	vld [tilespmem:s19+$0xA280];
	_ =	sdelay $0x4  }
0x64: {  	[tilespmem:v1+s15+$0x0] =	vst.idx.add.f32.msk $0xffff, v2  }
0x65: {  	v1 =	vld [tilespmem:s19+$0x5290];
	_ =	sdelay $0x2  }
0x66: {  	v2 =	vld [tilespmem:s19+$0xA290];
	_ =	sdelay $0x4  }
0x67: {  	[tilespmem:v1+s15+$0x0] =	vst.idx.add.f32.msk $0xffff, v2  }
0x68: {  	v1 =	vld [tilespmem:s19+$0x52A0];
	_ =	sdelay $0x2  }
0x69: {  	v2 =	vld [tilespmem:s19+$0xA2A0];
	_ =	sdelay $0x4  }
0x6a: {  	[tilespmem:v1+s15+$0x0] =	vst.idx.add.f32.msk $0xffff, v2  }
0x6b: {  	v1 =	vld [tilespmem:s19+$0x52B0];
	_ =	sdelay $0x2  }
0x6c: {  	v2 =	vld [tilespmem:s19+$0xA2B0];
	_ =	sdelay $0x4  }
0x6d: {  	[tilespmem:v1+s15+$0x0] =	vst.idx.add.f32.msk $0xffff, v2  }
0x6e: {  	v1 =	vld [tilespmem:s19+$0x52C0];
	_ =	sdelay $0x2  }
0x6f: {  	v2 =	vld [tilespmem:s19+$0xA2C0];
	_ =	sdelay $0x4  }
0x70: {  	[tilespmem:v1+s15+$0x0] =	vst.idx.add.f32.msk $0xffff, v2  }
0x71: {  	v1 =	vld [tilespmem:s19+$0x52D0];
	_ =	sdelay $0x2  }
0x72: {  	v2 =	vld [tilespmem:s19+$0xA2D0];
	_ =	sdelay $0x4  }
0x73: {  	[tilespmem:v1+s15+$0x0] =	vst.idx.add.f32.msk $0xffff, v2  }
0x74: {  	v1 =	vld [tilespmem:s19+$0x52E0];
	_ =	sdelay $0x2  }
0x75: {  	v2 =	vld [tilespmem:s19+$0xA2E0];
	_ =	sdelay $0x4  }
0x76: {  	[tilespmem:v1+s15+$0x0] =	vst.idx.add.f32.msk $0xffff, v2  }
0x77: {  	v1 =	vld [tilespmem:s19+$0x52F0];
	_ =	sdelay $0x2  }
0x78: {  	p1 =	sne.s32 s18, $0x13E00;
	v2 =	vld [tilespmem:s19+$0xA2F0]  }
.Ltmp1:
0x79: {  	_ = 	snop;
	(pc) =	sbr.rel @p1 .LBB2_4-.Ltmp1, $2  }
0x7a: {  	_ =	sdelay $0x2  }
0x7b: {  	s18 =	sadd.s32 $0x200, s18;
	[tilespmem:v1+s15+$0x0] =	vst.idx.add.f32.msk $0xffff, v2  }
0x7c: {  	s18 =	rddreg [dreg:$0xa];
	s19 =	simm.s32 $0x80;
	s20 =	simm.s32 $0x400  }
0x7d: {  	[spmem:s18] =	stream.strided.scatter [tilespmem:s15], [sflag:$0x1], $0x2800, s20, s19, $0x38;
	[tilespmem:$0x13E80] =	vst v63  }
0x7e: {  	_ =	swait.ge [sflag:s14], $0x2800  }
0x7f: {  	[sflag:s14] =	ssyncset.done $0x0  }
0x80: {  	[sflag:s14] =	ssyncadd.s32 $0xFFFFD800  }
0x81: {  	s20 =	simm.s32 $0xF280;
	[bflag:$0x0] =	sbarrier.arrive $0xFFFF  }
0x82: {  	[tilespmem:s20], [sflag:$0x1] =	stream.linear.gather [spmem:s8], $0x80, $0x38;
	[tilespmem:$0x13E80] =	vst v63  }
0x83: {  	s22 =	rddreg [dreg:$0x1e]  }
0x84: {  	s23 =	simm.s32 $0xF680;
	s19 =	rddreg [dreg:$0x1f]  }
0x85: {  	[tilespmem:s23], [sflag:$0x1] =	stream.linear.gather [spmem:s22], $0x80, $0x38;
	[tilespmem:$0x13E80] =	vst v63  }
0x86: {  	s20 =	simm.s32 $0xFA80;
	s22 =	sld [smem:$0x7D1]  }
0x87: {  	[tilespmem:s20], [sflag:$0x1] =	stream.linear.gather [spmem:s19], $0x80, $0x38;
	[tilespmem:$0x13E80] =	vst v63  }
0x88: {  	s23 =	simm.s32 $0xFE80;
	s19 =	sld [smem:$0x7D2]  }
0x89: {  	[tilespmem:s23], [sflag:$0x1] =	stream.linear.gather [spmem:s22], $0x80, $0x38;
	[tilespmem:$0x13E80] =	vst v63  }
0x8a: {  	s20 =	simm.s32 $0x10280  }
0x8b: {  	[tilespmem:s20], [sflag:$0x1] =	stream.linear.gather [spmem:s19], $0x80, $0x38;
	[tilespmem:$0x13E80] =	vst v63  }
0x8c: {  	_ =	swait.ge [sflag:s14], $0x280  }
0x8d: {  	[sflag:s14] =	ssyncset.done $0x0;
	s22 =	rddreg [dreg:$0xb]  }
0x8e: {  	s23 =	simm.s32 $0xF300;
	s19 =	sld [smem:$0x7D3];
	[sflag:s14] =	ssyncadd.s32 $0xFFFFFD80  }
0x8f: {  	[tilespmem:s23], [sflag:$0x1] =	stream.linear.gather [spmem:s22], $0x80, $0x38;
	[tilespmem:$0x13E80] =	vst v63  }
0x90: {  	s20 =	simm.s32 $0xF700;
	s22 =	sld [smem:$0x7D4]  }
0x91: {  	[tilespmem:s20], [sflag:$0x1] =	stream.linear.gather [spmem:s19], $0x80, $0x38;
	[tilespmem:$0x13E80] =	vst v63  }
0x92: {  	s23 =	simm.s32 $0xFB00;
	s19 =	sld [smem:$0x7D5]  }
0x93: {  	[tilespmem:s23], [sflag:$0x1] =	stream.linear.gather [spmem:s22], $0x80, $0x38;
	[tilespmem:$0x13E80] =	vst v63  }
0x94: {  	s20 =	simm.s32 $0xFF00;
	s22 =	sld [smem:$0x7D6]  }
0x95: {  	[tilespmem:s20], [sflag:$0x1] =	stream.linear.gather [spmem:s19], $0x80, $0x38;
	[tilespmem:$0x13E80] =	vst v63  }
0x96: {  	s23 =	simm.s32 $0x10300  }
0x97: {  	[tilespmem:s23], [sflag:$0x1] =	stream.linear.gather [spmem:s22], $0x80, $0x38;
	[tilespmem:$0x13E80] =	vst v63  }
0x98: {  	_ =	swait.ge [sflag:s14], $0x280  }
0x99: {  	[sflag:s14] =	ssyncset.done $0x0;
	s19 =	rddreg [dreg:$0xc]  }
0x9a: {  	s20 =	simm.s32 $0xF380;
	s22 =	sld [smem:$0x7D7];
	[sflag:s14] =	ssyncadd.s32 $0xFFFFFD80  }
0x9b: {  	[tilespmem:s20], [sflag:$0x1] =	stream.linear.gather [spmem:s19], $0x80, $0x38;
	[tilespmem:$0x13E80] =	vst v63  }
0x9c: {  	s23 =	simm.s32 $0xF780;
	s19 =	sld [smem:$0x7D8]  }
0x9d: {  	[tilespmem:s23], [sflag:$0x1] =	stream.linear.gather [spmem:s22], $0x80, $0x38;
	[tilespmem:$0x13E80] =	vst v63  }
0x9e: {  	s20 =	simm.s32 $0xFB80;
	s22 =	sld [smem:$0x7D9]  }
0x9f: {  	[tilespmem:s20], [sflag:$0x1] =	stream.linear.gather [spmem:s19], $0x80, $0x38;
	[tilespmem:$0x13E80] =	vst v63  }
0xa0: {  	s23 =	simm.s32 $0xFF80;
	s19 =	sld [smem:$0x7DA]  }
0xa1: {  	[tilespmem:s23], [sflag:$0x1] =	stream.linear.gather [spmem:s22], $0x80, $0x38;
	[tilespmem:$0x13E80] =	vst v63  }
0xa2: {  	s20 =	simm.s32 $0x10380  }
0xa3: {  	[tilespmem:s20], [sflag:$0x1] =	stream.linear.gather [spmem:s19], $0x80, $0x38;
	[tilespmem:$0x13E80] =	vst v63  }
0xa4: {  	_ =	swait.ge [sflag:s14], $0x280  }
0xa5: {  	[sflag:s14] =	ssyncset.done $0x0;
	s22 =	rddreg [dreg:$0xd]  }
0xa6: {  	s23 =	simm.s32 $0xF400;
	s19 =	sld [smem:$0x7DB];
	[sflag:s14] =	ssyncadd.s32 $0xFFFFFD80  }
0xa7: {  	[tilespmem:s23], [sflag:$0x1] =	stream.linear.gather [spmem:s22], $0x80, $0x38;
	[tilespmem:$0x13E80] =	vst v63  }
0xa8: {  	s20 =	simm.s32 $0xF800;
	s22 =	sld [smem:$0x7DC]  }
0xa9: {  	[tilespmem:s20], [sflag:$0x1] =	stream.linear.gather [spmem:s19], $0x80, $0x38;
	[tilespmem:$0x13E80] =	vst v63  }
0xaa: {  	s23 =	simm.s32 $0xFC00;
	s19 =	sld [smem:$0x7DD]  }
0xab: {  	[tilespmem:s23], [sflag:$0x1] =	stream.linear.gather [spmem:s22], $0x80, $0x38;
	[tilespmem:$0x13E80] =	vst v63  }
0xac: {  	s20 =	simm.s32 $0x10000;
	s22 =	sld [smem:$0x7DE]  }
0xad: {  	[tilespmem:s20], [sflag:$0x1] =	stream.linear.gather [spmem:s19], $0x80, $0x38;
	[tilespmem:$0x13E80] =	vst v63  }
0xae: {  	s23 =	simm.s32 $0x10400  }
0xaf: {  	[tilespmem:s23], [sflag:$0x1] =	stream.linear.gather [spmem:s22], $0x80, $0x38;
	[tilespmem:$0x13E80] =	vst v63  }
0xb0: {  	_ =	swait.ge [sflag:s14], $0x280  }
0xb1: {  	[sflag:s14] =	ssyncset.done $0x0;
	s19 =	rddreg [dreg:$0xe]  }
0xb2: {  	s20 =	simm.s32 $0xF480;
	s22 =	sld [smem:$0x7DF];
	[sflag:s14] =	ssyncadd.s32 $0xFFFFFD80  }
0xb3: {  	[tilespmem:s20], [sflag:$0x1] =	stream.linear.gather [spmem:s19], $0x80, $0x38;
	[tilespmem:$0x13E80] =	vst v63  }
0xb4: {  	s23 =	simm.s32 $0xF880;
	s19 =	sld [smem:$0x7E0]  }
0xb5: {  	[tilespmem:s23], [sflag:$0x1] =	stream.linear.gather [spmem:s22], $0x80, $0x38;
	[tilespmem:$0x13E80] =	vst v63  }
0xb6: {  	s20 =	simm.s32 $0xFC80;
	s22 =	sld [smem:$0x7E1]  }
0xb7: {  	[tilespmem:s20], [sflag:$0x1] =	stream.linear.gather [spmem:s19], $0x80, $0x38;
	[tilespmem:$0x13E80] =	vst v63  }
0xb8: {  	s23 =	simm.s32 $0x10080;
	s19 =	sld [smem:$0x7E2]  }
0xb9: {  	[tilespmem:s23], [sflag:$0x1] =	stream.linear.gather [spmem:s22], $0x80, $0x38;
	[tilespmem:$0x13E80] =	vst v63  }
0xba: {  	s20 =	simm.s32 $0x10480  }
0xbb: {  	[tilespmem:s20], [sflag:$0x1] =	stream.linear.gather [spmem:s19], $0x80, $0x38;
	[tilespmem:$0x13E80] =	vst v63  }
0xbc: {  	_ =	swait.ge [sflag:s14], $0x280  }
0xbd: {  	[sflag:s14] =	ssyncset.done $0x0;
	s22 =	rddreg [dreg:$0xf]  }
0xbe: {  	s23 =	simm.s32 $0xF500;
	s19 =	sld [smem:$0x7E3];
	[sflag:s14] =	ssyncadd.s32 $0xFFFFFD80  }
0xbf: {  	[tilespmem:s23], [sflag:$0x1] =	stream.linear.gather [spmem:s22], $0x80, $0x38;
	[tilespmem:$0x13E80] =	vst v63  }
0xc0: {  	s20 =	simm.s32 $0xF900;
	s22 =	sld [smem:$0x7E4]  }
0xc1: {  	[tilespmem:s20], [sflag:$0x1] =	stream.linear.gather [spmem:s19], $0x80, $0x38;
	[tilespmem:$0x13E80] =	vst v63  }
0xc2: {  	s23 =	simm.s32 $0xFD00;
	s19 =	sld [smem:$0x7E5]  }
0xc3: {  	[tilespmem:s23], [sflag:$0x1] =	stream.linear.gather [spmem:s22], $0x80, $0x38;
	[tilespmem:$0x13E80] =	vst v63  }
0xc4: {  	s20 =	simm.s32 $0x10100;
	s22 =	sld [smem:$0x7E6]  }
0xc5: {  	[tilespmem:s20], [sflag:$0x1] =	stream.linear.gather [spmem:s19], $0x80, $0x38;
	[tilespmem:$0x13E80] =	vst v63  }
0xc6: {  	s23 =	simm.s32 $0x10500  }
0xc7: {  	[tilespmem:s23], [sflag:$0x1] =	stream.linear.gather [spmem:s22], $0x80, $0x38;
	[tilespmem:$0x13E80] =	vst v63  }
0xc8: {  	_ =	swait.ge [sflag:s14], $0x280  }
0xc9: {  	[sflag:s14] =	ssyncset.done $0x0;
	s19 =	rddreg [dreg:$0x10]  }
0xca: {  	s20 =	simm.s32 $0xF580;
	s22 =	sld [smem:$0x7E7];
	[sflag:s14] =	ssyncadd.s32 $0xFFFFFD80  }
0xcb: {  	[tilespmem:s20], [sflag:$0x1] =	stream.linear.gather [spmem:s19], $0x80, $0x38;
	[tilespmem:$0x13E80] =	vst v63  }
0xcc: {  	s23 =	simm.s32 $0xF980;
	s19 =	sld [smem:$0x7E8]  }
0xcd: {  	[tilespmem:s23], [sflag:$0x1] =	stream.linear.gather [spmem:s22], $0x80, $0x38;
	[tilespmem:$0x13E80] =	vst v63  }
0xce: {  	s20 =	simm.s32 $0xFD80;
	s22 =	sld [smem:$0x7E9]  }
0xcf: {  	[tilespmem:s20], [sflag:$0x1] =	stream.linear.gather [spmem:s19], $0x80, $0x38;
	[tilespmem:$0x13E80] =	vst v63  }
0xd0: {  	s23 =	simm.s32 $0x10180;
	s19 =	sld [smem:$0x7EA]  }
0xd1: {  	[tilespmem:s23], [sflag:$0x1] =	stream.linear.gather [spmem:s22], $0x80, $0x38;
	[tilespmem:$0x13E80] =	vst v63  }
0xd2: {  	s20 =	simm.s32 $0x10580  }
0xd3: {  	[tilespmem:s20], [sflag:$0x1] =	stream.linear.gather [spmem:s19], $0x80, $0x38;
	[tilespmem:$0x13E80] =	vst v63  }
0xd4: {  	_ =	swait.ge [sflag:s14], $0x280  }
0xd5: {  	[sflag:s14] =	ssyncset.done $0x0;
	s22 =	rddreg [dreg:$0x11]  }
0xd6: {  	s23 =	simm.s32 $0xF600;
	s19 =	sld [smem:$0x7EB];
	[sflag:s14] =	ssyncadd.s32 $0xFFFFFD80  }
0xd7: {  	[tilespmem:s23], [sflag:$0x1] =	stream.linear.gather [spmem:s22], $0x80, $0x38;
	[tilespmem:$0x13E80] =	vst v63  }
0xd8: {  	s20 =	simm.s32 $0xFA00;
	s22 =	sld [smem:$0x7EC]  }
0xd9: {  	[tilespmem:s20], [sflag:$0x1] =	stream.linear.gather [spmem:s19], $0x80, $0x38;
	[tilespmem:$0x13E80] =	vst v63  }
0xda: {  	s23 =	simm.s32 $0xFE00;
	s19 =	sld [smem:$0x7ED]  }
0xdb: {  	[tilespmem:s23], [sflag:$0x1] =	stream.linear.gather [spmem:s22], $0x80, $0x38;
	[tilespmem:$0x13E80] =	vst v63  }
0xdc: {  	s20 =	simm.s32 $0x10200;
	s22 =	sld [smem:$0x7EE]  }
0xdd: {  	[tilespmem:s20], [sflag:$0x1] =	stream.linear.gather [spmem:s19], $0x80, $0x38;
	[tilespmem:$0x13E80] =	vst v63  }
0xde: {  	s23 =	simm.s32 $0x10600  }
0xdf: {  	[tilespmem:s23], [sflag:$0x1] =	stream.linear.gather [spmem:s22], $0x80, $0x38;
	[tilespmem:$0x13E80] =	vst v63  }
0xe0: {  	_ =	swait.ge [sflag:s14], $0x280  }
0xe1: {  	[sflag:s14] =	ssyncset.done $0x0;
	s19 =	rddreg [dreg:$0x12]  }
0xe2: {  	s20 =	simm.s32 $0x10680;
	s22 =	sld [smem:$0x7EF];
	[sflag:s14] =	ssyncadd.s32 $0xFFFFFD80  }
0xe3: {  	[tilespmem:s20], [sflag:$0x1] =	stream.linear.gather [spmem:s19], $0x80, $0x38;
	[tilespmem:$0x13E80] =	vst v63  }
0xe4: {  	s23 =	simm.s32 $0x10A80;
	s19 =	sld [smem:$0x7F0]  }
0xe5: {  	[tilespmem:s23], [sflag:$0x1] =	stream.linear.gather [spmem:s22], $0x80, $0x38;
	[tilespmem:$0x13E80] =	vst v63  }
0xe6: {  	s20 =	simm.s32 $0x10E80;
	s22 =	sld [smem:$0x7F1]  }
0xe7: {  	[tilespmem:s20], [sflag:$0x1] =	stream.linear.gather [spmem:s19], $0x80, $0x38;
	[tilespmem:$0x13E80] =	vst v63  }
0xe8: {  	s23 =	simm.s32 $0x11280;
	s19 =	sld [smem:$0x7F2]  }
0xe9: {  	[tilespmem:s23], [sflag:$0x1] =	stream.linear.gather [spmem:s22], $0x80, $0x38;
	[tilespmem:$0x13E80] =	vst v63  }
0xea: {  	s20 =	simm.s32 $0x11680  }
0xeb: {  	[tilespmem:s20], [sflag:$0x1] =	stream.linear.gather [spmem:s19], $0x80, $0x38;
	[tilespmem:$0x13E80] =	vst v63  }
0xec: {  	_ =	swait.ge [sflag:s14], $0x280  }
0xed: {  	[sflag:s14] =	ssyncset.done $0x0;
	s22 =	rddreg [dreg:$0x13]  }
0xee: {  	s23 =	simm.s32 $0x10700;
	s19 =	sld [smem:$0x7F3];
	[sflag:s14] =	ssyncadd.s32 $0xFFFFFD80  }
0xef: {  	[tilespmem:s23], [sflag:$0x1] =	stream.linear.gather [spmem:s22], $0x80, $0x38;
	[tilespmem:$0x13E80] =	vst v63  }
0xf0: {  	s20 =	simm.s32 $0x10B00;
	s22 =	sld [smem:$0x7F4]  }
0xf1: {  	[tilespmem:s20], [sflag:$0x1] =	stream.linear.gather [spmem:s19], $0x80, $0x38;
	[tilespmem:$0x13E80] =	vst v63  }
0xf2: {  	s23 =	simm.s32 $0x10F00;
	s19 =	sld [smem:$0x7F5]  }
0xf3: {  	[tilespmem:s23], [sflag:$0x1] =	stream.linear.gather [spmem:s22], $0x80, $0x38;
	[tilespmem:$0x13E80] =	vst v63  }
0xf4: {  	s20 =	simm.s32 $0x11300;
	s22 =	sld [smem:$0x7F6]  }
0xf5: {  	[tilespmem:s20], [sflag:$0x1] =	stream.linear.gather [spmem:s19], $0x80, $0x38;
	[tilespmem:$0x13E80] =	vst v63  }
0xf6: {  	s23 =	simm.s32 $0x11700  }
0xf7: {  	[tilespmem:s23], [sflag:$0x1] =	stream.linear.gather [spmem:s22], $0x80, $0x38;
	[tilespmem:$0x13E80] =	vst v63  }
0xf8: {  	_ =	swait.ge [sflag:s14], $0x280  }
0xf9: {  	[sflag:s14] =	ssyncset.done $0x0;
	s19 =	rddreg [dreg:$0x14]  }
0xfa: {  	s20 =	simm.s32 $0x10780;
	s22 =	sld [smem:$0x7F7];
	[sflag:s14] =	ssyncadd.s32 $0xFFFFFD80  }
0xfb: {  	[tilespmem:s20], [sflag:$0x1] =	stream.linear.gather [spmem:s19], $0x80, $0x38;
	[tilespmem:$0x13E80] =	vst v63  }
0xfc: {  	s23 =	simm.s32 $0x10B80;
	s19 =	sld [smem:$0x7F8]  }
0xfd: {  	[tilespmem:s23], [sflag:$0x1] =	stream.linear.gather [spmem:s22], $0x80, $0x38;
	[tilespmem:$0x13E80] =	vst v63  }
0xfe: {  	s20 =	simm.s32 $0x10F80;
	s22 =	sld [smem:$0x7F9]  }
0xff: {  	[tilespmem:s20], [sflag:$0x1] =	stream.linear.gather [spmem:s19], $0x80, $0x38;
	[tilespmem:$0x13E80] =	vst v63  }
0x100: {  	s23 =	simm.s32 $0x11380;
	s19 =	sld [smem:$0x7FA]  }
0x101: {  	[tilespmem:s23], [sflag:$0x1] =	stream.linear.gather [spmem:s22], $0x80, $0x38;
	[tilespmem:$0x13E80] =	vst v63  }
0x102: {  	s20 =	simm.s32 $0x11780  }
0x103: {  	[tilespmem:s20], [sflag:$0x1] =	stream.linear.gather [spmem:s19], $0x80, $0x38;
	[tilespmem:$0x13E80] =	vst v63  }
0x104: {  	_ =	swait.ge [sflag:s14], $0x280  }
0x105: {  	[sflag:s14] =	ssyncset.done $0x0;
	s22 =	rddreg [dreg:$0x16]  }
0x106: {  	s23 =	simm.s32 $0x10800;
	s19 =	sld [smem:$0x7FB];
	[sflag:s14] =	ssyncadd.s32 $0xFFFFFD80  }
0x107: {  	[tilespmem:s23], [sflag:$0x1] =	stream.linear.gather [spmem:s22], $0x80, $0x38;
	[tilespmem:$0x13E80] =	vst v63  }
0x108: {  	s20 =	simm.s32 $0x10C00;
	s22 =	sld [smem:$0x7FC]  }
0x109: {  	[tilespmem:s20], [sflag:$0x1] =	stream.linear.gather [spmem:s19], $0x80, $0x38;
	[tilespmem:$0x13E80] =	vst v63  }
0x10a: {  	s23 =	simm.s32 $0x11000;
	s20 =	sld [smem:$0x7FD]  }
0x10b: {  	[tilespmem:s23], [sflag:$0x1] =	stream.linear.gather [spmem:s22], $0x80, $0x38;
	[tilespmem:$0x13E80] =	vst v63  }
0x10c: {  	s22 =	simm.s32 $0x11400  }
0x10d: {  	[tilespmem:s22], [sflag:$0x1] =	stream.linear.gather [spmem:s20], $0x80, $0x38;
	[tilespmem:$0x13E80] =	vst v63  }
0x10e: {  	s23 =	simm.s32 $0x11800  }
0x10f: {  	[tilespmem:s23], [sflag:$0x1] =	stream.linear.gather [spmem:s24], $0x80, $0x38;
	[tilespmem:$0x13E80] =	vst v63  }
0x110: {  	_ =	swait.ge [sflag:s14], $0x280  }
0x111: {  	[sflag:s14] =	ssyncset.done $0x0  }
0x112: {  	s20 =	simm.s32 $0x10880;
	s19 =	rddreg [dreg:$0x17];
	[sflag:s14] =	ssyncadd.s32 $0xFFFFFD80  }
0x113: {  	[tilespmem:s20], [sflag:$0x1] =	stream.linear.gather [spmem:s19], $0x80, $0x38;
	[tilespmem:$0x13E80] =	vst v63  }
0x114: {  	s22 =	simm.s32 $0x10C80  }
0x115: {  	[tilespmem:s22], [sflag:$0x1] =	stream.linear.gather [spmem:s25], $0x80, $0x38;
	[tilespmem:$0x13E80] =	vst v63  }
0x116: {  	s23 =	simm.s32 $0x11080  }
0x117: {  	[tilespmem:s23], [sflag:$0x1] =	stream.linear.gather [spmem:s26], $0x80, $0x38;
	[tilespmem:$0x13E80] =	vst v63  }
0x118: {  	s19 =	simm.s32 $0x11480  }
0x119: {  	[tilespmem:s19], [sflag:$0x1] =	stream.linear.gather [spmem:s28], $0x80, $0x38;
	[tilespmem:$0x13E80] =	vst v63  }
0x11a: {  	s20 =	simm.s32 $0x11880  }
0x11b: {  	[tilespmem:s20], [sflag:$0x1] =	stream.linear.gather [spmem:s29], $0x80, $0x38;
	[tilespmem:$0x13E80] =	vst v63  }
0x11c: {  	_ =	swait.ge [sflag:s14], $0x280  }
0x11d: {  	[sflag:s14] =	ssyncset.done $0x0  }
0x11e: {  	s23 =	simm.s32 $0x10900;
	s22 =	rddreg [dreg:$0x1b];
	[sflag:s14] =	ssyncadd.s32 $0xFFFFFD80  }
0x11f: {  	[tilespmem:s23], [sflag:$0x1] =	stream.linear.gather [spmem:s22], $0x80, $0x38;
	[tilespmem:$0x13E80] =	vst v63  }
0x120: {  	s19 =	simm.s32 $0x10D00  }
0x121: {  	[tilespmem:s19], [sflag:$0x1] =	stream.linear.gather [spmem:s30], $0x80, $0x38;
	[tilespmem:$0x13E80] =	vst v63  }
0x122: {  	s20 =	simm.s32 $0x11100  }
0x123: {  	[tilespmem:s20], [sflag:$0x1] =	stream.linear.gather [spmem:s31], $0x80, $0x38;
	[tilespmem:$0x13E80] =	vst v63  }
0x124: {  	s22 =	simm.s32 $0x11500  }
0x125: {  	[tilespmem:s22], [sflag:$0x1] =	stream.linear.gather [spmem:s1], $0x80, $0x38;
	[tilespmem:$0x13E80] =	vst v63  }
0x126: {  	s23 =	simm.s32 $0x11900  }
0x127: {  	[tilespmem:s23], [sflag:$0x1] =	stream.linear.gather [spmem:s3], $0x80, $0x38;
	[tilespmem:$0x13E80] =	vst v63  }
0x128: {  	_ =	swait.ge [sflag:s14], $0x280  }
0x129: {  	[sflag:s14] =	ssyncset.done $0x0  }
0x12a: {  	s20 =	simm.s32 $0x10980;
	s19 =	rddreg [dreg:$0x1c];
	[sflag:s14] =	ssyncadd.s32 $0xFFFFFD80  }
0x12b: {  	[tilespmem:s20], [sflag:$0x1] =	stream.linear.gather [spmem:s19], $0x80, $0x38;
	[tilespmem:$0x13E80] =	vst v63  }
0x12c: {  	s22 =	simm.s32 $0x10D80  }
0x12d: {  	[tilespmem:s22], [sflag:$0x1] =	stream.linear.gather [spmem:s5], $0x80, $0x38;
	[tilespmem:$0x13E80] =	vst v63  }
0x12e: {  	s23 =	simm.s32 $0x11180  }
0x12f: {  	[tilespmem:s23], [sflag:$0x1] =	stream.linear.gather [spmem:s6], $0x80, $0x38;
	[tilespmem:$0x13E80] =	vst v63  }
0x130: {  	s19 =	simm.s32 $0x11580  }
0x131: {  	[tilespmem:s19], [sflag:$0x1] =	stream.linear.gather [spmem:s7], $0x80, $0x38;
	[tilespmem:$0x13E80] =	vst v63  }
0x132: {  	s20 =	simm.s32 $0x11980  }
0x133: {  	[tilespmem:s20], [sflag:$0x1] =	stream.linear.gather [spmem:s9], $0x80, $0x38;
	[tilespmem:$0x13E80] =	vst v63  }
0x134: {  	_ =	swait.ge [sflag:s14], $0x280  }
0x135: {  	[sflag:s14] =	ssyncset.done $0x0  }
0x136: {  	s23 =	simm.s32 $0x10A00;
	s22 =	rddreg [dreg:$0x1d];
	[sflag:s14] =	ssyncadd.s32 $0xFFFFFD80  }
0x137: {  	[tilespmem:s23], [sflag:$0x1] =	stream.linear.gather [spmem:s22], $0x80, $0x38;
	[tilespmem:$0x13E80] =	vst v63  }
0x138: {  	s20 =	simm.s32 $0x10E00  }
0x139: {  	[tilespmem:s20], [sflag:$0x1] =	stream.linear.gather [spmem:s10], $0x80, $0x38;
	[tilespmem:$0x13E80] =	vst v63  }
0x13a: {  	s22 =	simm.s32 $0x11200  }
0x13b: {  	[tilespmem:s22], [sflag:$0x1] =	stream.linear.gather [spmem:s11], $0x80, $0x38;
	[tilespmem:$0x13E80] =	vst v63  }
0x13c: {  	s23 =	simm.s32 $0x11600  }
0x13d: {  	[tilespmem:s23], [sflag:$0x1] =	stream.linear.gather [spmem:s12], $0x80, $0x38;
	[tilespmem:$0x13E80] =	vst v63  }
0x13e: {  	s19 =	simm.s32 $0x11A00  }
0x13f: {  	[tilespmem:s19], [sflag:$0x1] =	stream.linear.gather [spmem:s13], $0x80, $0x38;
	[tilespmem:$0x13E80] =	vst v63  }
0x140: {  	s20 =	simm.s32 $0x0;
	_ =	swait.ge [sflag:s14], $0x280  }
0x141: {  	s18 =	sand.u32 $0x1C00, s20;
	s22 =	sand.u32 $0x70, s20;
	[sflag:s14] =	ssyncset.done $0x0  }
0x142: {  	s18 =	sor.u32 s22, s18;
	[sflag:s14] =	ssyncadd.s32 $0xFFFFFD80  }
0x143: {  	v1 =	vld [tilespmem:s18+$0xF280];
	_ =	sdelay $0x1  }
0x144: {  	v2 =	vld [tilespmem:s18+$0xF300];
	_ =	sdelay $0x1  }
0x145: {  	v3 =	vld [tilespmem:s18+$0xF380]  }
0x146: {  	v1 =	vadd.f32 $1.000000000e+00, v1  }
0x147: {  	v4 =	vld [tilespmem:s18+$0xF400]  }
0x148: {  	v1 =	vadd.f32 v2, v1  }
0x149: {  	v2 =	vld [tilespmem:s18+$0xF480]  }
0x14a: {  	v1 =	vadd.f32 v3, v1  }
0x14b: {  	v3 =	vld [tilespmem:s18+$0xF500]  }
0x14c: {  	v1 =	vadd.f32 v4, v1  }
0x14d: {  	v60 =	vld [tilespmem:s18+$0xF580]  }
0x14e: {  	v1 =	vadd.f32 v2, v1  }
0x14f: {  	v2 =	vld [tilespmem:s18+$0xF600]  }
0x150: {  	v1 =	vadd.f32 v3, v1  }
0x151: {  	v3 =	vld [tilespmem:s18+$0x10680]  }
0x152: {  	v1 =	vadd.f32 v60, v1  }
0x153: {  	v61 =	vld [tilespmem:s18+$0x10700]  }
0x154: {  	v1 =	vadd.f32 v2, v1  }
0x155: {  	v2 =	vld [tilespmem:s18+$0x10780]  }
0x156: {  	v1 =	vadd.f32 v3, v1  }
0x157: {  	v3 =	vld [tilespmem:s18+$0x10800]  }
0x158: {  	v1 =	vadd.f32 v61, v1  }
0x159: {  	v62 =	vld [tilespmem:s18+$0x10880]  }
0x15a: {  	v1 =	vadd.f32 v2, v1  }
0x15b: {  	v2 =	vld [tilespmem:s18+$0x10900]  }
0x15c: {  	v1 =	vadd.f32 v3, v1  }
0x15d: {  	v3 =	vld [tilespmem:s18+$0x10980]  }
0x15e: {  	v1 =	vadd.f32 v62, v1  }
0x15f: {  	v63 =	vld [tilespmem:s18+$0x10A00]  }
0x160: {  	v1 =	vadd.f32 v2, v1;
	_ =	sdelay $0x1  }
0x161: {  	v1 =	vadd.f32 v3, v1;
	_ =	sdelay $0x1  }
0x162: {  	s20 =	simm.s32 $0x20;
	s23 =	simm.s32 $0x10;
	s19 =	simm.s32 $0x80;
	v1 =	vadd.f32 v63, v1  }
0x163: {  	s22 =	sand.u32 $0x70, s23;
	s23 =	sand.u32 $0x1C00, s19;
	s18 =	simm.s32 $0x11A80  }
.LBB2_6:
0x164: {  	p1 =	sne.s32 s20, $0x270;
	s22 =	sor.u32 s22, s23;
	[tilespmem:s18+$0x0] =	vst v1  }
0x165: {  	v1 =	vld [tilespmem:s22+$0xF280];
	_ =	sdelay $0x1  }
0x166: {  	v2 =	vld [tilespmem:s22+$0xF300];
	_ =	sdelay $0x1  }
0x167: {  	v3 =	vld [tilespmem:s22+$0xF380]  }
0x168: {  	v1 =	vadd.f32 $1.000000000e+00, v1  }
0x169: {  	v4 =	vld [tilespmem:s22+$0xF400]  }
0x16a: {  	v1 =	vadd.f32 v2, v1  }
0x16b: {  	v2 =	vld [tilespmem:s22+$0xF480]  }
0x16c: {  	v1 =	vadd.f32 v3, v1  }
0x16d: {  	v3 =	vld [tilespmem:s22+$0xF500]  }
0x16e: {  	v1 =	vadd.f32 v4, v1  }
0x16f: {  	v4 =	vld [tilespmem:s22+$0xF580]  }
0x170: {  	v1 =	vadd.f32 v2, v1  }
0x171: {  	v2 =	vld [tilespmem:s22+$0xF600]  }
0x172: {  	v1 =	vadd.f32 v3, v1  }
0x173: {  	v3 =	vld [tilespmem:s22+$0x10680]  }
0x174: {  	v1 =	vadd.f32 v4, v1  }
0x175: {  	v4 =	vld [tilespmem:s22+$0x10700]  }
0x176: {  	v1 =	vadd.f32 v2, v1  }
0x177: {  	v2 =	vld [tilespmem:s22+$0x10780]  }
0x178: {  	v1 =	vadd.f32 v3, v1  }
0x179: {  	v3 =	vld [tilespmem:s22+$0x10800]  }
0x17a: {  	v1 =	vadd.f32 v4, v1  }
0x17b: {  	v4 =	vld [tilespmem:s22+$0x10880]  }
0x17c: {  	v1 =	vadd.f32 v2, v1  }
0x17d: {  	v2 =	vld [tilespmem:s22+$0x10900]  }
0x17e: {  	v1 =	vadd.f32 v3, v1  }
0x17f: {  	v3 =	vld [tilespmem:s22+$0x10980]  }
0x180: {  	v1 =	vadd.f32 v4, v1  }
0x181: {  	v4 =	vld [tilespmem:s22+$0x10A00]  }
0x182: {  	v1 =	vadd.f32 v2, v1  }
.Ltmp2:
0x183: {  	(pc) =	sbr.rel @p1 .LBB2_6-.Ltmp2, $3  }
0x184: {  	v1 =	vadd.f32 v3, v1;
	_ =	sdelay $0x1  }
0x185: {  	s19 =	sadd.s32 $0x80, s19;
	s18 =	sadd.s32 $0x10, s18;
	v1 =	vadd.f32 v4, v1  }
0x186: {  	s23 =	sand.u32 $0x1C00, s19;
	s22 =	sand.u32 $0x70, s20;
	s20 =	sadd.s32 $0x10, s20  }
0x187: {  	s19 =	sor.u32 s22, s23;
	[tilespmem:s18+$0x0] =	vst v1  }
0x188: {  	v1 =	vld [tilespmem:s19+$0xF280];
	_ =	sdelay $0x1  }
0x189: {  	v2 =	vld [tilespmem:s19+$0xF300];
	_ =	sdelay $0x1  }
0x18a: {  	v3 =	vld [tilespmem:s19+$0xF380]  }
0x18b: {  	v1 =	vadd.f32 $1.000000000e+00, v1  }
0x18c: {  	v4 =	vld [tilespmem:s19+$0xF400]  }
0x18d: {  	v1 =	vadd.f32 v2, v1  }
0x18e: {  	v2 =	vld [tilespmem:s19+$0xF480]  }
0x18f: {  	v1 =	vadd.f32 v3, v1  }
0x190: {  	v3 =	vld [tilespmem:s19+$0xF500]  }
0x191: {  	v1 =	vadd.f32 v4, v1  }
0x192: {  	v60 =	vld [tilespmem:s19+$0xF580]  }
0x193: {  	v1 =	vadd.f32 v2, v1  }
0x194: {  	v2 =	vld [tilespmem:s19+$0xF600]  }
0x195: {  	v1 =	vadd.f32 v3, v1  }
0x196: {  	v3 =	vld [tilespmem:s19+$0x10680]  }
0x197: {  	v1 =	vadd.f32 v60, v1  }
0x198: {  	v61 =	vld [tilespmem:s19+$0x10700]  }
0x199: {  	v1 =	vadd.f32 v2, v1  }
0x19a: {  	v2 =	vld [tilespmem:s19+$0x10780]  }
0x19b: {  	v1 =	vadd.f32 v3, v1  }
0x19c: {  	v3 =	vld [tilespmem:s19+$0x10800]  }
0x19d: {  	v1 =	vadd.f32 v61, v1  }
0x19e: {  	v62 =	vld [tilespmem:s19+$0x10880]  }
0x19f: {  	v1 =	vadd.f32 v2, v1  }
0x1a0: {  	v2 =	vld [tilespmem:s19+$0x10900]  }
0x1a1: {  	v1 =	vadd.f32 v3, v1  }
0x1a2: {  	v3 =	vld [tilespmem:s19+$0x10980]  }
0x1a3: {  	v1 =	vadd.f32 v62, v1  }
0x1a4: {  	v63 =	vld [tilespmem:s19+$0x10A00]  }
0x1a5: {  	v1 =	vadd.f32 v2, v1;
	_ =	sdelay $0x1  }
0x1a6: {  	v1 =	vadd.f32 v3, v1;
	_ =	sdelay $0x1  }
0x1a7: {  	v1 =	vadd.f32 v63, v1  }
0x1a8: {  	s23 =	sadd.s32 $0x10, s18  }
0x1a9: {  	s20 =	simm.s32 $0x11A80;
	s19 =	rddreg [dreg:$0x18];
	[tilespmem:s23+$0x0] =	vst v1  }
0x1aa: {  	[spmem:s19] =	stream.linear.scatter [tilespmem:s20], [sflag:$0x1], $0x280, $0x38;
	[tilespmem:$0x13E80] =	vst v63  }
0x1ab: {  	_ =	swait.ge [sflag:s14], $0x280  }
0x1ac: {  	s18 =	simm.s32 @!p0 $0x0;
	[sflag:s14] =	ssyncset.done $0x0  }
0x1ad: {  	s19 =	simm.s32 @!p0 $0x11A80;
	s20 =	rddreg [dreg:$0x15];
	[sflag:s14] =	ssyncadd.s32 $0xFFFFFD80  }
0x1ae: {  	[hbm4b:s20+s18] =	stream.linear.scatter @!p0 [tilespmem:s19], [sflag:$0x1], $0x280, $0x38;
	[tilespmem:$0x13E80] =	vst v63  }
0x1af: {  	s18 =	simm.s32 @!p0 $0x1  }
0x1b0: {  	_ =	swait.ge @!p0 [sflag:s18], $0x280  }
0x1b1: {  	[sflag:s18] =	ssyncset.done @!p0 $0x0  }
0x1b2: {  	[sflag:s18] =	ssyncadd.s32 @!p0 $0xFFFFFD80  }
0x1b3: {  	[bflag:$0x0] =	sbarrier.arrive $0xFFFF  }
0x1b4: {  	s23 =	simm.s32 $0x11D00;
	s22 =	rddreg [dreg:$0x19]  }
0x1b5: {  	[tilespmem:s23], [sflag:$0x1] =	stream.linear.gather [spmem:s22], $0x140, $0x38;
	[tilespmem:$0x13E80] =	vst v63  }
0x1b6: {  	_ =	swait.ge [sflag:s14], $0x140  }
0x1b7: {  	s19 =	simm.s32 $0x0;
	[sflag:s14] =	ssyncset.done $0x0  }
0x1b8: {  	s20 =	simm.s32 $0x40;
	s18 =	simm.s32 $0x0;
	[sflag:s14] =	ssyncadd.s32 $0xFFFFFEC0  }
.LBB2_8:
0x1b9: {  	p1 =	sne.s32 s20, $0x4C0;
	v1 =	vld [tilespmem:s19+$0x11D00];
	_ =	sdelay $0x4  }
0x1ba: {  	v2 =	vshra.s32 v1, $0x1;
	v1 =	vmul.f32 $5.000000000e-01, v1  }
0x1bb: {  	v2 =	vsub.s32 $0x5F3759DF, v2  }
0x1bc: {  	v3 =	vmul.f32 v2, v1;
	_ =	sdelay $0x1  }
0x1bd: {  	v3 =	vmul.f32 v2, v3;
	_ =	sdelay $0x1  }
0x1be: {  	v3 =	vsub.f32 $1.500000000e+00, v3;
	_ =	sdelay $0x1  }
0x1bf: {  	v2 =	vmul.f32 v2, v3;
	_ =	sdelay $0x1  }
0x1c0: {  	v3 =	vmul.f32 v2, v1;
	_ =	sdelay $0x1  }
0x1c1: {  	v3 =	vmul.f32 v3, v2;
	_ =	sdelay $0x1  }
0x1c2: {  	v3 =	vsub.f32 $1.500000000e+00, v3;
	_ =	sdelay $0x1  }
0x1c3: {  	v2 =	vmul.f32 v3, v2;
	_ =	sdelay $0x1  }
0x1c4: {  	v1 =	vmul.f32 v2, v1;
	_ =	sdelay $0x1  }
0x1c5: {  	v1 =	vmul.f32 v1, v2;
	_ =	sdelay $0x1  }
.Ltmp3:
0x1c6: {  	v1 =	vsub.f32 $1.500000000e+00, v1;
	(pc) =	sbr.rel @p1 .LBB2_8-.Ltmp3, $3  }
0x1c7: {  	_ = 	snop  }
0x1c8: {  	v1 =	vmul.f32 v1, v2;
	_ =	sdelay $0x1  }
0x1c9: {  	[tilespmem:s19+$0x11D00] =	vst v1;
	s19 =	sshra.s32 s20, $0x2;
	s20 =	sadd.s32 $0x40, s20  }
0x1ca: {  	v1 =	vld [tilespmem:s19+$0x11D00];
	_ =	sdelay $0x4  }
0x1cb: {  	v2 =	vshra.s32 v1, $0x1;
	v1 =	vmul.f32 $5.000000000e-01, v1  }
0x1cc: {  	v2 =	vsub.s32 $0x5F3759DF, v2  }
0x1cd: {  	v3 =	vmul.f32 v2, v1;
	_ =	sdelay $0x1  }
0x1ce: {  	v3 =	vmul.f32 v2, v3;
	_ =	sdelay $0x1  }
0x1cf: {  	v3 =	vsub.f32 $1.500000000e+00, v3;
	_ =	sdelay $0x1  }
0x1d0: {  	v2 =	vmul.f32 v2, v3;
	_ =	sdelay $0x1  }
0x1d1: {  	v3 =	vmul.f32 v2, v1;
	_ =	sdelay $0x1  }
0x1d2: {  	v3 =	vmul.f32 v3, v2;
	_ =	sdelay $0x1  }
0x1d3: {  	v3 =	vsub.f32 $1.500000000e+00, v3;
	_ =	sdelay $0x1  }
0x1d4: {  	v2 =	vmul.f32 v3, v2;
	_ =	sdelay $0x1  }
0x1d5: {  	v1 =	vmul.f32 v2, v1;
	_ =	sdelay $0x1  }
0x1d6: {  	v1 =	vmul.f32 v1, v2;
	_ =	sdelay $0x1  }
0x1d7: {  	v1 =	vsub.f32 $1.500000000e+00, v1;
	_ =	sdelay $0x1  }
0x1d8: {  	v1 =	vmul.f32 v1, v2;
	_ =	sdelay $0x1  }
0x1d9: {  	[tilespmem:s19+$0x11D00] =	vst v1  }
.LBB2_10:
0x1da: {  	s20 =	sshll.u32 s18, $0x6  }
0x1db: {  	s19 =	sadd.s32 s21, s20  }
0x1dc: {  	s20 =	sadd.s32 $0x11D00, s20;
	s19 =	sshll.u32 s19, $0x4  }
0x1dd: {  	s23 =	simm.s32 $0x0;
	v1 =	vmov s20;
	s22 =	sadd.s32 s0, s19  }
0x1de: {  	[tilespmem:s16], [sflag:$0x1] =	stream.linear.gather [hbm4b:s22+s23], $0x2000, $0x38;
	[tilespmem:$0x13E80] =	vst v63  }
0x1df: {  	_ =	swait.ge [sflag:s14], $0x2000  }
0x1e0: {  	s22 =	simm.s32 $0x0;
	[sflag:s14] =	ssyncset.done $0x0  }
0x1e1: {  	s23 =	simm.s32 $0x0;
	s20 =	sand.u32 $0x3FFFFFF0, s22;
	[sflag:s14] =	ssyncadd.s32 $0xFFFFE000  }
0x1e2: {  	v2 =	vld.idx.msk [tilespmem:v1+s20+$0x0 ss:$0x1], $0xffff;
	s20 =	sand.u32 $0x3FFFF800, s23  }
0x1e3: {  	v8 =	vld [tilespmem:s20+$0x11F40]  }
0x1e4: {  	v4 =	vld [tilespmem:s20+$0x11EA0]  }
0x1e5: {  	v5 =	vld [tilespmem:s20+$0x11EB0]  }
0x1e6: {  	v11 =	vld [tilespmem:s20+$0x11EE0]  }
0x1e7: {  	v12 =	vld [tilespmem:s20+$0x11EF0];
	v3 =	vbroadcast v2, $0x0  }
0x1e8: {  	v13 =	vld [tilespmem:s20+$0x11F00]  }
0x1e9: {  	v14 =	vld [tilespmem:s20+$0x11F10];
	v4 =	vmul.f32 v4, v3  }
0x1ea: {  	v15 =	vld [tilespmem:s20+$0x11F20];
	v5 =	vmul.f32 v5, v3  }
0x1eb: {  	v10 =	vld [tilespmem:s20+$0x11F30];
	v21 =	vbroadcast v2, $0x1;
	v20 =	vmul.f32 v11, v3;
	[tilespmem:s20+$0x11EA0] =	vst v4  }
0x1ec: {  	v9 =	vld [tilespmem:s20+$0x11F50];
	v12 =	vmul.f32 v12, v3;
	[tilespmem:s20+$0x11EB0] =	vst v5  }
0x1ed: {  	v7 =	vld [tilespmem:s20+$0x123F0];
	v13 =	vmul.f32 v13, v21;
	[tilespmem:s20+$0x11EE0] =	vst v20  }
0x1ee: {  	v23 =	vld [tilespmem:s20+$0x11F70];
	v14 =	vmul.f32 v14, v21;
	[tilespmem:s20+$0x11EF0] =	vst v12  }
0x1ef: {  	v24 =	vld [tilespmem:s20+$0x11F80];
	v15 =	vmul.f32 v15, v21;
	[tilespmem:s20+$0x11F00] =	vst v13  }
0x1f0: {  	v25 =	vld [tilespmem:s20+$0x11F90];
	v10 =	vmul.f32 v10, v21;
	[tilespmem:s20+$0x11F10] =	vst v14  }
0x1f1: {  	v22 =	vld [tilespmem:s20+$0x11F60];
	v8 =	vmul.f32 v8, v21;
	[tilespmem:s20+$0x11F20] =	vst v15  }
0x1f2: {  	v26 =	vld [tilespmem:s20+$0x11FA0];
	v16 =	vbroadcast v2, $0x2;
	v9 =	vmul.f32 v9, v21;
	[tilespmem:s20+$0x11F30] =	vst v10  }
0x1f3: {  	v27 =	vld [tilespmem:s20+$0x11FB0];
	v11 =	vmul.f32 v23, v21;
	[tilespmem:s20+$0x11F40] =	vst v8  }
0x1f4: {  	v28 =	vld [tilespmem:s20+$0x11FC0];
	v6 =	vbroadcast v2, $0xA;
	v30 =	vmul.f32 v24, v16;
	[tilespmem:s20+$0x11F50] =	vst v9  }
0x1f5: {  	v29 =	vld [tilespmem:s20+$0x11FD0];
	v32 =	vmul.f32 v25, v16;
	[tilespmem:s20+$0x11F70] =	vst v11  }
0x1f6: {  	v31 =	vld [tilespmem:s20+$0x11FE0];
	v4 =	vmul.f32 v7, v6;
	[tilespmem:s20+$0x11F80] =	vst v30  }
0x1f7: {  	v33 =	vld [tilespmem:s20+$0x11FF0];
	v12 =	vmul.f32 v22, v21;
	[tilespmem:s20+$0x11F90] =	vst v32  }
0x1f8: {  	v34 =	vld [tilespmem:s20+$0x12000];
	v10 =	vmul.f32 v26, v16;
	[tilespmem:s20+$0x123F0] =	vst v4  }
0x1f9: {  	v35 =	vld [tilespmem:s20+$0x12010];
	v8 =	vmul.f32 v27, v16;
	[tilespmem:s20+$0x11F60] =	vst v12  }
0x1fa: {  	v36 =	vld [tilespmem:s20+$0x12020];
	v9 =	vmul.f32 v28, v16;
	[tilespmem:s20+$0x11FA0] =	vst v10  }
0x1fb: {  	v37 =	vld [tilespmem:s20+$0x12030];
	v39 =	vbroadcast v2, $0x3;
	v11 =	vmul.f32 v31, v16;
	[tilespmem:s20+$0x11FB0] =	vst v8  }
0x1fc: {  	v38 =	vld [tilespmem:s20+$0x12040];
	v13 =	vmul.f32 v33, v16;
	[tilespmem:s20+$0x11FC0] =	vst v9  }
0x1fd: {  	v40 =	vld [tilespmem:s20+$0x12050];
	v14 =	vmul.f32 v34, v39;
	[tilespmem:s20+$0x11FE0] =	vst v11  }
0x1fe: {  	v41 =	vld [tilespmem:s20+$0x12060];
	v12 =	vmul.f32 v29, v16;
	[tilespmem:s20+$0x11FF0] =	vst v13  }
0x1ff: {  	v42 =	vld [tilespmem:s20+$0x12070];
	v10 =	vmul.f32 v35, v39;
	[tilespmem:s20+$0x12000] =	vst v14  }
0x200: {  	v43 =	vld [tilespmem:s20+$0x12080];
	v8 =	vmul.f32 v36, v39;
	[tilespmem:s20+$0x11FD0] =	vst v12  }
0x201: {  	v44 =	vld [tilespmem:s20+$0x12090];
	v9 =	vmul.f32 v37, v39;
	[tilespmem:s20+$0x12010] =	vst v10  }
0x202: {  	v45 =	vld [tilespmem:s20+$0x120A0];
	v11 =	vmul.f32 v40, v39;
	[tilespmem:s20+$0x12020] =	vst v8  }
0x203: {  	v46 =	vld [tilespmem:s20+$0x120B0];
	v13 =	vmul.f32 v41, v39;
	[tilespmem:s20+$0x12030] =	vst v9  }
0x204: {  	v47 =	vld [tilespmem:s20+$0x120C0];
	v48 =	vbroadcast v2, $0x4;
	v14 =	vmul.f32 v42, v39;
	[tilespmem:s20+$0x12050] =	vst v11  }
0x205: {  	v49 =	vld [tilespmem:s20+$0x120D0];
	v12 =	vmul.f32 v38, v39;
	[tilespmem:s20+$0x12060] =	vst v13  }
0x206: {  	v50 =	vld [tilespmem:s20+$0x120E0];
	v10 =	vmul.f32 v43, v48;
	[tilespmem:s20+$0x12070] =	vst v14  }
0x207: {  	v51 =	vld [tilespmem:s20+$0x120F0];
	v8 =	vmul.f32 v44, v48;
	[tilespmem:s20+$0x12040] =	vst v12  }
0x208: {  	v52 =	vld [tilespmem:s20+$0x12100];
	v9 =	vmul.f32 v45, v48;
	[tilespmem:s20+$0x12080] =	vst v10  }
0x209: {  	v53 =	vld [tilespmem:s20+$0x12110];
	v11 =	vmul.f32 v47, v48;
	[tilespmem:s20+$0x12090] =	vst v8  }
0x20a: {  	v54 =	vld [tilespmem:s20+$0x12120];
	v13 =	vmul.f32 v49, v48;
	[tilespmem:s20+$0x120A0] =	vst v9  }
0x20b: {  	v55 =	vld [tilespmem:s20+$0x12130];
	v14 =	vmul.f32 v50, v48;
	[tilespmem:s20+$0x120C0] =	vst v11  }
0x20c: {  	v56 =	vld [tilespmem:s20+$0x12140];
	v57 =	vbroadcast v2, $0x5;
	v12 =	vmul.f32 v46, v48;
	[tilespmem:s20+$0x120D0] =	vst v13  }
0x20d: {  	v58 =	vld [tilespmem:s20+$0x12150];
	v10 =	vmul.f32 v51, v48;
	[tilespmem:s20+$0x120E0] =	vst v14  }
0x20e: {  	v59 =	vld [tilespmem:s20+$0x12160];
	v8 =	vmul.f32 v52, v57;
	[tilespmem:s20+$0x120B0] =	vst v12  }
0x20f: {  	v60 =	vld [tilespmem:s20+$0x12170];
	v9 =	vmul.f32 v53, v57;
	[tilespmem:s20+$0x120F0] =	vst v10  }
0x210: {  	v61 =	vld [tilespmem:s20+$0x12180];
	v11 =	vmul.f32 v55, v57;
	[tilespmem:s20+$0x12100] =	vst v8  }
0x211: {  	v62 =	vld [tilespmem:s20+$0x12190];
	v13 =	vmul.f32 v56, v57;
	[tilespmem:s20+$0x12110] =	vst v9  }
0x212: {  	v63 =	vld [tilespmem:s20+$0x121A0];
	v14 =	vmul.f32 v58, v57;
	[tilespmem:s20+$0x12130] =	vst v11  }
0x213: {  	v20 =	vld [tilespmem:s20+$0x121B0];
	v12 =	vmul.f32 v54, v57;
	[tilespmem:s20+$0x12140] =	vst v13  }
0x214: {  	v21 =	vld [tilespmem:s20+$0x121C0];
	v22 =	vbroadcast v2, $0x6;
	v10 =	vmul.f32 v59, v57;
	[tilespmem:s20+$0x12150] =	vst v14  }
0x215: {  	v23 =	vld [tilespmem:s20+$0x121D0];
	v8 =	vmul.f32 v60, v57;
	[tilespmem:s20+$0x12120] =	vst v12  }
0x216: {  	v24 =	vld [tilespmem:s20+$0x121E0];
	v9 =	vmul.f32 v61, v22;
	[tilespmem:s20+$0x12160] =	vst v10  }
0x217: {  	v25 =	vld [tilespmem:s20+$0x121F0];
	v11 =	vmul.f32 v63, v22;
	[tilespmem:s20+$0x12170] =	vst v8  }
0x218: {  	v5 =	vld [tilespmem:s20+$0x12400];
	v13 =	vmul.f32 v20, v22;
	[tilespmem:s20+$0x12180] =	vst v9  }
0x219: {  	v27 =	vld [tilespmem:s20+$0x12210];
	v14 =	vmul.f32 v21, v22;
	[tilespmem:s20+$0x121A0] =	vst v11  }
0x21a: {  	v28 =	vld [tilespmem:s20+$0x12220];
	v12 =	vmul.f32 v62, v22;
	[tilespmem:s20+$0x121B0] =	vst v13  }
0x21b: {  	v29 =	vld [tilespmem:s20+$0x12230];
	v10 =	vmul.f32 v23, v22;
	[tilespmem:s20+$0x121C0] =	vst v14  }
0x21c: {  	v31 =	vbroadcast v2, $0x7;
	v53 =	vld [tilespmem:s20+$0x12380];
	v8 =	vmul.f32 v24, v22;
	[tilespmem:s20+$0x12190] =	vst v12  }
0x21d: {  	v58 =	vld [tilespmem:s20+$0x123D0];
	v9 =	vmul.f32 v25, v22;
	[tilespmem:s20+$0x121D0] =	vst v10  }
0x21e: {  	v26 =	vld [tilespmem:s20+$0x12200];
	v11 =	vmul.f32 v27, v31;
	[tilespmem:s20+$0x121E0] =	vst v8  }
0x21f: {  	v30 =	vld [tilespmem:s20+$0x12240];
	v13 =	vmul.f32 v28, v31;
	[tilespmem:s20+$0x121F0] =	vst v9  }
0x220: {  	v32 =	vld [tilespmem:s20+$0x12250];
	v14 =	vmul.f32 v29, v31;
	[tilespmem:s20+$0x12210] =	vst v11  }
0x221: {  	v33 =	vld [tilespmem:s20+$0x12260];
	v59 =	vmul.f32 v53, v6;
	[tilespmem:s20+$0x12220] =	vst v13  }
0x222: {  	v35 =	vld [tilespmem:s20+$0x12280];
	v21 =	vmul.f32 v58, v6;
	[tilespmem:s20+$0x12230] =	vst v14  }
0x223: {  	v36 =	vld [tilespmem:s20+$0x12290];
	v12 =	vmul.f32 v26, v31;
	[tilespmem:s20+$0x12380] =	vst v59  }
0x224: {  	v37 =	vld [tilespmem:s20+$0x122A0];
	v10 =	vmul.f32 v30, v31;
	[tilespmem:s20+$0x123D0] =	vst v21  }
0x225: {  	v7 =	vld [tilespmem:s20+$0x12410];
	v40 =	vbroadcast v2, $0x8;
	v8 =	vmul.f32 v32, v31;
	[tilespmem:s20+$0x12200] =	vst v12  }
0x226: {  	v34 =	vld [tilespmem:s20+$0x12270];
	v9 =	vmul.f32 v33, v31;
	[tilespmem:s20+$0x12240] =	vst v10  }
0x227: {  	v57 =	vld [tilespmem:s20+$0x123C0];
	v11 =	vmul.f32 v35, v40;
	[tilespmem:s20+$0x12250] =	vst v8  }
0x228: {  	v61 =	vld [tilespmem:s20+$0x11E80];
	v24 =	vbroadcast v2, $0xB;
	v13 =	vmul.f32 v36, v40;
	[tilespmem:s20+$0x12260] =	vst v9  }
0x229: {  	v4 =	vld [tilespmem:s20+$0x12650];
	v14 =	vmul.f32 v37, v40;
	[tilespmem:s20+$0x12280] =	vst v11  }
0x22a: {  	v38 =	vld [tilespmem:s20+$0x122B0];
	v5 =	vmul.f32 v5, v24;
	[tilespmem:s20+$0x12290] =	vst v13  }
0x22b: {  	v39 =	vld [tilespmem:s20+$0x122C0];
	v7 =	vmul.f32 v7, v24;
	[tilespmem:s20+$0x122A0] =	vst v14  }
0x22c: {  	v41 =	vld [tilespmem:s20+$0x122D0];
	v19 =	vmul.f32 v57, v6;
	[tilespmem:s20+$0x12400] =	vst v5  }
0x22d: {  	v43 =	vld [tilespmem:s20+$0x122F0];
	v25 =	vmul.f32 v3, v61;
	[tilespmem:s20+$0x12410] =	vst v7  }
0x22e: {  	v44 =	vld [tilespmem:s20+$0x12300];
	v12 =	vmul.f32 v34, v31;
	[tilespmem:s20+$0x123C0] =	vst v19  }
0x22f: {  	v45 =	vld [tilespmem:s20+$0x12310];
	v10 =	vmul.f32 v38, v40;
	[tilespmem:s20+$0x11E80] =	vst v25  }
0x230: {  	v27 =	vld [tilespmem:s20+$0x12450];
	v8 =	vmul.f32 v39, v40;
	[tilespmem:s20+$0x12270] =	vst v12  }
0x231: {  	v49 =	vbroadcast v2, $0x9;
	v29 =	vld [tilespmem:s20+$0x12470];
	v9 =	vmul.f32 v41, v40;
	[tilespmem:s20+$0x122B0] =	vst v10  }
0x232: {  	v42 =	vld [tilespmem:s20+$0x122E0];
	v11 =	vmul.f32 v43, v40;
	[tilespmem:s20+$0x122C0] =	vst v8  }
0x233: {  	v46 =	vld [tilespmem:s20+$0x12320];
	v13 =	vmul.f32 v44, v49;
	[tilespmem:s20+$0x122D0] =	vst v9  }
0x234: {  	v47 =	vld [tilespmem:s20+$0x12330];
	v14 =	vmul.f32 v45, v49;
	[tilespmem:s20+$0x122F0] =	vst v11  }
0x235: {  	v48 =	vld [tilespmem:s20+$0x12340];
	v32 =	vmul.f32 v27, v24;
	[tilespmem:s20+$0x12300] =	vst v13  }
0x236: {  	v51 =	vld [tilespmem:s20+$0x12360];
	v7 =	vmul.f32 v29, v24;
	[tilespmem:s20+$0x12310] =	vst v14  }
0x237: {  	v52 =	vld [tilespmem:s20+$0x12370];
	v12 =	vmul.f32 v42, v40;
	[tilespmem:s20+$0x12450] =	vst v32  }
0x238: {  	v10 =	vmul.f32 v46, v49;
	[tilespmem:s20+$0x12470] =	vst v7  }
0x239: {  	v28 =	vld [tilespmem:s20+$0x12460];
	v8 =	vmul.f32 v47, v49;
	[tilespmem:s20+$0x122E0] =	vst v12  }
0x23a: {  	v30 =	vld [tilespmem:s20+$0x12480];
	v9 =	vmul.f32 v48, v49;
	[tilespmem:s20+$0x12320] =	vst v10  }
0x23b: {  	v50 =	vld [tilespmem:s20+$0x12350];
	v5 =	vbroadcast v2, $0xF;
	v11 =	vmul.f32 v51, v49;
	[tilespmem:s20+$0x12330] =	vst v8  }
0x23c: {  	v54 =	vld [tilespmem:s20+$0x12390];
	v13 =	vmul.f32 v52, v49;
	[tilespmem:s20+$0x12340] =	vst v9  }
0x23d: {  	v55 =	vld [tilespmem:s20+$0x123A0];
	v35 =	vbroadcast v2, $0xC;
	v4 =	vmul.f32 v4, v5;
	[tilespmem:s20+$0x12360] =	vst v11  }
0x23e: {  	v56 =	vld [tilespmem:s20+$0x123B0];
	v40 =	vmul.f32 v28, v24;
	[tilespmem:s20+$0x12370] =	vst v13  }
0x23f: {  	v60 =	vld [tilespmem:s20+$0x123E0];
	v16 =	vmul.f32 v30, v35;
	[tilespmem:s20+$0x12650] =	vst v4  }
0x240: {  	v62 =	vld [tilespmem:s20+$0x11E90];
	v12 =	vmul.f32 v50, v49;
	[tilespmem:s20+$0x12460] =	vst v40  }
0x241: {  	v63 =	vld [tilespmem:s20+$0x11EC0];
	v10 =	vmul.f32 v54, v6;
	[tilespmem:s20+$0x12480] =	vst v16  }
0x242: {  	v20 =	vld [tilespmem:s20+$0x11ED0];
	v8 =	vmul.f32 v55, v6;
	[tilespmem:s20+$0x12350] =	vst v12  }
0x243: {  	v33 =	vld [tilespmem:s20+$0x124B0];
	v9 =	vmul.f32 v56, v6;
	[tilespmem:s20+$0x12390] =	vst v10  }
0x244: {  	v61 =	vld [tilespmem:s20+$0x12670];
	v6 =	vmul.f32 v60, v6;
	[tilespmem:s20+$0x123A0] =	vst v8  }
0x245: {  	v38 =	vld [tilespmem:s20+$0x124F0];
	v13 =	vmul.f32 v62, v3;
	[tilespmem:s20+$0x123B0] =	vst v9  }
0x246: {  	v22 =	vld [tilespmem:s20+$0x12420];
	v4 =	vmul.f32 v63, v3;
	[tilespmem:s20+$0x123E0] =	vst v6  }
0x247: {  	v23 =	vld [tilespmem:s20+$0x12430];
	v3 =	vmul.f32 v20, v3;
	[tilespmem:s20+$0x11E90] =	vst v13  }
0x248: {  	v26 =	vld [tilespmem:s20+$0x12440];
	v62 =	vmul.f32 v33, v35;
	[tilespmem:s20+$0x11EC0] =	vst v4  }
0x249: {  	v31 =	vld [tilespmem:s20+$0x12490];
	v63 =	vmul.f32 v61, v5;
	[tilespmem:s20+$0x11ED0] =	vst v3  }
0x24a: {  	v34 =	vld [tilespmem:s20+$0x124C0];
	v16 =	vmul.f32 v38, v35;
	[tilespmem:s20+$0x124B0] =	vst v62  }
0x24b: {  	v41 =	vld [tilespmem:s20+$0x12520];
	v8 =	vmul.f32 v22, v24;
	[tilespmem:s20+$0x12670] =	vst v63  }
0x24c: {  	v46 =	vld [tilespmem:s20+$0x12560];
	v9 =	vmul.f32 v23, v24;
	[tilespmem:s20+$0x124F0] =	vst v16  }
0x24d: {  	v6 =	vmul.f32 v26, v24;
	v3 =	vld [tilespmem:s20+$0x12510];
	[tilespmem:s20+$0x12420] =	vst v8  }
0x24e: {  	v36 =	vld [tilespmem:s20+$0x124D0];
	v44 =	vbroadcast v2, $0xD;
	v10 =	vmul.f32 v31, v35;
	[tilespmem:s20+$0x12430] =	vst v9  }
0x24f: {  	v37 =	vld [tilespmem:s20+$0x124E0];
	v13 =	vmul.f32 v34, v35;
	[tilespmem:s20+$0x12440] =	vst v6  }
0x250: {  	v39 =	vld [tilespmem:s20+$0x12500];
	v12 =	vmul.f32 v41, v44;
	[tilespmem:s20+$0x12490] =	vst v10  }
0x251: {  	v42 =	vld [tilespmem:s20+$0x12530];
	v51 =	vmul.f32 v46, v44;
	[tilespmem:s20+$0x124C0] =	vst v13  }
0x252: {  	v48 =	vld [tilespmem:s20+$0x12590];
	[tilespmem:s20+$0x12520] =	vst v12;
	v3 =	vmul.f32 v3, v44  }
0x253: {  	v49 =	vld [tilespmem:s20+$0x125A0];
	v9 =	vmul.f32 v36, v35;
	[tilespmem:s20+$0x12560] =	vst v51  }
0x254: {  	v6 =	vmul.f32 v37, v35;
	[tilespmem:s20+$0x12510] =	vst v3;
	v3 =	vld [tilespmem:s20+$0x12580]  }
0x255: {  	v2 =	vbroadcast v2, $0xE;
	v50 =	vld [tilespmem:s20+$0x125B0];
	v10 =	vmul.f32 v39, v44;
	[tilespmem:s20+$0x124D0] =	vst v9  }
0x256: {  	v45 =	vld [tilespmem:s20+$0x12550];
	v13 =	vmul.f32 v42, v44;
	[tilespmem:s20+$0x124E0] =	vst v6  }
0x257: {  	v47 =	vld [tilespmem:s20+$0x12570];
	v12 =	vmul.f32 v48, v2;
	[tilespmem:s20+$0x12500] =	vst v10  }
0x258: {  	v43 =	vld [tilespmem:s20+$0x12540];
	v11 =	vmul.f32 v49, v2;
	[tilespmem:s20+$0x12530] =	vst v13  }
0x259: {  	v55 =	vld [tilespmem:s20+$0x12600];
	[tilespmem:s20+$0x12590] =	vst v12;
	v3 =	vmul.f32 v3, v2  }
0x25a: {  	v57 =	vld [tilespmem:s20+$0x12620];
	v7 =	vmul.f32 v50, v2;
	[tilespmem:s20+$0x125A0] =	vst v11  }
0x25b: {  	v6 =	vmul.f32 v45, v44;
	[tilespmem:s20+$0x12580] =	vst v3;
	v3 =	vld [tilespmem:s20+$0x125F0]  }
0x25c: {  	v52 =	vld [tilespmem:s20+$0x125C0];
	v10 =	vmul.f32 v47, v44;
	[tilespmem:s20+$0x125B0] =	vst v7  }
0x25d: {  	v56 =	vld [tilespmem:s20+$0x12610];
	v9 =	vmul.f32 v43, v44;
	[tilespmem:s20+$0x12550] =	vst v6  }
0x25e: {  	v54 =	vld [tilespmem:s20+$0x125E0];
	v12 =	vmul.f32 v55, v5;
	[tilespmem:s20+$0x12570] =	vst v10  }
0x25f: {  	v58 =	vld [tilespmem:s20+$0x12630];
	v7 =	vmul.f32 v57, v5;
	[tilespmem:s20+$0x12540] =	vst v9  }
0x260: {  	v53 =	vld [tilespmem:s20+$0x125D0];
	[tilespmem:s20+$0x12600] =	vst v12;
	v3 =	vmul.f32 v3, v2  }
0x261: {  	v59 =	vld [tilespmem:s20+$0x12640];
	v6 =	vmul.f32 v52, v2;
	[tilespmem:s20+$0x12620] =	vst v7  }
0x262: {  	v60 =	vld [tilespmem:s20+$0x12660];
	[tilespmem:s20+$0x125F0] =	vst v3;
	v3 =	vmul.f32 v56, v5  }
0x263: {  	v10 =	vmul.f32 v54, v2;
	[tilespmem:s20+$0x125C0] =	vst v6  }
0x264: {  	v4 =	vld [tilespmem:s20+$0x124A0];
	[tilespmem:s20+$0x12610] =	vst v3;
	v3 =	vmul.f32 v58, v5  }
0x265: {  	[tilespmem:s20+$0x125E0] =	vst v10;
	v2 =	vmul.f32 v53, v2  }
0x266: {  	[tilespmem:s20+$0x12630] =	vst v3;
	v3 =	vmul.f32 v59, v5  }
0x267: {  	[tilespmem:s20+$0x125D0] =	vst v2;
	v5 =	vmul.f32 v60, v5  }
0x268: {  	[tilespmem:s20+$0x12640] =	vst v3  }
0x269: {  	s22 =	simm.s32 $0x1;
	v3 =	vmul.f32 v4, v35;
	[tilespmem:s20+$0x12660] =	vst v5  }
.LBB2_11:
0x26a: {  	s23 =	sshll.u32 s22, $0x4  }
0x26b: {  	p1 =	sne.s32 s22, $0x3;
	[tilespmem:s20+$0x124A0] =	vst v3;
	s20 =	smov.u32 s22;
	s22 =	sadd.s32 $0x1, s22  }
0x26c: {  	s23 =	sand.u32 $0x3FFFFFF0, s23  }
0x26d: {  	v2 =	vld.idx.msk [tilespmem:v1+s23+$0x0 ss:$0x1], $0xffff  }
0x26e: {  	s20 =	sshll.u32 s20, $0xB  }
0x26f: {  	s20 =	sand.u32 $0x3FFFF800, s20  }
0x270: {  	v9 =	vld [tilespmem:s20+$0x11F40]  }
0x271: {  	v10 =	vld [tilespmem:s20+$0x11F50]  }
0x272: {  	v11 =	vld [tilespmem:s20+$0x11F30]  }
0x273: {  	v3 =	vbroadcast v2, $0x0;
	v8 =	vbroadcast v2, $0x4;
	v4 =	vld [tilespmem:s20+$0x11EA0]  }
0x274: {  	v6 =	vld [tilespmem:s20+$0x11EB0]  }
0x275: {  	v7 =	vld [tilespmem:s20+$0x123F0]  }
0x276: {  	v12 =	vld [tilespmem:s20+$0x11EE0]  }
0x277: {  	v13 =	vld [tilespmem:s20+$0x11EF0]  }
0x278: {  	v5 =	vbroadcast v2, $0xA;
	v4 =	vmul.f32 v4, v3;
	v14 =	vld [tilespmem:s20+$0x11F00]  }
0x279: {  	v6 =	vmul.f32 v6, v3;
	v15 =	vld [tilespmem:s20+$0x11F10]  }
0x27a: {  	[tilespmem:s20+$0x11EA0] =	vst v4;
	v16 =	vld [tilespmem:s20+$0x11F20];
	v4 =	vmul.f32 v7, v5  }
0x27b: {  	[tilespmem:s20+$0x11EB0] =	vst v6;
	v7 =	vmul.f32 v12, v3;
	v12 =	vbroadcast v2, $0x1;
	v6 =	vld [tilespmem:s20+$0x12400]  }
0x27c: {  	v13 =	vmul.f32 v13, v3;
	[tilespmem:s20+$0x123F0] =	vst v4;
	v4 =	vld [tilespmem:s20+$0x12650]  }
0x27d: {  	[tilespmem:s20+$0x11EE0] =	vst v7;
	v14 =	vmul.f32 v14, v12;
	v7 =	vld [tilespmem:s20+$0x12410]  }
0x27e: {  	[tilespmem:s20+$0x11EF0] =	vst v13;
	v13 =	vmul.f32 v15, v12;
	v15 =	vld [tilespmem:s20+$0x11F60]  }
0x27f: {  	[tilespmem:s20+$0x11F00] =	vst v14;
	v14 =	vmul.f32 v16, v12;
	v16 =	vld [tilespmem:s20+$0x11F70]  }
0x280: {  	v11 =	vmul.f32 v11, v12;
	[tilespmem:s20+$0x11F10] =	vst v13;
	v13 =	vld [tilespmem:s20+$0x11F80]  }
0x281: {  	v9 =	vmul.f32 v9, v12;
	[tilespmem:s20+$0x11F20] =	vst v14;
	v14 =	vld [tilespmem:s20+$0x11F90]  }
0x282: {  	v10 =	vmul.f32 v10, v12;
	[tilespmem:s20+$0x11F30] =	vst v11;
	v11 =	vld [tilespmem:s20+$0x11FA0]  }
0x283: {  	[tilespmem:s20+$0x11F40] =	vst v9;
	v9 =	vmul.f32 v15, v12;
	v15 =	vbroadcast v2, $0x2;
	v17 =	vld [tilespmem:s20+$0x11FB0]  }
0x284: {  	[tilespmem:s20+$0x11F50] =	vst v10;
	v10 =	vmul.f32 v16, v12;
	v12 =	vld [tilespmem:s20+$0x11FC0]  }
0x285: {  	[tilespmem:s20+$0x11F60] =	vst v9;
	v9 =	vmul.f32 v13, v15;
	v13 =	vld [tilespmem:s20+$0x11FD0]  }
0x286: {  	[tilespmem:s20+$0x11F70] =	vst v10;
	v10 =	vmul.f32 v14, v15;
	v14 =	vld [tilespmem:s20+$0x11FE0]  }
0x287: {  	[tilespmem:s20+$0x11F80] =	vst v9;
	v9 =	vmul.f32 v11, v15;
	v11 =	vld [tilespmem:s20+$0x11FF0]  }
0x288: {  	[tilespmem:s20+$0x11F90] =	vst v10;
	v10 =	vmul.f32 v17, v15;
	v16 =	vld [tilespmem:s20+$0x12000]  }
0x289: {  	[tilespmem:s20+$0x11FA0] =	vst v9;
	v9 =	vmul.f32 v12, v15;
	v12 =	vld [tilespmem:s20+$0x12010]  }
0x28a: {  	[tilespmem:s20+$0x11FB0] =	vst v10;
	v10 =	vmul.f32 v13, v15;
	v13 =	vld [tilespmem:s20+$0x12020]  }
0x28b: {  	[tilespmem:s20+$0x11FC0] =	vst v9;
	v9 =	vmul.f32 v14, v15;
	v14 =	vbroadcast v2, $0x3;
	v17 =	vld [tilespmem:s20+$0x12030]  }
0x28c: {  	[tilespmem:s20+$0x11FD0] =	vst v10;
	v10 =	vmul.f32 v11, v15;
	v11 =	vld [tilespmem:s20+$0x12040]  }
0x28d: {  	[tilespmem:s20+$0x11FE0] =	vst v9;
	v9 =	vmul.f32 v16, v14;
	v15 =	vld [tilespmem:s20+$0x12050]  }
0x28e: {  	[tilespmem:s20+$0x11FF0] =	vst v10;
	v10 =	vmul.f32 v12, v14;
	v12 =	vld [tilespmem:s20+$0x12060]  }
0x28f: {  	[tilespmem:s20+$0x12000] =	vst v9;
	v9 =	vmul.f32 v13, v14;
	v13 =	vld [tilespmem:s20+$0x12070]  }
0x290: {  	[tilespmem:s20+$0x12010] =	vst v10;
	v10 =	vmul.f32 v17, v14;
	v16 =	vld [tilespmem:s20+$0x12080]  }
0x291: {  	[tilespmem:s20+$0x12020] =	vst v9;
	v9 =	vmul.f32 v11, v14;
	v11 =	vld [tilespmem:s20+$0x12090]  }
0x292: {  	[tilespmem:s20+$0x12030] =	vst v10;
	v10 =	vmul.f32 v15, v14;
	v15 =	vld [tilespmem:s20+$0x120A0]  }
0x293: {  	[tilespmem:s20+$0x12040] =	vst v9;
	v9 =	vmul.f32 v12, v14;
	v12 =	vld [tilespmem:s20+$0x120B0]  }
0x294: {  	[tilespmem:s20+$0x12050] =	vst v10;
	v10 =	vmul.f32 v13, v14;
	v13 =	vld [tilespmem:s20+$0x120C0]  }
0x295: {  	[tilespmem:s20+$0x12060] =	vst v9;
	v9 =	vmul.f32 v16, v8;
	v14 =	vld [tilespmem:s20+$0x120D0]  }
0x296: {  	[tilespmem:s20+$0x12070] =	vst v10;
	v10 =	vmul.f32 v11, v8;
	v11 =	vld [tilespmem:s20+$0x120E0]  }
0x297: {  	[tilespmem:s20+$0x12080] =	vst v9;
	v9 =	vmul.f32 v15, v8;
	v15 =	vld [tilespmem:s20+$0x120F0]  }
0x298: {  	[tilespmem:s20+$0x12090] =	vst v10;
	v10 =	vmul.f32 v12, v8;
	v12 =	vld [tilespmem:s20+$0x12100]  }
0x299: {  	[tilespmem:s20+$0x120A0] =	vst v9;
	v9 =	vmul.f32 v13, v8;
	v13 =	vld [tilespmem:s20+$0x12110]  }
0x29a: {  	[tilespmem:s20+$0x120B0] =	vst v10;
	v10 =	vmul.f32 v14, v8;
	v14 =	vld [tilespmem:s20+$0x12120]  }
0x29b: {  	[tilespmem:s20+$0x120C0] =	vst v9;
	v9 =	vmul.f32 v11, v8;
	v11 =	vbroadcast v2, $0x5;
	v16 =	vld [tilespmem:s20+$0x12130]  }
0x29c: {  	[tilespmem:s20+$0x120D0] =	vst v10;
	v8 =	vmul.f32 v15, v8;
	v10 =	vld [tilespmem:s20+$0x12140]  }
0x29d: {  	[tilespmem:s20+$0x120E0] =	vst v9;
	v9 =	vmul.f32 v12, v11;
	v12 =	vld [tilespmem:s20+$0x12150]  }
0x29e: {  	[tilespmem:s20+$0x120F0] =	vst v8;
	v8 =	vmul.f32 v13, v11;
	v13 =	vld [tilespmem:s20+$0x12160]  }
0x29f: {  	[tilespmem:s20+$0x12100] =	vst v9;
	v9 =	vmul.f32 v14, v11;
	v14 =	vld [tilespmem:s20+$0x12170]  }
0x2a0: {  	[tilespmem:s20+$0x12110] =	vst v8;
	v8 =	vmul.f32 v16, v11;
	v15 =	vld [tilespmem:s20+$0x12180]  }
0x2a1: {  	[tilespmem:s20+$0x12120] =	vst v9;
	v9 =	vmul.f32 v10, v11;
	v10 =	vld [tilespmem:s20+$0x12190]  }
0x2a2: {  	[tilespmem:s20+$0x12130] =	vst v8;
	v8 =	vmul.f32 v12, v11;
	v12 =	vld [tilespmem:s20+$0x121A0]  }
0x2a3: {  	[tilespmem:s20+$0x12140] =	vst v9;
	v9 =	vmul.f32 v13, v11;
	v13 =	vbroadcast v2, $0x6;
	v16 =	vld [tilespmem:s20+$0x121B0]  }
0x2a4: {  	[tilespmem:s20+$0x12150] =	vst v8;
	v8 =	vmul.f32 v14, v11;
	v11 =	vld [tilespmem:s20+$0x121C0]  }
0x2a5: {  	[tilespmem:s20+$0x12160] =	vst v9;
	v9 =	vmul.f32 v15, v13;
	v14 =	vld [tilespmem:s20+$0x121D0]  }
0x2a6: {  	[tilespmem:s20+$0x12170] =	vst v8;
	v8 =	vmul.f32 v10, v13;
	v10 =	vld [tilespmem:s20+$0x121E0]  }
0x2a7: {  	[tilespmem:s20+$0x12180] =	vst v9;
	v9 =	vmul.f32 v12, v13;
	v12 =	vld [tilespmem:s20+$0x121F0]  }
0x2a8: {  	[tilespmem:s20+$0x12190] =	vst v8;
	v8 =	vmul.f32 v16, v13;
	v15 =	vld [tilespmem:s20+$0x12200]  }
0x2a9: {  	[tilespmem:s20+$0x121A0] =	vst v9;
	v9 =	vmul.f32 v11, v13;
	v11 =	vld [tilespmem:s20+$0x12210]  }
0x2aa: {  	[tilespmem:s20+$0x121B0] =	vst v8;
	v8 =	vmul.f32 v14, v13;
	v14 =	vld [tilespmem:s20+$0x12220]  }
0x2ab: {  	[tilespmem:s20+$0x121C0] =	vst v9;
	v9 =	vmul.f32 v10, v13;
	v10 =	vbroadcast v2, $0x7;
	v16 =	vld [tilespmem:s20+$0x12230]  }
0x2ac: {  	[tilespmem:s20+$0x121D0] =	vst v8;
	v8 =	vmul.f32 v12, v13;
	v12 =	vld [tilespmem:s20+$0x12240]  }
0x2ad: {  	[tilespmem:s20+$0x121E0] =	vst v9;
	v9 =	vmul.f32 v15, v10;
	v13 =	vld [tilespmem:s20+$0x12250]  }
0x2ae: {  	[tilespmem:s20+$0x121F0] =	vst v8;
	v8 =	vmul.f32 v11, v10;
	v11 =	vld [tilespmem:s20+$0x12260]  }
0x2af: {  	[tilespmem:s20+$0x12200] =	vst v9;
	v9 =	vmul.f32 v14, v10;
	v14 =	vld [tilespmem:s20+$0x12270]  }
0x2b0: {  	[tilespmem:s20+$0x12210] =	vst v8;
	v8 =	vmul.f32 v16, v10;
	v15 =	vld [tilespmem:s20+$0x12280]  }
0x2b1: {  	[tilespmem:s20+$0x12220] =	vst v9;
	v9 =	vmul.f32 v12, v10;
	v12 =	vld [tilespmem:s20+$0x12290]  }
0x2b2: {  	[tilespmem:s20+$0x12230] =	vst v8;
	v8 =	vmul.f32 v13, v10;
	v13 =	vld [tilespmem:s20+$0x122A0]  }
0x2b3: {  	[tilespmem:s20+$0x12240] =	vst v9;
	v9 =	vmul.f32 v11, v10;
	v11 =	vbroadcast v2, $0x8;
	v16 =	vld [tilespmem:s20+$0x122B0]  }
0x2b4: {  	[tilespmem:s20+$0x12250] =	vst v8;
	v8 =	vmul.f32 v14, v10;
	v10 =	vld [tilespmem:s20+$0x122C0]  }
0x2b5: {  	[tilespmem:s20+$0x12260] =	vst v9;
	v9 =	vmul.f32 v15, v11;
	v14 =	vld [tilespmem:s20+$0x122D0]  }
0x2b6: {  	[tilespmem:s20+$0x12270] =	vst v8;
	v8 =	vmul.f32 v12, v11;
	v12 =	vld [tilespmem:s20+$0x122E0]  }
0x2b7: {  	[tilespmem:s20+$0x12280] =	vst v9;
	v9 =	vmul.f32 v13, v11;
	v13 =	vld [tilespmem:s20+$0x122F0]  }
0x2b8: {  	[tilespmem:s20+$0x12290] =	vst v8;
	v8 =	vmul.f32 v16, v11;
	v15 =	vld [tilespmem:s20+$0x12300]  }
0x2b9: {  	[tilespmem:s20+$0x122A0] =	vst v9;
	v9 =	vmul.f32 v10, v11;
	v10 =	vld [tilespmem:s20+$0x12310]  }
0x2ba: {  	[tilespmem:s20+$0x122B0] =	vst v8;
	v8 =	vmul.f32 v14, v11;
	v14 =	vld [tilespmem:s20+$0x12320]  }
0x2bb: {  	[tilespmem:s20+$0x122C0] =	vst v9;
	v9 =	vmul.f32 v12, v11;
	v12 =	vbroadcast v2, $0x9;
	v16 =	vld [tilespmem:s20+$0x12330]  }
0x2bc: {  	[tilespmem:s20+$0x122D0] =	vst v8;
	v8 =	vmul.f32 v13, v11;
	v11 =	vld [tilespmem:s20+$0x12340]  }
0x2bd: {  	[tilespmem:s20+$0x122E0] =	vst v9;
	v9 =	vmul.f32 v15, v12;
	v13 =	vld [tilespmem:s20+$0x12350]  }
0x2be: {  	[tilespmem:s20+$0x122F0] =	vst v8;
	v8 =	vmul.f32 v10, v12;
	v10 =	vld [tilespmem:s20+$0x12360]  }
0x2bf: {  	[tilespmem:s20+$0x12300] =	vst v9;
	v9 =	vmul.f32 v14, v12;
	v14 =	vld [tilespmem:s20+$0x12370]  }
0x2c0: {  	[tilespmem:s20+$0x12310] =	vst v8;
	v8 =	vmul.f32 v16, v12;
	v15 =	vld [tilespmem:s20+$0x12380]  }
0x2c1: {  	[tilespmem:s20+$0x12320] =	vst v9;
	v9 =	vmul.f32 v11, v12;
	v11 =	vld [tilespmem:s20+$0x12390]  }
0x2c2: {  	[tilespmem:s20+$0x12330] =	vst v8;
	v8 =	vmul.f32 v13, v12;
	v13 =	vld [tilespmem:s20+$0x123A0]  }
0x2c3: {  	[tilespmem:s20+$0x12340] =	vst v9;
	v9 =	vmul.f32 v10, v12;
	v10 =	vld [tilespmem:s20+$0x123B0]  }
0x2c4: {  	[tilespmem:s20+$0x12350] =	vst v8;
	v8 =	vmul.f32 v14, v12;
	v12 =	vld [tilespmem:s20+$0x123C0]  }
0x2c5: {  	[tilespmem:s20+$0x12360] =	vst v9;
	v9 =	vmul.f32 v15, v5;
	v14 =	vld [tilespmem:s20+$0x123D0]  }
0x2c6: {  	[tilespmem:s20+$0x12370] =	vst v8;
	v8 =	vmul.f32 v11, v5;
	v11 =	vld [tilespmem:s20+$0x123E0]  }
0x2c7: {  	v15 =	vld [tilespmem:s20+$0x11E80];
	[tilespmem:s20+$0x12380] =	vst v9;
	v9 =	vmul.f32 v13, v5  }
0x2c8: {  	v13 =	vld [tilespmem:s20+$0x11E90];
	[tilespmem:s20+$0x12390] =	vst v8;
	v8 =	vmul.f32 v10, v5  }
0x2c9: {  	v10 =	vld [tilespmem:s20+$0x11EC0];
	[tilespmem:s20+$0x123A0] =	vst v9;
	v9 =	vmul.f32 v12, v5  }
0x2ca: {  	v12 =	vld [tilespmem:s20+$0x11ED0];
	[tilespmem:s20+$0x123B0] =	vst v8;
	v8 =	vmul.f32 v14, v5  }
0x2cb: {  	[tilespmem:s20+$0x123C0] =	vst v9;
	v9 =	vmul.f32 v11, v5;
	v11 =	vbroadcast v2, $0xB;
	v14 =	vld [tilespmem:s20+$0x12420]  }
0x2cc: {  	v5 =	vbroadcast v2, $0xF;
	v15 =	vmul.f32 v3, v15;
	[tilespmem:s20+$0x123D0] =	vst v8;
	v8 =	vld [tilespmem:s20+$0x12430]  }
0x2cd: {  	v13 =	vmul.f32 v13, v3;
	[tilespmem:s20+$0x123E0] =	vst v9;
	v6 =	vmul.f32 v6, v11;
	v9 =	vld [tilespmem:s20+$0x12440]  }
0x2ce: {  	v7 =	vmul.f32 v7, v11;
	[tilespmem:s20+$0x11E80] =	vst v15;
	v10 =	vmul.f32 v10, v3;
	v15 =	vld [tilespmem:s20+$0x12450]  }
0x2cf: {  	v4 =	vmul.f32 v4, v5;
	v12 =	vmul.f32 v12, v3;
	[tilespmem:s20+$0x12400] =	vst v6;
	v3 =	vld [tilespmem:s20+$0x12460]  }
0x2d0: {  	[tilespmem:s20+$0x12410] =	vst v7;
	v6 =	vmul.f32 v14, v11;
	v7 =	vld [tilespmem:s20+$0x12470]  }
0x2d1: {  	v8 =	vmul.f32 v8, v11;
	v14 =	vld [tilespmem:s20+$0x12480];
	[tilespmem:s20+$0x12650] =	vst v4  }
0x2d2: {  	[tilespmem:s20+$0x11E90] =	vst v13;
	v4 =	vmul.f32 v9, v11;
	v9 =	vld [tilespmem:s20+$0x12490]  }
0x2d3: {  	[tilespmem:s20+$0x11EC0] =	vst v10;
	v10 =	vmul.f32 v15, v11;
	v13 =	vld [tilespmem:s20+$0x124A0]  }
0x2d4: {  	v15 =	vbroadcast v2, $0xC;
	[tilespmem:s20+$0x12420] =	vst v6;
	v6 =	vmul.f32 v3, v11;
	v16 =	vld [tilespmem:s20+$0x124B0]  }
0x2d5: {  	[tilespmem:s20+$0x12450] =	vst v10;
	v7 =	vmul.f32 v7, v11;
	v10 =	vld [tilespmem:s20+$0x124C0]  }
0x2d6: {  	[tilespmem:s20+$0x12430] =	vst v8;
	v3 =	vmul.f32 v14, v15;
	v8 =	vld [tilespmem:s20+$0x124D0]  }
0x2d7: {  	[tilespmem:s20+$0x12440] =	vst v4;
	v4 =	vmul.f32 v9, v15;
	v9 =	vld [tilespmem:s20+$0x124E0]  }
0x2d8: {  	[tilespmem:s20+$0x12480] =	vst v3;
	v3 =	vmul.f32 v13, v15;
	v11 =	vld [tilespmem:s20+$0x124F0]  }
0x2d9: {  	[tilespmem:s20+$0x12490] =	vst v4;
	v4 =	vld [tilespmem:s20+$0x12500]  }
0x2da: {  	[tilespmem:s20+$0x11ED0] =	vst v12;
	v10 =	vmul.f32 v10, v15;
	v12 =	vld [tilespmem:s20+$0x12510]  }
0x2db: {  	[tilespmem:s20+$0x12460] =	vst v6;
	v6 =	vmul.f32 v8, v15;
	v8 =	vld [tilespmem:s20+$0x12520]  }
0x2dc: {  	[tilespmem:s20+$0x124C0] =	vst v10;
	v9 =	vmul.f32 v9, v15;
	v10 =	vbroadcast v2, $0xD;
	v13 =	vld [tilespmem:s20+$0x12530]  }
0x2dd: {  	[tilespmem:s20+$0x124D0] =	vst v6;
	v6 =	vmul.f32 v11, v15;
	v11 =	vld [tilespmem:s20+$0x12540]  }
0x2de: {  	[tilespmem:s20+$0x124E0] =	vst v9;
	v4 =	vmul.f32 v4, v10;
	v9 =	vld [tilespmem:s20+$0x12550]  }
0x2df: {  	[tilespmem:s20+$0x124F0] =	vst v6;
	v6 =	vmul.f32 v12, v10;
	v12 =	vld [tilespmem:s20+$0x12560]  }
0x2e0: {  	[tilespmem:s20+$0x12500] =	vst v4;
	v4 =	vmul.f32 v8, v10;
	v8 =	vld [tilespmem:s20+$0x12570]  }
0x2e1: {  	[tilespmem:s20+$0x12510] =	vst v6;
	v6 =	vmul.f32 v13, v10;
	v13 =	vld [tilespmem:s20+$0x12580]  }
0x2e2: {  	[tilespmem:s20+$0x12520] =	vst v4;
	v4 =	vmul.f32 v11, v10;
	v11 =	vld [tilespmem:s20+$0x12590]  }
0x2e3: {  	[tilespmem:s20+$0x12530] =	vst v6;
	v6 =	vmul.f32 v9, v10;
	v9 =	vld [tilespmem:s20+$0x125A0]  }
0x2e4: {  	v2 =	vbroadcast v2, $0xE;
	[tilespmem:s20+$0x12470] =	vst v7;
	v7 =	vmul.f32 v12, v10;
	v12 =	vld [tilespmem:s20+$0x125B0]  }
0x2e5: {  	[tilespmem:s20+$0x12550] =	vst v6;
	v6 =	vmul.f32 v8, v10;
	v8 =	vld [tilespmem:s20+$0x125C0]  }
0x2e6: {  	[tilespmem:s20+$0x12560] =	vst v7;
	v7 =	vmul.f32 v13, v2;
	v10 =	vld [tilespmem:s20+$0x125D0]  }
0x2e7: {  	[tilespmem:s20+$0x12570] =	vst v6;
	v6 =	vmul.f32 v11, v2;
	v11 =	vld [tilespmem:s20+$0x125E0]  }
0x2e8: {  	[tilespmem:s20+$0x12580] =	vst v7;
	v7 =	vmul.f32 v9, v2;
	v9 =	vld [tilespmem:s20+$0x125F0]  }
0x2e9: {  	[tilespmem:s20+$0x12590] =	vst v6;
	v6 =	vmul.f32 v12, v2;
	v12 =	vld [tilespmem:s20+$0x12600]  }
0x2ea: {  	[tilespmem:s20+$0x125A0] =	vst v7;
	v7 =	vmul.f32 v8, v2;
	v8 =	vld [tilespmem:s20+$0x12610]  }
0x2eb: {  	[tilespmem:s20+$0x125B0] =	vst v6;
	v6 =	vmul.f32 v10, v2;
	v10 =	vld [tilespmem:s20+$0x12620]  }
0x2ec: {  	[tilespmem:s20+$0x125C0] =	vst v7;
	v7 =	vmul.f32 v11, v2;
	v11 =	vld [tilespmem:s20+$0x12630]  }
0x2ed: {  	[tilespmem:s20+$0x12540] =	vst v4;
	v2 =	vmul.f32 v9, v2;
	v4 =	vld [tilespmem:s20+$0x12640]  }
0x2ee: {  	[tilespmem:s20+$0x125E0] =	vst v7;
	v7 =	vmul.f32 v12, v5;
	v9 =	vld [tilespmem:s20+$0x12660]  }
0x2ef: {  	[tilespmem:s20+$0x125F0] =	vst v2;
	v2 =	vmul.f32 v8, v5;
	v8 =	vld [tilespmem:s20+$0x12670]  }
0x2f0: {  	[tilespmem:s20+$0x12600] =	vst v7;
	v7 =	vmul.f32 v10, v5  }
0x2f1: {  	[tilespmem:s20+$0x12610] =	vst v2;
	v2 =	vmul.f32 v11, v5  }
0x2f2: {  	v10 =	vmul.f32 v16, v15;
	[tilespmem:s20+$0x12620] =	vst v7  }
0x2f3: {  	[tilespmem:s20+$0x12630] =	vst v2;
	v2 =	vmul.f32 v4, v5  }
.Ltmp4:
0x2f4: {  	[tilespmem:s20+$0x124B0] =	vst v10;
	v4 =	vmul.f32 v8, v5;
	(pc) =	sbr.rel @p1 .LBB2_11-.Ltmp4, $4  }
0x2f5: {  	[tilespmem:s20+$0x12640] =	vst v2  }
0x2f6: {  	v2 =	vmul.f32 v9, v5;
	[tilespmem:s20+$0x12670] =	vst v4  }
0x2f7: {  	[tilespmem:s20+$0x125D0] =	vst v6  }
0x2f8: {  	[tilespmem:s20+$0x12660] =	vst v2  }
0x2f9: {  	s18 =	sadd.s32 $0x1, s18  }
0x2fa: {  	p1 =	sne.s32 s18, $0x5  }
.Ltmp5:
0x2fb: {  	[tilespmem:s20+$0x124A0] =	vst v3;
	s19 =	sadd.s32 s2, s19;
	(pc) =	sbr.rel @p1 .LBB2_10-.Ltmp5, $4  }
0x2fc: {  	[hbm4b:s19+s4] =	stream.linear.scatter [tilespmem:s16], [sflag:$0x1], $0x2000, $0x38;
	[tilespmem:$0x13E80] =	vst v63  }
0x2fd: {  	_ =	swait.ge [sflag:s14], $0x2000  }
0x2fe: {  	[sflag:s14] =	ssyncset.done $0x0  }
0x2ff: {  	[sflag:s14] =	ssyncadd.s32 $0xFFFFE000  }
0x300: {  	s17 =	sadd.s32 $0x1, s17;
	s18 =	rddreg [dreg:$0x1a]  }
0x301: {  	p1 =	sne.s32 s17, s18  }
.Ltmp6:
0x302: {  	_ = 	snop;
	(pc) =	sbr.rel @p1 .LBB2_1-.Ltmp6, $1  }
0x303: {  	_ =	sdelay $0x3  }
0x304: {  	_ =	sfence.sel $0x180000  }
0x305: {  	[bflag:$0x0] =	sbarrier.arrive $0xFFFF  }
0x306: {  	_ =	strace $0x90000047  }
0x307: {  	s0 =	stileid.u32;
	[bflag:$0x2] =	sbarrier.arrive $0xFFFF  }
0x308: {  	p0 =	sne.s32 s0, $0x0;
	s0 =	rddreg [dreg:$0x7]  }
0x309: {  	s0 =	sadd.s32 @!p0 $0x100000, s0  }
0x30a: {  	[sflag:s0] =	ssyncadd.tile.s32 @!p0 $0x1;
	_ =	shalt  }
.Lfunc_end2:
_tile_overlayer_lowered:
.L_overlay_start_2:
0x30b: {  	(tag) =	ssettag $0x2  }
0x30c: {  	s0 =	rddreg [dreg:$0x0];
	s2 =	stileid.u32  }
0x30d: {  	s1 =	rddreg [dreg:$0x1];
	p0 =	sne.s32 s2, $0x0  }
0x30e: {  	s3 =	rddreg [dreg:$0x2];
	[bflag:$0x3] =	sbarrier.arrive $0xFFFF;
	s2 =	simm.s32 @!p0 $0x1C01  }
0x30f: {  	[timem:s3], [sflag:s2] =	dma.local @!p0 [hbm:s0], s1  }
0x310: {  	s0 =	simm.s32 @!p0 $0x1  }
0x311: {  	_ =	swait.ge @!p0 [sflag:s0], s1  }
0x312: {  	s1 =	ssub.s32 @!p0 $0x0, s1;
	[sflag:s0] =	ssyncset.done @!p0 $0x0  }
0x313: {  	[sflag:s0] =	ssyncadd.s32 @!p0 s1  }
0x314: {  	[bflag:$0x3] =	sbarrier.arrive $0xFFFF  }
0x315: {  	_ =	shalt  }

</sc_bundles>
